<compile_context>
chip_gen: v7x
topology: tpu7x:2x2x1
jax: 0.10.2.dev20260603
libtpu: 0.0.44.dev20260713+nightly
codegen_flags: <defaults>
</compile_context>

<pallas_src>
import functools

import jax
import jax.numpy as jnp
import numpy as np
from jax import lax
from jax.experimental import pallas as pl
from jax.experimental.pallas import tpu as pltpu
from jax.experimental.pallas import tpu_sc as plsc

_NC = 2
_NS = 16
_L = 16
_NW = _NC * _NS

_NBUF = 8


def _make_pool(B, D, H, HALF):
    HW = H // _NW
    RW = HW // 2
    mesh = plsc.VectorSubcoreMesh(core_axis_name="c", subcore_axis_name="s")

    @functools.partial(
        pl.kernel,
        mesh=mesh,
        out_type=jax.ShapeDtypeStruct((B, D), jnp.float32),
        compiler_params=pltpu.CompilerParams(
            use_tc_tiling_on_sc=False, needs_layout_passes=False
        ),
        scratch_types=[
            pltpu.VMEM((HW, HALF), jnp.int32),
            pltpu.VMEM((_NBUF, HALF, D), jnp.bfloat16),
            pltpu.VMEM((RW, D), jnp.float32),
            pltpu.SemaphoreType.DMA,
            pltpu.SemaphoreType.DMA,
            pltpu.SemaphoreType.DMA,
            pltpu.SemaphoreType.DMA,
            pltpu.SemaphoreType.DMA,
            pltpu.SemaphoreType.DMA,
            pltpu.SemaphoreType.DMA,
            pltpu.SemaphoreType.DMA,
        ],
    )
    def pool(idx_hbm, table_hbm, out_hbm, idx_v, rows_v, out_v, *sems):
        wid = lax.axis_index("s") * _NC + lax.axis_index("c")
        pltpu.sync_copy(idx_hbm.at[pl.ds(wid * HW, HW)], idx_v)

        def start(h, slot):
            pltpu.async_copy(
                table_hbm.at[idx_v.at[h]], rows_v.at[slot], sems[slot]
            )

        def wait(slot):
            pltpu.make_async_copy(
                table_hbm.at[idx_v.at[0]], rows_v.at[slot], sems[slot]
            ).wait()

        def reduce_half(slot):
            def inner(i, acc):
                out = list(acc)
                for u in range(4):
                    s = i * 4 + u
                    for k in range(D // (2 * _L)):
                        ab = rows_v[slot, s, pl.ds(k * 2 * _L, 2 * _L)]
                        a, c = plsc.unpack(
                            ab,
                            format=plsc.PackFormat.INTERLEAVED,
                            preferred_element_type=jnp.float32,
                        )
                        out[2 * k] = out[2 * k] + a
                        out[2 * k + 1] = out[2 * k + 1] + c
                return tuple(out)

            z = jnp.zeros((_L,), jnp.float32)
            return lax.fori_loop(0, HALF // 4, inner, (z,) * (D // _L))

        for slot in range(_NBUF):
            start(slot, slot)

        def body(i, carry):
            acc_even = None
            for slot in range(_NBUF):
                h = _NBUF * i + slot
                wait(slot)
                acc = reduce_half(slot)
                if slot % 2 == 0:
                    acc_even = acc
                else:
                    r = (_NBUF // 2) * i + slot // 2
                    for v in range(D // _L):
                        out_v[r, pl.ds(v * _L, _L)] = acc_even[v] + acc[v]

                @pl.when(h + _NBUF < HW)
                def _():
                    start(h + _NBUF, slot)
            return carry

        lax.fori_loop(0, HW // _NBUF, body, 0)
        pltpu.sync_copy(out_v, out_hbm.at[pl.ds(wid * RW, RW)])

    return pool


def _head_body(x_ref, w_ref, b_ref, o_ref, *, inv_seq):
    x = x_ref[...]
    w = w_ref[...]
    logits = (
        jnp.dot(x, w, preferred_element_type=jnp.float32) * inv_seq
        + b_ref[...]
    )
    m = jnp.max(logits, axis=1, keepdims=True)
    e = jnp.exp(logits - m)
    lse = m + jnp.log(jnp.sum(e, axis=1, keepdims=True))
    o_ref[...] = logits - lse


def kernel(text, table, W, b):
    B, S = text.shape
    V, D = table.shape
    C = W.shape[0]

    half = S // 2
    half_pad = ((half + 7) // 8) * 8
    idx2 = text.astype(jnp.int32).reshape(B * 2, half)
    idx2 = jnp.pad(idx2, ((0, 0), (0, half_pad - half)))

    pooled_sum = _make_pool(B, D, B * 2, half_pad)(
        idx2, table.astype(jnp.bfloat16)
    )

    perm = np.concatenate(
        [
            np.concatenate([g + np.arange(0, 32, 2), g + np.arange(1, 32, 2)])
            for g in range(0, D, 32)
        ]
    )
    wt = W.T[perm, :].astype(jnp.float32)

    head = pl.pallas_call(
        functools.partial(_head_body, inv_seq=1.0 / S),
        out_shape=jax.ShapeDtypeStruct((B, C), jnp.float32),
    )
    return head(pooled_sum, wt, b.reshape(1, C))

# --- scband reference (transcript-rebuilt; emitter-appended) ---
"""Pipeline reference for scband-rnn-imdb-41686952575601 (READ-ONLY COPY).

The authoritative reference and input builder live on the scoring server;
editing this copy changes nothing except your own understanding.
"""

import jax, jax.numpy as jnp
import numpy as np

VOCAB = 1000000
EMBED_DIM = 64
CLASS_NUM = 2
PAD_IDX = 0
BATCH = 4096
SEQ = 200


def setup_inputs(seed: int = 0) -> dict:
    key = jax.random.key(seed)
    k1, k2, k3 = jax.random.split(key, 3)
    text = jax.random.randint(k1, (BATCH, SEQ), 0, VOCAB)
    table = jax.random.normal(k2, (VOCAB, EMBED_DIM), dtype=jnp.float32)
    table = table.at[PAD_IDX].set(0.0)  # padding_idx row is zeros
    W = jax.random.normal(k3, (CLASS_NUM, EMBED_DIM), dtype=jnp.float32) * (1.0 / np.sqrt(EMBED_DIM))
    b = jnp.zeros((CLASS_NUM,), dtype=jnp.float32)
    return {"text": text, "table": table, "W": W, "b": b}


def reference(text, table, W, b):
    # nn.Embedding with padding_idx: row PAD_IDX contributes zeros and no grad
    mask = (text != PAD_IDX)[..., None].astype(table.dtype)
    embedded = jnp.take(table, text, axis=0) * mask  # [B, L, D]
    # F.avg_pool2d(embedded, (L, 1)).squeeze(1) == mean over seq dim
    pooled = jnp.mean(embedded, axis=1)  # [B, D]
    logits = pooled @ W.T + b  # [B, C]
    return jax.nn.log_softmax(logits, axis=1)

if __name__ == "__main__":
    import jax
    _d = setup_inputs()
    print(jax.jit(kernel)(*tuple(_d.values())))

</pallas_src>

<mosaic_0001>
#map = affine_map<(d0, d1) -> (0, 0)>
module attributes {stable_mosaic.version = 14 : i64} {
  func.func @pool(%arg0: i32, %arg1: i32, %arg2: memref<8192x104xi32, #tpu.memory_space<hbm>>, %arg3: memref<1000000x64xbf16, #tpu.memory_space<hbm>>, %arg4: memref<4096x64xf32, #tpu.memory_space<hbm>>, %arg5: memref<256x104xi32, #tpu.memory_space<vmem>>, %arg6: memref<8x104x64xbf16, #tpu.memory_space<vmem>>, %arg7: memref<128x64xf32, #tpu.memory_space<vmem>>, %arg8: memref<!tpu.dma_semaphore, #tpu.memory_space<semaphore_mem>>, %arg9: memref<!tpu.dma_semaphore, #tpu.memory_space<semaphore_mem>>, %arg10: memref<!tpu.dma_semaphore, #tpu.memory_space<semaphore_mem>>, %arg11: memref<!tpu.dma_semaphore, #tpu.memory_space<semaphore_mem>>, %arg12: memref<!tpu.dma_semaphore, #tpu.memory_space<semaphore_mem>>, %arg13: memref<!tpu.dma_semaphore, #tpu.memory_space<semaphore_mem>>, %arg14: memref<!tpu.dma_semaphore, #tpu.memory_space<semaphore_mem>>, %arg15: memref<!tpu.dma_semaphore, #tpu.memory_space<semaphore_mem>>) attributes {dimension_semantics = [#tpu.dimension_semantics<core_parallel>, #tpu.dimension_semantics<subcore_parallel>], iteration_bounds = array<i64: 2, 16>, scalar_prefetch = 0 : i64, scratch_operands = 11 : i64, tpu.core_type = #tpu.core_type<sc_vector_subcore>, window_params = [{transform_indices = #map}, {transform_indices = #map}, {transform_indices = #map}]} {
    %mul3A = arith.constant 2 : i32
    %mul3A_0 = arith.muli %arg1, %mul3A : i32
    %add3A = arith.addi %mul3A_0, %arg0 : i32
    %mul3A_1 = arith.constant 256 : i32
    %mul3A_2 = arith.muli %add3A, %mul3A_1 : i32
    "tpu.region"() ({
      %run_scoped3A = tpu.sem_alloc : memref<!tpu.dma_semaphore, #tpu.memory_space<semaphore_mem>>
      %dma_start3A_105 = arith.constant 0 : i32
      %dma_start3A_106 = tpu.memref_slice %arg2[%mul3A_2, %dma_start3A_105] : memref<8192x104xi32, #tpu.memory_space<hbm>> -> memref<256x104xi32, #tpu.memory_space<hbm>>
      %dma_start3A_107 = arith.constant 0 : i32
      %dma_start3A_108 = tpu.memref_slice %arg2[%mul3A_2, %dma_start3A_107] : memref<8192x104xi32, #tpu.memory_space<hbm>> -> memref<256x104xi32, #tpu.memory_space<hbm>>
      tpu.enqueue_dma source(%dma_start3A_108 : memref<256x104xi32, #tpu.memory_space<hbm>>) target(%arg5 : memref<256x104xi32, #tpu.memory_space<vmem>>) target_semaphore(%run_scoped3A : memref<!tpu.dma_semaphore, #tpu.memory_space<semaphore_mem>>)
      %dma_wait3A = arith.constant 0 : i32
      %dma_wait3A_109 = tpu.memref_slice %arg2[%mul3A_2, %dma_wait3A] : memref<8192x104xi32, #tpu.memory_space<hbm>> -> memref<256x104xi32, #tpu.memory_space<hbm>>
      %dma_wait3A_110 = arith.constant 0 : i32
      %dma_wait3A_111 = tpu.memref_slice %arg2[%mul3A_2, %dma_wait3A_110] : memref<8192x104xi32, #tpu.memory_space<hbm>> -> memref<256x104xi32, #tpu.memory_space<hbm>>
      tpu.wait_dma2 semaphore(%run_scoped3A : memref<!tpu.dma_semaphore, #tpu.memory_space<semaphore_mem>>) src(%dma_wait3A_111 : memref<256x104xi32, #tpu.memory_space<hbm>>) dst(%arg5 : memref<256x104xi32, #tpu.memory_space<vmem>>)
      tpu.yield
    }) : () -> ()
    %dma_start3A = arith.constant 0 : i32
    %dma_start3A_3 = arith.constant 0 : i32
    %dma_start3A_4 = arith.constant 0 : i32
    %dma_start3A_5 = arith.constant 0 : i32
    %dma_start3A_6 = tpu.memref_slice %arg6[%dma_start3A_3, %dma_start3A_4, %dma_start3A_5] : memref<8x104x64xbf16, #tpu.memory_space<vmem>> -> memref<1x104x64xbf16, #tpu.memory_space<vmem>>
    %dma_start3A_7 = tpu.memref_squeeze %dma_start3A_6 : memref<1x104x64xbf16, #tpu.memory_space<vmem>> -> memref<104x64xbf16, #tpu.memory_space<vmem>>
    %dma_start3A_8 = arith.constant 0 : i32
    %dma_start3A_9 = tpu.memref_slice %arg5[%dma_start3A, %dma_start3A_8] : memref<256x104xi32, #tpu.memory_space<vmem>> -> memref<1x104xi32, #tpu.memory_space<vmem>>
    %dma_start3A_10 = tpu.memref_squeeze %dma_start3A_9 : memref<1x104xi32, #tpu.memory_space<vmem>> -> memref<104xi32, #tpu.memory_space<vmem>>
    %dma_start3A_11 = arith.constant 0 : i32
    %dma_start3A_12 = arith.constant 0 : i32
    %dma_start3A_13 = tpu.memref_slice %arg3[%dma_start3A_11, %dma_start3A_12] : memref<1000000x64xbf16, #tpu.memory_space<hbm>> -> memref<1000000x64xbf16, #tpu.memory_space<hbm>>
    tpu.enqueue_indirect_dma source(%dma_start3A_13 : memref<1000000x64xbf16, #tpu.memory_space<hbm>>) target(%dma_start3A_7 : memref<104x64xbf16, #tpu.memory_space<vmem>>) offsets(%dma_start3A_10 : memref<104xi32, #tpu.memory_space<vmem>>) semaphore(%arg8 : memref<!tpu.dma_semaphore, #tpu.memory_space<semaphore_mem>>)
    %dma_start3A_14 = arith.constant 1 : i32
    %dma_start3A_15 = arith.constant 1 : i32
    %dma_start3A_16 = arith.constant 0 : i32
    %dma_start3A_17 = arith.constant 0 : i32
    %dma_start3A_18 = tpu.memref_slice %arg6[%dma_start3A_15, %dma_start3A_16, %dma_start3A_17] : memref<8x104x64xbf16, #tpu.memory_space<vmem>> -> memref<1x104x64xbf16, #tpu.memory_space<vmem>>
    %dma_start3A_19 = tpu.memref_squeeze %dma_start3A_18 : memref<1x104x64xbf16, #tpu.memory_space<vmem>> -> memref<104x64xbf16, #tpu.memory_space<vmem>>
    %dma_start3A_20 = arith.constant 0 : i32
    %dma_start3A_21 = tpu.memref_slice %arg5[%dma_start3A_14, %dma_start3A_20] : memref<256x104xi32, #tpu.memory_space<vmem>> -> memref<1x104xi32, #tpu.memory_space<vmem>>
    %dma_start3A_22 = tpu.memref_squeeze %dma_start3A_21 : memref<1x104xi32, #tpu.memory_space<vmem>> -> memref<104xi32, #tpu.memory_space<vmem>>
    %dma_start3A_23 = arith.constant 0 : i32
    %dma_start3A_24 = arith.constant 0 : i32
    %dma_start3A_25 = tpu.memref_slice %arg3[%dma_start3A_23, %dma_start3A_24] : memref<1000000x64xbf16, #tpu.memory_space<hbm>> -> memref<1000000x64xbf16, #tpu.memory_space<hbm>>
    tpu.enqueue_indirect_dma source(%dma_start3A_25 : memref<1000000x64xbf16, #tpu.memory_space<hbm>>) target(%dma_start3A_19 : memref<104x64xbf16, #tpu.memory_space<vmem>>) offsets(%dma_start3A_22 : memref<104xi32, #tpu.memory_space<vmem>>) semaphore(%arg9 : memref<!tpu.dma_semaphore, #tpu.memory_space<semaphore_mem>>)
    %dma_start3A_26 = arith.constant 2 : i32
    %dma_start3A_27 = arith.constant 2 : i32
    %dma_start3A_28 = arith.constant 0 : i32
    %dma_start3A_29 = arith.constant 0 : i32
    %dma_start3A_30 = tpu.memref_slice %arg6[%dma_start3A_27, %dma_start3A_28, %dma_start3A_29] : memref<8x104x64xbf16, #tpu.memory_space<vmem>> -> memref<1x104x64xbf16, #tpu.memory_space<vmem>>
    %dma_start3A_31 = tpu.memref_squeeze %dma_start3A_30 : memref<1x104x64xbf16, #tpu.memory_space<vmem>> -> memref<104x64xbf16, #tpu.memory_space<vmem>>
    %dma_start3A_32 = arith.constant 0 : i32
    %dma_start3A_33 = tpu.memref_slice %arg5[%dma_start3A_26, %dma_start3A_32] : memref<256x104xi32, #tpu.memory_space<vmem>> -> memref<1x104xi32, #tpu.memory_space<vmem>>
    %dma_start3A_34 = tpu.memref_squeeze %dma_start3A_33 : memref<1x104xi32, #tpu.memory_space<vmem>> -> memref<104xi32, #tpu.memory_space<vmem>>
    %dma_start3A_35 = arith.constant 0 : i32
    %dma_start3A_36 = arith.constant 0 : i32
    %dma_start3A_37 = tpu.memref_slice %arg3[%dma_start3A_35, %dma_start3A_36] : memref<1000000x64xbf16, #tpu.memory_space<hbm>> -> memref<1000000x64xbf16, #tpu.memory_space<hbm>>
    tpu.enqueue_indirect_dma source(%dma_start3A_37 : memref<1000000x64xbf16, #tpu.memory_space<hbm>>) target(%dma_start3A_31 : memref<104x64xbf16, #tpu.memory_space<vmem>>) offsets(%dma_start3A_34 : memref<104xi32, #tpu.memory_space<vmem>>) semaphore(%arg10 : memref<!tpu.dma_semaphore, #tpu.memory_space<semaphore_mem>>)
    %dma_start3A_38 = arith.constant 3 : i32
    %dma_start3A_39 = arith.constant 3 : i32
    %dma_start3A_40 = arith.constant 0 : i32
    %dma_start3A_41 = arith.constant 0 : i32
    %dma_start3A_42 = tpu.memref_slice %arg6[%dma_start3A_39, %dma_start3A_40, %dma_start3A_41] : memref<8x104x64xbf16, #tpu.memory_space<vmem>> -> memref<1x104x64xbf16, #tpu.memory_space<vmem>>
    %dma_start3A_43 = tpu.memref_squeeze %dma_start3A_42 : memref<1x104x64xbf16, #tpu.memory_space<vmem>> -> memref<104x64xbf16, #tpu.memory_space<vmem>>
    %dma_start3A_44 = arith.constant 0 : i32
    %dma_start3A_45 = tpu.memref_slice %arg5[%dma_start3A_38, %dma_start3A_44] : memref<256x104xi32, #tpu.memory_space<vmem>> -> memref<1x104xi32, #tpu.memory_space<vmem>>
    %dma_start3A_46 = tpu.memref_squeeze %dma_start3A_45 : memref<1x104xi32, #tpu.memory_space<vmem>> -> memref<104xi32, #tpu.memory_space<vmem>>
    %dma_start3A_47 = arith.constant 0 : i32
    %dma_start3A_48 = arith.constant 0 : i32
    %dma_start3A_49 = tpu.memref_slice %arg3[%dma_start3A_47, %dma_start3A_48] : memref<1000000x64xbf16, #tpu.memory_space<hbm>> -> memref<1000000x64xbf16, #tpu.memory_space<hbm>>
    tpu.enqueue_indirect_dma source(%dma_start3A_49 : memref<1000000x64xbf16, #tpu.memory_space<hbm>>) target(%dma_start3A_43 : memref<104x64xbf16, #tpu.memory_space<vmem>>) offsets(%dma_start3A_46 : memref<104xi32, #tpu.memory_space<vmem>>) semaphore(%arg11 : memref<!tpu.dma_semaphore, #tpu.memory_space<semaphore_mem>>)
    %dma_start3A_50 = arith.constant 4 : i32
    %dma_start3A_51 = arith.constant 4 : i32
    %dma_start3A_52 = arith.constant 0 : i32
    %dma_start3A_53 = arith.constant 0 : i32
    %dma_start3A_54 = tpu.memref_slice %arg6[%dma_start3A_51, %dma_start3A_52, %dma_start3A_53] : memref<8x104x64xbf16, #tpu.memory_space<vmem>> -> memref<1x104x64xbf16, #tpu.memory_space<vmem>>
    %dma_start3A_55 = tpu.memref_squeeze %dma_start3A_54 : memref<1x104x64xbf16, #tpu.memory_space<vmem>> -> memref<104x64xbf16, #tpu.memory_space<vmem>>
    %dma_start3A_56 = arith.constant 0 : i32
    %dma_start3A_57 = tpu.memref_slice %arg5[%dma_start3A_50, %dma_start3A_56] : memref<256x104xi32, #tpu.memory_space<vmem>> -> memref<1x104xi32, #tpu.memory_space<vmem>>
    %dma_start3A_58 = tpu.memref_squeeze %dma_start3A_57 : memref<1x104xi32, #tpu.memory_space<vmem>> -> memref<104xi32, #tpu.memory_space<vmem>>
    %dma_start3A_59 = arith.constant 0 : i32
    %dma_start3A_60 = arith.constant 0 : i32
    %dma_start3A_61 = tpu.memref_slice %arg3[%dma_start3A_59, %dma_start3A_60] : memref<1000000x64xbf16, #tpu.memory_space<hbm>> -> memref<1000000x64xbf16, #tpu.memory_space<hbm>>
    tpu.enqueue_indirect_dma source(%dma_start3A_61 : memref<1000000x64xbf16, #tpu.memory_space<hbm>>) target(%dma_start3A_55 : memref<104x64xbf16, #tpu.memory_space<vmem>>) offsets(%dma_start3A_58 : memref<104xi32, #tpu.memory_space<vmem>>) semaphore(%arg12 : memref<!tpu.dma_semaphore, #tpu.memory_space<semaphore_mem>>)
    %dma_start3A_62 = arith.constant 5 : i32
    %dma_start3A_63 = arith.constant 5 : i32
    %dma_start3A_64 = arith.constant 0 : i32
    %dma_start3A_65 = arith.constant 0 : i32
    %dma_start3A_66 = tpu.memref_slice %arg6[%dma_start3A_63, %dma_start3A_64, %dma_start3A_65] : memref<8x104x64xbf16, #tpu.memory_space<vmem>> -> memref<1x104x64xbf16, #tpu.memory_space<vmem>>
    %dma_start3A_67 = tpu.memref_squeeze %dma_start3A_66 : memref<1x104x64xbf16, #tpu.memory_space<vmem>> -> memref<104x64xbf16, #tpu.memory_space<vmem>>
    %dma_start3A_68 = arith.constant 0 : i32
    %dma_start3A_69 = tpu.memref_slice %arg5[%dma_start3A_62, %dma_start3A_68] : memref<256x104xi32, #tpu.memory_space<vmem>> -> memref<1x104xi32, #tpu.memory_space<vmem>>
    %dma_start3A_70 = tpu.memref_squeeze %dma_start3A_69 : memref<1x104xi32, #tpu.memory_space<vmem>> -> memref<104xi32, #tpu.memory_space<vmem>>
    %dma_start3A_71 = arith.constant 0 : i32
    %dma_start3A_72 = arith.constant 0 : i32
    %dma_start3A_73 = tpu.memref_slice %arg3[%dma_start3A_71, %dma_start3A_72] : memref<1000000x64xbf16, #tpu.memory_space<hbm>> -> memref<1000000x64xbf16, #tpu.memory_space<hbm>>
    tpu.enqueue_indirect_dma source(%dma_start3A_73 : memref<1000000x64xbf16, #tpu.memory_space<hbm>>) target(%dma_start3A_67 : memref<104x64xbf16, #tpu.memory_space<vmem>>) offsets(%dma_start3A_70 : memref<104xi32, #tpu.memory_space<vmem>>) semaphore(%arg13 : memref<!tpu.dma_semaphore, #tpu.memory_space<semaphore_mem>>)
    %dma_start3A_74 = arith.constant 6 : i32
    %dma_start3A_75 = arith.constant 6 : i32
    %dma_start3A_76 = arith.constant 0 : i32
    %dma_start3A_77 = arith.constant 0 : i32
    %dma_start3A_78 = tpu.memref_slice %arg6[%dma_start3A_75, %dma_start3A_76, %dma_start3A_77] : memref<8x104x64xbf16, #tpu.memory_space<vmem>> -> memref<1x104x64xbf16, #tpu.memory_space<vmem>>
    %dma_start3A_79 = tpu.memref_squeeze %dma_start3A_78 : memref<1x104x64xbf16, #tpu.memory_space<vmem>> -> memref<104x64xbf16, #tpu.memory_space<vmem>>
    %dma_start3A_80 = arith.constant 0 : i32
    %dma_start3A_81 = tpu.memref_slice %arg5[%dma_start3A_74, %dma_start3A_80] : memref<256x104xi32, #tpu.memory_space<vmem>> -> memref<1x104xi32, #tpu.memory_space<vmem>>
    %dma_start3A_82 = tpu.memref_squeeze %dma_start3A_81 : memref<1x104xi32, #tpu.memory_space<vmem>> -> memref<104xi32, #tpu.memory_space<vmem>>
    %dma_start3A_83 = arith.constant 0 : i32
    %dma_start3A_84 = arith.constant 0 : i32
    %dma_start3A_85 = tpu.memref_slice %arg3[%dma_start3A_83, %dma_start3A_84] : memref<1000000x64xbf16, #tpu.memory_space<hbm>> -> memref<1000000x64xbf16, #tpu.memory_space<hbm>>
    tpu.enqueue_indirect_dma source(%dma_start3A_85 : memref<1000000x64xbf16, #tpu.memory_space<hbm>>) target(%dma_start3A_79 : memref<104x64xbf16, #tpu.memory_space<vmem>>) offsets(%dma_start3A_82 : memref<104xi32, #tpu.memory_space<vmem>>) semaphore(%arg14 : memref<!tpu.dma_semaphore, #tpu.memory_space<semaphore_mem>>)
    %dma_start3A_86 = arith.constant 7 : i32
    %dma_start3A_87 = arith.constant 7 : i32
    %dma_start3A_88 = arith.constant 0 : i32
    %dma_start3A_89 = arith.constant 0 : i32
    %dma_start3A_90 = tpu.memref_slice %arg6[%dma_start3A_87, %dma_start3A_88, %dma_start3A_89] : memref<8x104x64xbf16, #tpu.memory_space<vmem>> -> memref<1x104x64xbf16, #tpu.memory_space<vmem>>
    %dma_start3A_91 = tpu.memref_squeeze %dma_start3A_90 : memref<1x104x64xbf16, #tpu.memory_space<vmem>> -> memref<104x64xbf16, #tpu.memory_space<vmem>>
    %dma_start3A_92 = arith.constant 0 : i32
    %dma_start3A_93 = tpu.memref_slice %arg5[%dma_start3A_86, %dma_start3A_92] : memref<256x104xi32, #tpu.memory_space<vmem>> -> memref<1x104xi32, #tpu.memory_space<vmem>>
    %dma_start3A_94 = tpu.memref_squeeze %dma_start3A_93 : memref<1x104xi32, #tpu.memory_space<vmem>> -> memref<104xi32, #tpu.memory_space<vmem>>
    %dma_start3A_95 = arith.constant 0 : i32
    %dma_start3A_96 = arith.constant 0 : i32
    %dma_start3A_97 = tpu.memref_slice %arg3[%dma_start3A_95, %dma_start3A_96] : memref<1000000x64xbf16, #tpu.memory_space<hbm>> -> memref<1000000x64xbf16, #tpu.memory_space<hbm>>
    tpu.enqueue_indirect_dma source(%dma_start3A_97 : memref<1000000x64xbf16, #tpu.memory_space<hbm>>) target(%dma_start3A_91 : memref<104x64xbf16, #tpu.memory_space<vmem>>) offsets(%dma_start3A_94 : memref<104xi32, #tpu.memory_space<vmem>>) semaphore(%arg15 : memref<!tpu.dma_semaphore, #tpu.memory_space<semaphore_mem>>)
    %scan3A = arith.constant 0 : i32
    %scan3A_98 = arith.constant 0 : i32
    %scan3A_99 = arith.constant 32 : i32
    %scan3A_100 = arith.addi %scan3A_98, %scan3A_99 : i32
    %scan3A_101 = arith.constant 1 : i32
    scf.for %scan3A_105 = %scan3A_98 to %scan3A_100 step %scan3A_101  : i32 {
      %mul3A_106 = arith.constant 8 : i32
      %mul3A_107 = arith.muli %mul3A_106, %scan3A_105 : i32
      %add3A_108 = arith.constant 0 : i32
      %add3A_109 = arith.addi %mul3A_107, %add3A_108 : i32
      %dma_wait3A = arith.constant 0 : i32
      %dma_wait3A_110 = arith.constant 0 : i32
      %dma_wait3A_111 = arith.constant 0 : i32
      %dma_wait3A_112 = arith.constant 0 : i32
      %dma_wait3A_113 = tpu.memref_slice %arg6[%dma_wait3A_110, %dma_wait3A_111, %dma_wait3A_112] : memref<8x104x64xbf16, #tpu.memory_space<vmem>> -> memref<1x104x64xbf16, #tpu.memory_space<vmem>>
      %dma_wait3A_114 = tpu.memref_squeeze %dma_wait3A_113 : memref<1x104x64xbf16, #tpu.memory_space<vmem>> -> memref<104x64xbf16, #tpu.memory_space<vmem>>
      %dma_wait3A_115 = arith.constant 0 : i32
      %dma_wait3A_116 = tpu.memref_slice %arg5[%dma_wait3A, %dma_wait3A_115] : memref<256x104xi32, #tpu.memory_space<vmem>> -> memref<1x104xi32, #tpu.memory_space<vmem>>
      %dma_wait3A_117 = tpu.memref_squeeze %dma_wait3A_116 : memref<1x104xi32, #tpu.memory_space<vmem>> -> memref<104xi32, #tpu.memory_space<vmem>>
      %dma_wait3A_118 = arith.constant 0 : i32
      %dma_wait3A_119 = arith.constant 0 : i32
      %dma_wait3A_120 = tpu.memref_slice %arg3[%dma_wait3A_118, %dma_wait3A_119] : memref<1000000x64xbf16, #tpu.memory_space<hbm>> -> memref<1000000x64xbf16, #tpu.memory_space<hbm>>
      tpu.wait_indirect_dma semaphore(%arg8 : memref<!tpu.dma_semaphore, #tpu.memory_space<semaphore_mem>>) src(%dma_wait3A_120 : memref<1000000x64xbf16, #tpu.memory_space<hbm>>) dst(%dma_wait3A_114 : memref<104x64xbf16, #tpu.memory_space<vmem>>)
      %broadcast_in_dim3A = arith.constant 0.000000e+00 : f32
      %broadcast_in_dim3A_121 = vector.broadcast %broadcast_in_dim3A : f32 to vector<16xf32>
      %scan3A_122 = arith.constant 0 : i32
      %scan3A_123 = arith.constant 26 : i32
      %scan3A_124 = arith.addi %scan3A_122, %scan3A_123 : i32
      %scan3A_125 = arith.constant 1 : i32
      %scan3A_126:4 = scf.for %scan3A_428 = %scan3A_122 to %scan3A_124 step %scan3A_125 iter_args(%scan3A_429 = %broadcast_in_dim3A_121, %scan3A_430 = %broadcast_in_dim3A_121, %scan3A_431 = %broadcast_in_dim3A_121, %scan3A_432 = %broadcast_in_dim3A_121) -> (vector<16xf32>, vector<16xf32>, vector<16xf32>, vector<16xf32>)  : i32 {
        %mul3A_433 = arith.constant 4 : i32
        %mul3A_434 = arith.muli %scan3A_428, %mul3A_433 : i32
        %add3A_435 = arith.constant 0 : i32
        %add3A_436 = arith.addi %mul3A_434, %add3A_435 : i32
        %get3A = arith.constant 0 : i32
        %get3A_437 = arith.index_cast %get3A : i32 to index
        %get3A_438 = arith.index_cast %add3A_436 : i32 to index
        %get3A_439 = arith.constant 0 : index
        %get3A_440 = tpu.vector_load %arg6[%get3A_437, %get3A_438, %get3A_439] {strides = array<i32>} : memref<8x104x64xbf16, #tpu.memory_space<vmem>>, vector<32xbf16>,
        %unpack3A = tpu.unpack_subelements %get3A_440, 0 {pack_format = #tpu.pack_format<interleaved>} : vector<32xbf16> -> vector<16xf32>
        %unpack3A_441 = tpu.unpack_subelements %get3A_440, 1 {pack_format = #tpu.pack_format<interleaved>} : vector<32xbf16> -> vector<16xf32>
        %add3A_442 = arith.addf %scan3A_429, %unpack3A : vector<16xf32>
        %add3A_443 = arith.addf %scan3A_430, %unpack3A_441 : vector<16xf32>
        %get3A_444 = arith.constant 0 : i32
        %get3A_445 = arith.index_cast %get3A_444 : i32 to index
        %get3A_446 = arith.index_cast %add3A_436 : i32 to index
        %get3A_447 = arith.constant 32 : index
        %get3A_448 = tpu.vector_load %arg6[%get3A_445, %get3A_446, %get3A_447] {strides = array<i32>} : memref<8x104x64xbf16, #tpu.memory_space<vmem>>, vector<32xbf16>,
        %unpack3A_449 = tpu.unpack_subelements %get3A_448, 0 {pack_format = #tpu.pack_format<interleaved>} : vector<32xbf16> -> vector<16xf32>
        %unpack3A_450 = tpu.unpack_subelements %get3A_448, 1 {pack_format = #tpu.pack_format<interleaved>} : vector<32xbf16> -> vector<16xf32>
        %add3A_451 = arith.addf %scan3A_431, %unpack3A_449 : vector<16xf32>
        %add3A_452 = arith.addf %scan3A_432, %unpack3A_450 : vector<16xf32>
        %mul3A_453 = arith.constant 4 : i32
        %mul3A_454 = arith.muli %scan3A_428, %mul3A_453 : i32
        %add3A_455 = arith.constant 1 : i32
        %add3A_456 = arith.addi %mul3A_454, %add3A_455 : i32
        %get3A_457 = arith.constant 0 : i32
        %get3A_458 = arith.index_cast %get3A_457 : i32 to index
        %get3A_459 = arith.index_cast %add3A_456 : i32 to index
        %get3A_460 = arith.constant 0 : index
        %get3A_461 = tpu.vector_load %arg6[%get3A_458, %get3A_459, %get3A_460] {strides = array<i32>} : memref<8x104x64xbf16, #tpu.memory_space<vmem>>, vector<32xbf16>,
        %unpack3A_462 = tpu.unpack_subelements %get3A_461, 0 {pack_format = #tpu.pack_format<interleaved>} : vector<32xbf16> -> vector<16xf32>
        %unpack3A_463 = tpu.unpack_subelements %get3A_461, 1 {pack_format = #tpu.pack_format<interleaved>} : vector<32xbf16> -> vector<16xf32>
        %add3A_464 = arith.addf %add3A_442, %unpack3A_462 : vector<16xf32>
        %add3A_465 = arith.addf %add3A_443, %unpack3A_463 : vector<16xf32>
        %get3A_466 = arith.constant 0 : i32
        %get3A_467 = arith.index_cast %get3A_466 : i32 to index
        %get3A_468 = arith.index_cast %add3A_456 : i32 to index
        %get3A_469 = arith.constant 32 : index
        %get3A_470 = tpu.vector_load %arg6[%get3A_467, %get3A_468, %get3A_469] {strides = array<i32>} : memref<8x104x64xbf16, #tpu.memory_space<vmem>>, vector<32xbf16>,
        %unpack3A_471 = tpu.unpack_subelements %get3A_470, 0 {pack_format = #tpu.pack_format<interleaved>} : vector<32xbf16> -> vector<16xf32>
        %unpack3A_472 = tpu.unpack_subelements %get3A_470, 1 {pack_format = #tpu.pack_format<interleaved>} : vector<32xbf16> -> vector<16xf32>
        %add3A_473 = arith.addf %add3A_451, %unpack3A_471 : vector<16xf32>
        %add3A_474 = arith.addf %add3A_452, %unpack3A_472 : vector<16xf32>
        %mul3A_475 = arith.constant 4 : i32
        %mul3A_476 = arith.muli %scan3A_428, %mul3A_475 : i32
        %add3A_477 = arith.constant 2 : i32
        %add3A_478 = arith.addi %mul3A_476, %add3A_477 : i32
        %get3A_479 = arith.constant 0 : i32
        %get3A_480 = arith.index_cast %get3A_479 : i32 to index
        %get3A_481 = arith.index_cast %add3A_478 : i32 to index
        %get3A_482 = arith.constant 0 : index
        %get3A_483 = tpu.vector_load %arg6[%get3A_480, %get3A_481, %get3A_482] {strides = array<i32>} : memref<8x104x64xbf16, #tpu.memory_space<vmem>>, vector<32xbf16>,
        %unpack3A_484 = tpu.unpack_subelements %get3A_483, 0 {pack_format = #tpu.pack_format<interleaved>} : vector<32xbf16> -> vector<16xf32>
        %unpack3A_485 = tpu.unpack_subelements %get3A_483, 1 {pack_format = #tpu.pack_format<interleaved>} : vector<32xbf16> -> vector<16xf32>
        %add3A_486 = arith.addf %add3A_464, %unpack3A_484 : vector<16xf32>
        %add3A_487 = arith.addf %add3A_465, %unpack3A_485 : vector<16xf32>
        %get3A_488 = arith.constant 0 : i32
        %get3A_489 = arith.index_cast %get3A_488 : i32 to index
        %get3A_490 = arith.index_cast %add3A_478 : i32 to index
        %get3A_491 = arith.constant 32 : index
        %get3A_492 = tpu.vector_load %arg6[%get3A_489, %get3A_490, %get3A_491] {strides = array<i32>} : memref<8x104x64xbf16, #tpu.memory_space<vmem>>, vector<32xbf16>,
        %unpack3A_493 = tpu.unpack_subelements %get3A_492, 0 {pack_format = #tpu.pack_format<interleaved>} : vector<32xbf16> -> vector<16xf32>
        %unpack3A_494 = tpu.unpack_subelements %get3A_492, 1 {pack_format = #tpu.pack_format<interleaved>} : vector<32xbf16> -> vector<16xf32>
        %add3A_495 = arith.addf %add3A_473, %unpack3A_493 : vector<16xf32>
        %add3A_496 = arith.addf %add3A_474, %unpack3A_494 : vector<16xf32>
        %mul3A_497 = arith.constant 4 : i32
        %mul3A_498 = arith.muli %scan3A_428, %mul3A_497 : i32
        %add3A_499 = arith.constant 3 : i32
        %add3A_500 = arith.addi %mul3A_498, %add3A_499 : i32
        %get3A_501 = arith.constant 0 : i32
        %get3A_502 = arith.index_cast %get3A_501 : i32 to index
        %get3A_503 = arith.index_cast %add3A_500 : i32 to index
        %get3A_504 = arith.constant 0 : index
        %get3A_505 = tpu.vector_load %arg6[%get3A_502, %get3A_503, %get3A_504] {strides = array<i32>} : memref<8x104x64xbf16, #tpu.memory_space<vmem>>, vector<32xbf16>,
        %unpack3A_506 = tpu.unpack_subelements %get3A_505, 0 {pack_format = #tpu.pack_format<interleaved>} : vector<32xbf16> -> vector<16xf32>
        %unpack3A_507 = tpu.unpack_subelements %get3A_505, 1 {pack_format = #tpu.pack_format<interleaved>} : vector<32xbf16> -> vector<16xf32>
        %add3A_508 = arith.addf %add3A_486, %unpack3A_506 : vector<16xf32>
        %add3A_509 = arith.addf %add3A_487, %unpack3A_507 : vector<16xf32>
        %get3A_510 = arith.constant 0 : i32
        %get3A_511 = arith.index_cast %get3A_510 : i32 to index
        %get3A_512 = arith.index_cast %add3A_500 : i32 to index
        %get3A_513 = arith.constant 32 : index
        %get3A_514 = tpu.vector_load %arg6[%get3A_511, %get3A_512, %get3A_513] {strides = array<i32>} : memref<8x104x64xbf16, #tpu.memory_space<vmem>>, vector<32xbf16>,
        %unpack3A_515 = tpu.unpack_subelements %get3A_514, 0 {pack_format = #tpu.pack_format<interleaved>} : vector<32xbf16> -> vector<16xf32>
        %unpack3A_516 = tpu.unpack_subelements %get3A_514, 1 {pack_format = #tpu.pack_format<interleaved>} : vector<32xbf16> -> vector<16xf32>
        %add3A_517 = arith.addf %add3A_495, %unpack3A_515 : vector<16xf32>
        %add3A_518 = arith.addf %add3A_496, %unpack3A_516 : vector<16xf32>
        scf.yield %add3A_508, %add3A_509, %add3A_517, %add3A_518 : vector<16xf32>, vector<16xf32>, vector<16xf32>, vector<16xf32>
      }
      %scan3A_127 = arith.constant 26 : i32
      %add3A_128 = arith.constant 8 : i32
      %add3A_129 = arith.addi %add3A_109, %add3A_128 : i32
      %lt3A = arith.constant 256 : i32
      %lt3A_130 = arith.cmpi slt, %add3A_129, %lt3A : i32
      %convert_element_type3A = arith.extui %lt3A_130 : i1 to i32
      %cond3A = arith.constant 0 : i32
      %cond3A_131 = arith.cmpi ne, %convert_element_type3A, %cond3A : i32
      scf.if %cond3A_131 {
        %add3A_428 = arith.constant 8 : i32
        %add3A_429 = arith.addi %add3A_109, %add3A_428 : i32
        %dma_start3A_430 = arith.constant 0 : i32
        %dma_start3A_431 = arith.constant 0 : i32
        %dma_start3A_432 = arith.constant 0 : i32
        %dma_start3A_433 = tpu.memref_slice %arg6[%dma_start3A_430, %dma_start3A_431, %dma_start3A_432] : memref<8x104x64xbf16, #tpu.memory_space<vmem>> -> memref<1x104x64xbf16, #tpu.memory_space<vmem>>
        %dma_start3A_434 = tpu.memref_squeeze %dma_start3A_433 : memref<1x104x64xbf16, #tpu.memory_space<vmem>> -> memref<104x64xbf16, #tpu.memory_space<vmem>>
        %dma_start3A_435 = arith.constant 0 : i32
        %dma_start3A_436 = tpu.memref_slice %arg5[%add3A_429, %dma_start3A_435] : memref<256x104xi32, #tpu.memory_space<vmem>> -> memref<1x104xi32, #tpu.memory_space<vmem>>
        %dma_start3A_437 = tpu.memref_squeeze %dma_start3A_436 : memref<1x104xi32, #tpu.memory_space<vmem>> -> memref<104xi32, #tpu.memory_space<vmem>>
        %dma_start3A_438 = arith.constant 0 : i32
        %dma_start3A_439 = arith.constant 0 : i32
        %dma_start3A_440 = tpu.memref_slice %arg3[%dma_start3A_438, %dma_start3A_439] : memref<1000000x64xbf16, #tpu.memory_space<hbm>> -> memref<1000000x64xbf16, #tpu.memory_space<hbm>>
        tpu.enqueue_indirect_dma source(%dma_start3A_440 : memref<1000000x64xbf16, #tpu.memory_space<hbm>>) target(%dma_start3A_434 : memref<104x64xbf16, #tpu.memory_space<vmem>>) offsets(%dma_start3A_437 : memref<104xi32, #tpu.memory_space<vmem>>) semaphore(%arg8 : memref<!tpu.dma_semaphore, #tpu.memory_space<semaphore_mem>>)
      } else {
      }
      %mul3A_132 = arith.constant 8 : i32
      %mul3A_133 = arith.muli %mul3A_132, %scan3A_105 : i32
      %add3A_134 = arith.constant 1 : i32
      %add3A_135 = arith.addi %mul3A_133, %add3A_134 : i32
      %dma_wait3A_136 = arith.constant 0 : i32
      %dma_wait3A_137 = arith.constant 1 : i32
      %dma_wait3A_138 = arith.constant 0 : i32
      %dma_wait3A_139 = arith.constant 0 : i32
      %dma_wait3A_140 = tpu.memref_slice %arg6[%dma_wait3A_137, %dma_wait3A_138, %dma_wait3A_139] : memref<8x104x64xbf16, #tpu.memory_space<vmem>> -> memref<1x104x64xbf16, #tpu.memory_space<vmem>>
      %dma_wait3A_141 = tpu.memref_squeeze %dma_wait3A_140 : memref<1x104x64xbf16, #tpu.memory_space<vmem>> -> memref<104x64xbf16, #tpu.memory_space<vmem>>
      %dma_wait3A_142 = arith.constant 0 : i32
      %dma_wait3A_143 = tpu.memref_slice %arg5[%dma_wait3A_136, %dma_wait3A_142] : memref<256x104xi32, #tpu.memory_space<vmem>> -> memref<1x104xi32, #tpu.memory_space<vmem>>
      %dma_wait3A_144 = tpu.memref_squeeze %dma_wait3A_143 : memref<1x104xi32, #tpu.memory_space<vmem>> -> memref<104xi32, #tpu.memory_space<vmem>>
      %dma_wait3A_145 = arith.constant 0 : i32
      %dma_wait3A_146 = arith.constant 0 : i32
      %dma_wait3A_147 = tpu.memref_slice %arg3[%dma_wait3A_145, %dma_wait3A_146] : memref<1000000x64xbf16, #tpu.memory_space<hbm>> -> memref<1000000x64xbf16, #tpu.memory_space<hbm>>
      tpu.wait_indirect_dma semaphore(%arg9 : memref<!tpu.dma_semaphore, #tpu.memory_space<semaphore_mem>>) src(%dma_wait3A_147 : memref<1000000x64xbf16, #tpu.memory_space<hbm>>) dst(%dma_wait3A_141 : memref<104x64xbf16, #tpu.memory_space<vmem>>)
      %broadcast_in_dim3A_148 = arith.constant 0.000000e+00 : f32
      %broadcast_in_dim3A_149 = vector.broadcast %broadcast_in_dim3A_148 : f32 to vector<16xf32>
      %scan3A_150 = arith.constant 0 : i32
      %scan3A_151 = arith.constant 26 : i32
      %scan3A_152 = arith.addi %scan3A_150, %scan3A_151 : i32
      %scan3A_153 = arith.constant 1 : i32
      %scan3A_154:4 = scf.for %scan3A_428 = %scan3A_150 to %scan3A_152 step %scan3A_153 iter_args(%scan3A_429 = %broadcast_in_dim3A_149, %scan3A_430 = %broadcast_in_dim3A_149, %scan3A_431 = %broadcast_in_dim3A_149, %scan3A_432 = %broadcast_in_dim3A_149) -> (vector<16xf32>, vector<16xf32>, vector<16xf32>, vector<16xf32>)  : i32 {
        %mul3A_433 = arith.constant 4 : i32
        %mul3A_434 = arith.muli %scan3A_428, %mul3A_433 : i32
        %add3A_435 = arith.constant 0 : i32
        %add3A_436 = arith.addi %mul3A_434, %add3A_435 : i32
        %get3A = arith.constant 1 : i32
        %get3A_437 = arith.index_cast %get3A : i32 to index
        %get3A_438 = arith.index_cast %add3A_436 : i32 to index
        %get3A_439 = arith.constant 0 : index
        %get3A_440 = tpu.vector_load %arg6[%get3A_437, %get3A_438, %get3A_439] {strides = array<i32>} : memref<8x104x64xbf16, #tpu.memory_space<vmem>>, vector<32xbf16>,
        %unpack3A = tpu.unpack_subelements %get3A_440, 0 {pack_format = #tpu.pack_format<interleaved>} : vector<32xbf16> -> vector<16xf32>
        %unpack3A_441 = tpu.unpack_subelements %get3A_440, 1 {pack_format = #tpu.pack_format<interleaved>} : vector<32xbf16> -> vector<16xf32>
        %add3A_442 = arith.addf %scan3A_429, %unpack3A : vector<16xf32>
        %add3A_443 = arith.addf %scan3A_430, %unpack3A_441 : vector<16xf32>
        %get3A_444 = arith.constant 1 : i32
        %get3A_445 = arith.index_cast %get3A_444 : i32 to index
        %get3A_446 = arith.index_cast %add3A_436 : i32 to index
        %get3A_447 = arith.constant 32 : index
        %get3A_448 = tpu.vector_load %arg6[%get3A_445, %get3A_446, %get3A_447] {strides = array<i32>} : memref<8x104x64xbf16, #tpu.memory_space<vmem>>, vector<32xbf16>,
        %unpack3A_449 = tpu.unpack_subelements %get3A_448, 0 {pack_format = #tpu.pack_format<interleaved>} : vector<32xbf16> -> vector<16xf32>
        %unpack3A_450 = tpu.unpack_subelements %get3A_448, 1 {pack_format = #tpu.pack_format<interleaved>} : vector<32xbf16> -> vector<16xf32>
        %add3A_451 = arith.addf %scan3A_431, %unpack3A_449 : vector<16xf32>
        %add3A_452 = arith.addf %scan3A_432, %unpack3A_450 : vector<16xf32>
        %mul3A_453 = arith.constant 4 : i32
        %mul3A_454 = arith.muli %scan3A_428, %mul3A_453 : i32
        %add3A_455 = arith.constant 1 : i32
        %add3A_456 = arith.addi %mul3A_454, %add3A_455 : i32
        %get3A_457 = arith.constant 1 : i32
        %get3A_458 = arith.index_cast %get3A_457 : i32 to index
        %get3A_459 = arith.index_cast %add3A_456 : i32 to index
        %get3A_460 = arith.constant 0 : index
        %get3A_461 = tpu.vector_load %arg6[%get3A_458, %get3A_459, %get3A_460] {strides = array<i32>} : memref<8x104x64xbf16, #tpu.memory_space<vmem>>, vector<32xbf16>,
        %unpack3A_462 = tpu.unpack_subelements %get3A_461, 0 {pack_format = #tpu.pack_format<interleaved>} : vector<32xbf16> -> vector<16xf32>
        %unpack3A_463 = tpu.unpack_subelements %get3A_461, 1 {pack_format = #tpu.pack_format<interleaved>} : vector<32xbf16> -> vector<16xf32>
        %add3A_464 = arith.addf %add3A_442, %unpack3A_462 : vector<16xf32>
        %add3A_465 = arith.addf %add3A_443, %unpack3A_463 : vector<16xf32>
        %get3A_466 = arith.constant 1 : i32
        %get3A_467 = arith.index_cast %get3A_466 : i32 to index
        %get3A_468 = arith.index_cast %add3A_456 : i32 to index
        %get3A_469 = arith.constant 32 : index
        %get3A_470 = tpu.vector_load %arg6[%get3A_467, %get3A_468, %get3A_469] {strides = array<i32>} : memref<8x104x64xbf16, #tpu.memory_space<vmem>>, vector<32xbf16>,
        %unpack3A_471 = tpu.unpack_subelements %get3A_470, 0 {pack_format = #tpu.pack_format<interleaved>} : vector<32xbf16> -> vector<16xf32>
        %unpack3A_472 = tpu.unpack_subelements %get3A_470, 1 {pack_format = #tpu.pack_format<interleaved>} : vector<32xbf16> -> vector<16xf32>
        %add3A_473 = arith.addf %add3A_451, %unpack3A_471 : vector<16xf32>
        %add3A_474 = arith.addf %add3A_452, %unpack3A_472 : vector<16xf32>
        %mul3A_475 = arith.constant 4 : i32
        %mul3A_476 = arith.muli %scan3A_428, %mul3A_475 : i32
        %add3A_477 = arith.constant 2 : i32
        %add3A_478 = arith.addi %mul3A_476, %add3A_477 : i32
        %get3A_479 = arith.constant 1 : i32
        %get3A_480 = arith.index_cast %get3A_479 : i32 to index
        %get3A_481 = arith.index_cast %add3A_478 : i32 to index
        %get3A_482 = arith.constant 0 : index
        %get3A_483 = tpu.vector_load %arg6[%get3A_480, %get3A_481, %get3A_482] {strides = array<i32>} : memref<8x104x64xbf16, #tpu.memory_space<vmem>>, vector<32xbf16>,
        %unpack3A_484 = tpu.unpack_subelements %get3A_483, 0 {pack_format = #tpu.pack_format<interleaved>} : vector<32xbf16> -> vector<16xf32>
        %unpack3A_485 = tpu.unpack_subelements %get3A_483, 1 {pack_format = #tpu.pack_format<interleaved>} : vector<32xbf16> -> vector<16xf32>
        %add3A_486 = arith.addf %add3A_464, %unpack3A_484 : vector<16xf32>
        %add3A_487 = arith.addf %add3A_465, %unpack3A_485 : vector<16xf32>
        %get3A_488 = arith.constant 1 : i32
        %get3A_489 = arith.index_cast %get3A_488 : i32 to index
        %get3A_490 = arith.index_cast %add3A_478 : i32 to index
        %get3A_491 = arith.constant 32 : index
        %get3A_492 = tpu.vector_load %arg6[%get3A_489, %get3A_490, %get3A_491] {strides = array<i32>} : memref<8x104x64xbf16, #tpu.memory_space<vmem>>, vector<32xbf16>,
        %unpack3A_493 = tpu.unpack_subelements %get3A_492, 0 {pack_format = #tpu.pack_format<interleaved>} : vector<32xbf16> -> vector<16xf32>
        %unpack3A_494 = tpu.unpack_subelements %get3A_492, 1 {pack_format = #tpu.pack_format<interleaved>} : vector<32xbf16> -> vector<16xf32>
        %add3A_495 = arith.addf %add3A_473, %unpack3A_493 : vector<16xf32>
        %add3A_496 = arith.addf %add3A_474, %unpack3A_494 : vector<16xf32>
        %mul3A_497 = arith.constant 4 : i32
        %mul3A_498 = arith.muli %scan3A_428, %mul3A_497 : i32
        %add3A_499 = arith.constant 3 : i32
        %add3A_500 = arith.addi %mul3A_498, %add3A_499 : i32
        %get3A_501 = arith.constant 1 : i32
        %get3A_502 = arith.index_cast %get3A_501 : i32 to index
        %get3A_503 = arith.index_cast %add3A_500 : i32 to index
        %get3A_504 = arith.constant 0 : index
        %get3A_505 = tpu.vector_load %arg6[%get3A_502, %get3A_503, %get3A_504] {strides = array<i32>} : memref<8x104x64xbf16, #tpu.memory_space<vmem>>, vector<32xbf16>,
        %unpack3A_506 = tpu.unpack_subelements %get3A_505, 0 {pack_format = #tpu.pack_format<interleaved>} : vector<32xbf16> -> vector<16xf32>
        %unpack3A_507 = tpu.unpack_subelements %get3A_505, 1 {pack_format = #tpu.pack_format<interleaved>} : vector<32xbf16> -> vector<16xf32>
        %add3A_508 = arith.addf %add3A_486, %unpack3A_506 : vector<16xf32>
        %add3A_509 = arith.addf %add3A_487, %unpack3A_507 : vector<16xf32>
        %get3A_510 = arith.constant 1 : i32
        %get3A_511 = arith.index_cast %get3A_510 : i32 to index
        %get3A_512 = arith.index_cast %add3A_500 : i32 to index
        %get3A_513 = arith.constant 32 : index
        %get3A_514 = tpu.vector_load %arg6[%get3A_511, %get3A_512, %get3A_513] {strides = array<i32>} : memref<8x104x64xbf16, #tpu.memory_space<vmem>>, vector<32xbf16>,
        %unpack3A_515 = tpu.unpack_subelements %get3A_514, 0 {pack_format = #tpu.pack_format<interleaved>} : vector<32xbf16> -> vector<16xf32>
        %unpack3A_516 = tpu.unpack_subelements %get3A_514, 1 {pack_format = #tpu.pack_format<interleaved>} : vector<32xbf16> -> vector<16xf32>
        %add3A_517 = arith.addf %add3A_495, %unpack3A_515 : vector<16xf32>
        %add3A_518 = arith.addf %add3A_496, %unpack3A_516 : vector<16xf32>
        scf.yield %add3A_508, %add3A_509, %add3A_517, %add3A_518 : vector<16xf32>, vector<16xf32>, vector<16xf32>, vector<16xf32>
      }
      %scan3A_155 = arith.constant 26 : i32
      %mul3A_156 = arith.constant 4 : i32
      %mul3A_157 = arith.muli %mul3A_156, %scan3A_105 : i32
      %add3A_158 = arith.constant 0 : i32
      %add3A_159 = arith.addi %mul3A_157, %add3A_158 : i32
      %add3A_160 = arith.addf %scan3A_126#0, %scan3A_154#0 : vector<16xf32>
      %swap3A = arith.index_cast %add3A_159 : i32 to index
      %swap3A_161 = arith.constant 0 : index
      %swap3A_162 = tpu.vector_load %arg7[%swap3A, %swap3A_161] {strides = array<i32>} : memref<128x64xf32, #tpu.memory_space<vmem>>, vector<16xf32>,
      tpu.vector_store %arg7[%swap3A, %swap3A_161], %add3A_160 {strides = array<i32>} : memref<128x64xf32, #tpu.memory_space<vmem>>, vector<16xf32>,
      %add3A_163 = arith.addf %scan3A_126#1, %scan3A_154#1 : vector<16xf32>
      %swap3A_164 = arith.index_cast %add3A_159 : i32 to index
      %swap3A_165 = arith.constant 16 : index
      %swap3A_166 = tpu.vector_load %arg7[%swap3A_164, %swap3A_165] {strides = array<i32>} : memref<128x64xf32, #tpu.memory_space<vmem>>, vector<16xf32>,
      tpu.vector_store %arg7[%swap3A_164, %swap3A_165], %add3A_163 {strides = array<i32>} : memref<128x64xf32, #tpu.memory_space<vmem>>, vector<16xf32>,
      %add3A_167 = arith.addf %scan3A_126#2, %scan3A_154#2 : vector<16xf32>
      %swap3A_168 = arith.index_cast %add3A_159 : i32 to index
      %swap3A_169 = arith.constant 32 : index
      %swap3A_170 = tpu.vector_load %arg7[%swap3A_168, %swap3A_169] {strides = array<i32>} : memref<128x64xf32, #tpu.memory_space<vmem>>, vector<16xf32>,
      tpu.vector_store %arg7[%swap3A_168, %swap3A_169], %add3A_167 {strides = array<i32>} : memref<128x64xf32, #tpu.memory_space<vmem>>, vector<16xf32>,
      %add3A_171 = arith.addf %scan3A_126#3, %scan3A_154#3 : vector<16xf32>
      %swap3A_172 = arith.index_cast %add3A_159 : i32 to index
      %swap3A_173 = arith.constant 48 : index
      %swap3A_174 = tpu.vector_load %arg7[%swap3A_172, %swap3A_173] {strides = array<i32>} : memref<128x64xf32, #tpu.memory_space<vmem>>, vector<16xf32>,
      tpu.vector_store %arg7[%swap3A_172, %swap3A_173], %add3A_171 {strides = array<i32>} : memref<128x64xf32, #tpu.memory_space<vmem>>, vector<16xf32>,
      %add3A_175 = arith.constant 8 : i32
      %add3A_176 = arith.addi %add3A_135, %add3A_175 : i32
      %lt3A_177 = arith.constant 256 : i32
      %lt3A_178 = arith.cmpi slt, %add3A_176, %lt3A_177 : i32
      %convert_element_type3A_179 = arith.extui %lt3A_178 : i1 to i32
      %cond3A_180 = arith.constant 0 : i32
      %cond3A_181 = arith.cmpi ne, %convert_element_type3A_179, %cond3A_180 : i32
      scf.if %cond3A_181 {
        %add3A_428 = arith.constant 8 : i32
        %add3A_429 = arith.addi %add3A_135, %add3A_428 : i32
        %dma_start3A_430 = arith.constant 1 : i32
        %dma_start3A_431 = arith.constant 0 : i32
        %dma_start3A_432 = arith.constant 0 : i32
        %dma_start3A_433 = tpu.memref_slice %arg6[%dma_start3A_430, %dma_start3A_431, %dma_start3A_432] : memref<8x104x64xbf16, #tpu.memory_space<vmem>> -> memref<1x104x64xbf16, #tpu.memory_space<vmem>>
        %dma_start3A_434 = tpu.memref_squeeze %dma_start3A_433 : memref<1x104x64xbf16, #tpu.memory_space<vmem>> -> memref<104x64xbf16, #tpu.memory_space<vmem>>
        %dma_start3A_435 = arith.constant 0 : i32
        %dma_start3A_436 = tpu.memref_slice %arg5[%add3A_429, %dma_start3A_435] : memref<256x104xi32, #tpu.memory_space<vmem>> -> memref<1x104xi32, #tpu.memory_space<vmem>>
        %dma_start3A_437 = tpu.memref_squeeze %dma_start3A_436 : memref<1x104xi32, #tpu.memory_space<vmem>> -> memref<104xi32, #tpu.memory_space<vmem>>
        %dma_start3A_438 = arith.constant 0 : i32
        %dma_start3A_439 = arith.constant 0 : i32
        %dma_start3A_440 = tpu.memref_slice %arg3[%dma_start3A_438, %dma_start3A_439] : memref<1000000x64xbf16, #tpu.memory_space<hbm>> -> memref<1000000x64xbf16, #tpu.memory_space<hbm>>
        tpu.enqueue_indirect_dma source(%dma_start3A_440 : memref<1000000x64xbf16, #tpu.memory_space<hbm>>) target(%dma_start3A_434 : memref<104x64xbf16, #tpu.memory_space<vmem>>) offsets(%dma_start3A_437 : memref<104xi32, #tpu.memory_space<vmem>>) semaphore(%arg9 : memref<!tpu.dma_semaphore, #tpu.memory_space<semaphore_mem>>)
      } else {
      }
      %mul3A_182 = arith.constant 8 : i32
      %mul3A_183 = arith.muli %mul3A_182, %scan3A_105 : i32
      %add3A_184 = arith.constant 2 : i32
      %add3A_185 = arith.addi %mul3A_183, %add3A_184 : i32
      %dma_wait3A_186 = arith.constant 0 : i32
      %dma_wait3A_187 = arith.constant 2 : i32
      %dma_wait3A_188 = arith.constant 0 : i32
      %dma_wait3A_189 = arith.constant 0 : i32
      %dma_wait3A_190 = tpu.memref_slice %arg6[%dma_wait3A_187, %dma_wait3A_188, %dma_wait3A_189] : memref<8x104x64xbf16, #tpu.memory_space<vmem>> -> memref<1x104x64xbf16, #tpu.memory_space<vmem>>
      %dma_wait3A_191 = tpu.memref_squeeze %dma_wait3A_190 : memref<1x104x64xbf16, #tpu.memory_space<vmem>> -> memref<104x64xbf16, #tpu.memory_space<vmem>>
      %dma_wait3A_192 = arith.constant 0 : i32
      %dma_wait3A_193 = tpu.memref_slice %arg5[%dma_wait3A_186, %dma_wait3A_192] : memref<256x104xi32, #tpu.memory_space<vmem>> -> memref<1x104xi32, #tpu.memory_space<vmem>>
      %dma_wait3A_194 = tpu.memref_squeeze %dma_wait3A_193 : memref<1x104xi32, #tpu.memory_space<vmem>> -> memref<104xi32, #tpu.memory_space<vmem>>
      %dma_wait3A_195 = arith.constant 0 : i32
      %dma_wait3A_196 = arith.constant 0 : i32
      %dma_wait3A_197 = tpu.memref_slice %arg3[%dma_wait3A_195, %dma_wait3A_196] : memref<1000000x64xbf16, #tpu.memory_space<hbm>> -> memref<1000000x64xbf16, #tpu.memory_space<hbm>>
      tpu.wait_indirect_dma semaphore(%arg10 : memref<!tpu.dma_semaphore, #tpu.memory_space<semaphore_mem>>) src(%dma_wait3A_197 : memref<1000000x64xbf16, #tpu.memory_space<hbm>>) dst(%dma_wait3A_191 : memref<104x64xbf16, #tpu.memory_space<vmem>>)
      %broadcast_in_dim3A_198 = arith.constant 0.000000e+00 : f32
      %broadcast_in_dim3A_199 = vector.broadcast %broadcast_in_dim3A_198 : f32 to vector<16xf32>
      %scan3A_200 = arith.constant 0 : i32
      %scan3A_201 = arith.constant 26 : i32
      %scan3A_202 = arith.addi %scan3A_200, %scan3A_201 : i32
      %scan3A_203 = arith.constant 1 : i32
      %scan3A_204:4 = scf.for %scan3A_428 = %scan3A_200 to %scan3A_202 step %scan3A_203 iter_args(%scan3A_429 = %broadcast_in_dim3A_199, %scan3A_430 = %broadcast_in_dim3A_199, %scan3A_431 = %broadcast_in_dim3A_199, %scan3A_432 = %broadcast_in_dim3A_199) -> (vector<16xf32>, vector<16xf32>, vector<16xf32>, vector<16xf32>)  : i32 {
        %mul3A_433 = arith.constant 4 : i32
        %mul3A_434 = arith.muli %scan3A_428, %mul3A_433 : i32
        %add3A_435 = arith.constant 0 : i32
        %add3A_436 = arith.addi %mul3A_434, %add3A_435 : i32
        %get3A = arith.constant 2 : i32
        %get3A_437 = arith.index_cast %get3A : i32 to index
        %get3A_438 = arith.index_cast %add3A_436 : i32 to index
        %get3A_439 = arith.constant 0 : index
        %get3A_440 = tpu.vector_load %arg6[%get3A_437, %get3A_438, %get3A_439] {strides = array<i32>} : memref<8x104x64xbf16, #tpu.memory_space<vmem>>, vector<32xbf16>,
        %unpack3A = tpu.unpack_subelements %get3A_440, 0 {pack_format = #tpu.pack_format<interleaved>} : vector<32xbf16> -> vector<16xf32>
        %unpack3A_441 = tpu.unpack_subelements %get3A_440, 1 {pack_format = #tpu.pack_format<interleaved>} : vector<32xbf16> -> vector<16xf32>
        %add3A_442 = arith.addf %scan3A_429, %unpack3A : vector<16xf32>
        %add3A_443 = arith.addf %scan3A_430, %unpack3A_441 : vector<16xf32>
        %get3A_444 = arith.constant 2 : i32
        %get3A_445 = arith.index_cast %get3A_444 : i32 to index
        %get3A_446 = arith.index_cast %add3A_436 : i32 to index
        %get3A_447 = arith.constant 32 : index
        %get3A_448 = tpu.vector_load %arg6[%get3A_445, %get3A_446, %get3A_447] {strides = array<i32>} : memref<8x104x64xbf16, #tpu.memory_space<vmem>>, vector<32xbf16>,
        %unpack3A_449 = tpu.unpack_subelements %get3A_448, 0 {pack_format = #tpu.pack_format<interleaved>} : vector<32xbf16> -> vector<16xf32>
        %unpack3A_450 = tpu.unpack_subelements %get3A_448, 1 {pack_format = #tpu.pack_format<interleaved>} : vector<32xbf16> -> vector<16xf32>
        %add3A_451 = arith.addf %scan3A_431, %unpack3A_449 : vector<16xf32>
        %add3A_452 = arith.addf %scan3A_432, %unpack3A_450 : vector<16xf32>
        %mul3A_453 = arith.constant 4 : i32
        %mul3A_454 = arith.muli %scan3A_428, %mul3A_453 : i32
        %add3A_455 = arith.constant 1 : i32
        %add3A_456 = arith.addi %mul3A_454, %add3A_455 : i32
        %get3A_457 = arith.constant 2 : i32
        %get3A_458 = arith.index_cast %get3A_457 : i32 to index
        %get3A_459 = arith.index_cast %add3A_456 : i32 to index
        %get3A_460 = arith.constant 0 : index
        %get3A_461 = tpu.vector_load %arg6[%get3A_458, %get3A_459, %get3A_460] {strides = array<i32>} : memref<8x104x64xbf16, #tpu.memory_space<vmem>>, vector<32xbf16>,
        %unpack3A_462 = tpu.unpack_subelements %get3A_461, 0 {pack_format = #tpu.pack_format<interleaved>} : vector<32xbf16> -> vector<16xf32>
        %unpack3A_463 = tpu.unpack_subelements %get3A_461, 1 {pack_format = #tpu.pack_format<interleaved>} : vector<32xbf16> -> vector<16xf32>
        %add3A_464 = arith.addf %add3A_442, %unpack3A_462 : vector<16xf32>
        %add3A_465 = arith.addf %add3A_443, %unpack3A_463 : vector<16xf32>
        %get3A_466 = arith.constant 2 : i32
        %get3A_467 = arith.index_cast %get3A_466 : i32 to index
        %get3A_468 = arith.index_cast %add3A_456 : i32 to index
        %get3A_469 = arith.constant 32 : index
        %get3A_470 = tpu.vector_load %arg6[%get3A_467, %get3A_468, %get3A_469] {strides = array<i32>} : memref<8x104x64xbf16, #tpu.memory_space<vmem>>, vector<32xbf16>,
        %unpack3A_471 = tpu.unpack_subelements %get3A_470, 0 {pack_format = #tpu.pack_format<interleaved>} : vector<32xbf16> -> vector<16xf32>
        %unpack3A_472 = tpu.unpack_subelements %get3A_470, 1 {pack_format = #tpu.pack_format<interleaved>} : vector<32xbf16> -> vector<16xf32>
        %add3A_473 = arith.addf %add3A_451, %unpack3A_471 : vector<16xf32>
        %add3A_474 = arith.addf %add3A_452, %unpack3A_472 : vector<16xf32>
        %mul3A_475 = arith.constant 4 : i32
        %mul3A_476 = arith.muli %scan3A_428, %mul3A_475 : i32
        %add3A_477 = arith.constant 2 : i32
        %add3A_478 = arith.addi %mul3A_476, %add3A_477 : i32
        %get3A_479 = arith.constant 2 : i32
        %get3A_480 = arith.index_cast %get3A_479 : i32 to index
        %get3A_481 = arith.index_cast %add3A_478 : i32 to index
        %get3A_482 = arith.constant 0 : index
        %get3A_483 = tpu.vector_load %arg6[%get3A_480, %get3A_481, %get3A_482] {strides = array<i32>} : memref<8x104x64xbf16, #tpu.memory_space<vmem>>, vector<32xbf16>,
        %unpack3A_484 = tpu.unpack_subelements %get3A_483, 0 {pack_format = #tpu.pack_format<interleaved>} : vector<32xbf16> -> vector<16xf32>
        %unpack3A_485 = tpu.unpack_subelements %get3A_483, 1 {pack_format = #tpu.pack_format<interleaved>} : vector<32xbf16> -> vector<16xf32>
        %add3A_486 = arith.addf %add3A_464, %unpack3A_484 : vector<16xf32>
        %add3A_487 = arith.addf %add3A_465, %unpack3A_485 : vector<16xf32>
        %get3A_488 = arith.constant 2 : i32
        %get3A_489 = arith.index_cast %get3A_488 : i32 to index
        %get3A_490 = arith.index_cast %add3A_478 : i32 to index
        %get3A_491 = arith.constant 32 : index
        %get3A_492 = tpu.vector_load %arg6[%get3A_489, %get3A_490, %get3A_491] {strides = array<i32>} : memref<8x104x64xbf16, #tpu.memory_space<vmem>>, vector<32xbf16>,
        %unpack3A_493 = tpu.unpack_subelements %get3A_492, 0 {pack_format = #tpu.pack_format<interleaved>} : vector<32xbf16> -> vector<16xf32>
        %unpack3A_494 = tpu.unpack_subelements %get3A_492, 1 {pack_format = #tpu.pack_format<interleaved>} : vector<32xbf16> -> vector<16xf32>
        %add3A_495 = arith.addf %add3A_473, %unpack3A_493 : vector<16xf32>
        %add3A_496 = arith.addf %add3A_474, %unpack3A_494 : vector<16xf32>
        %mul3A_497 = arith.constant 4 : i32
        %mul3A_498 = arith.muli %scan3A_428, %mul3A_497 : i32
        %add3A_499 = arith.constant 3 : i32
        %add3A_500 = arith.addi %mul3A_498, %add3A_499 : i32
        %get3A_501 = arith.constant 2 : i32
        %get3A_502 = arith.index_cast %get3A_501 : i32 to index
        %get3A_503 = arith.index_cast %add3A_500 : i32 to index
        %get3A_504 = arith.constant 0 : index
        %get3A_505 = tpu.vector_load %arg6[%get3A_502, %get3A_503, %get3A_504] {strides = array<i32>} : memref<8x104x64xbf16, #tpu.memory_space<vmem>>, vector<32xbf16>,
        %unpack3A_506 = tpu.unpack_subelements %get3A_505, 0 {pack_format = #tpu.pack_format<interleaved>} : vector<32xbf16> -> vector<16xf32>
        %unpack3A_507 = tpu.unpack_subelements %get3A_505, 1 {pack_format = #tpu.pack_format<interleaved>} : vector<32xbf16> -> vector<16xf32>
        %add3A_508 = arith.addf %add3A_486, %unpack3A_506 : vector<16xf32>
        %add3A_509 = arith.addf %add3A_487, %unpack3A_507 : vector<16xf32>
        %get3A_510 = arith.constant 2 : i32
        %get3A_511 = arith.index_cast %get3A_510 : i32 to index
        %get3A_512 = arith.index_cast %add3A_500 : i32 to index
        %get3A_513 = arith.constant 32 : index
        %get3A_514 = tpu.vector_load %arg6[%get3A_511, %get3A_512, %get3A_513] {strides = array<i32>} : memref<8x104x64xbf16, #tpu.memory_space<vmem>>, vector<32xbf16>,
        %unpack3A_515 = tpu.unpack_subelements %get3A_514, 0 {pack_format = #tpu.pack_format<interleaved>} : vector<32xbf16> -> vector<16xf32>
        %unpack3A_516 = tpu.unpack_subelements %get3A_514, 1 {pack_format = #tpu.pack_format<interleaved>} : vector<32xbf16> -> vector<16xf32>
        %add3A_517 = arith.addf %add3A_495, %unpack3A_515 : vector<16xf32>
        %add3A_518 = arith.addf %add3A_496, %unpack3A_516 : vector<16xf32>
        scf.yield %add3A_508, %add3A_509, %add3A_517, %add3A_518 : vector<16xf32>, vector<16xf32>, vector<16xf32>, vector<16xf32>
      }
      %scan3A_205 = arith.constant 26 : i32
      %add3A_206 = arith.constant 8 : i32
      %add3A_207 = arith.addi %add3A_185, %add3A_206 : i32
      %lt3A_208 = arith.constant 256 : i32
      %lt3A_209 = arith.cmpi slt, %add3A_207, %lt3A_208 : i32
      %convert_element_type3A_210 = arith.extui %lt3A_209 : i1 to i32
      %cond3A_211 = arith.constant 0 : i32
      %cond3A_212 = arith.cmpi ne, %convert_element_type3A_210, %cond3A_211 : i32
      scf.if %cond3A_212 {
        %add3A_428 = arith.constant 8 : i32
        %add3A_429 = arith.addi %add3A_185, %add3A_428 : i32
        %dma_start3A_430 = arith.constant 2 : i32
        %dma_start3A_431 = arith.constant 0 : i32
        %dma_start3A_432 = arith.constant 0 : i32
        %dma_start3A_433 = tpu.memref_slice %arg6[%dma_start3A_430, %dma_start3A_431, %dma_start3A_432] : memref<8x104x64xbf16, #tpu.memory_space<vmem>> -> memref<1x104x64xbf16, #tpu.memory_space<vmem>>
        %dma_start3A_434 = tpu.memref_squeeze %dma_start3A_433 : memref<1x104x64xbf16, #tpu.memory_space<vmem>> -> memref<104x64xbf16, #tpu.memory_space<vmem>>
        %dma_start3A_435 = arith.constant 0 : i32
        %dma_start3A_436 = tpu.memref_slice %arg5[%add3A_429, %dma_start3A_435] : memref<256x104xi32, #tpu.memory_space<vmem>> -> memref<1x104xi32, #tpu.memory_space<vmem>>
        %dma_start3A_437 = tpu.memref_squeeze %dma_start3A_436 : memref<1x104xi32, #tpu.memory_space<vmem>> -> memref<104xi32, #tpu.memory_space<vmem>>
        %dma_start3A_438 = arith.constant 0 : i32
        %dma_start3A_439 = arith.constant 0 : i32
        %dma_start3A_440 = tpu.memref_slice %arg3[%dma_start3A_438, %dma_start3A_439] : memref<1000000x64xbf16, #tpu.memory_space<hbm>> -> memref<1000000x64xbf16, #tpu.memory_space<hbm>>
        tpu.enqueue_indirect_dma source(%dma_start3A_440 : memref<1000000x64xbf16, #tpu.memory_space<hbm>>) target(%dma_start3A_434 : memref<104x64xbf16, #tpu.memory_space<vmem>>) offsets(%dma_start3A_437 : memref<104xi32, #tpu.memory_space<vmem>>) semaphore(%arg10 : memref<!tpu.dma_semaphore, #tpu.memory_space<semaphore_mem>>)
      } else {
      }
      %mul3A_213 = arith.constant 8 : i32
      %mul3A_214 = arith.muli %mul3A_213, %scan3A_105 : i32
      %add3A_215 = arith.constant 3 : i32
      %add3A_216 = arith.addi %mul3A_214, %add3A_215 : i32
      %dma_wait3A_217 = arith.constant 0 : i32
      %dma_wait3A_218 = arith.constant 3 : i32
      %dma_wait3A_219 = arith.constant 0 : i32
      %dma_wait3A_220 = arith.constant 0 : i32
      %dma_wait3A_221 = tpu.memref_slice %arg6[%dma_wait3A_218, %dma_wait3A_219, %dma_wait3A_220] : memref<8x104x64xbf16, #tpu.memory_space<vmem>> -> memref<1x104x64xbf16, #tpu.memory_space<vmem>>
      %dma_wait3A_222 = tpu.memref_squeeze %dma_wait3A_221 : memref<1x104x64xbf16, #tpu.memory_space<vmem>> -> memref<104x64xbf16, #tpu.memory_space<vmem>>
      %dma_wait3A_223 = arith.constant 0 : i32
      %dma_wait3A_224 = tpu.memref_slice %arg5[%dma_wait3A_217, %dma_wait3A_223] : memref<256x104xi32, #tpu.memory_space<vmem>> -> memref<1x104xi32, #tpu.memory_space<vmem>>
      %dma_wait3A_225 = tpu.memref_squeeze %dma_wait3A_224 : memref<1x104xi32, #tpu.memory_space<vmem>> -> memref<104xi32, #tpu.memory_space<vmem>>
      %dma_wait3A_226 = arith.constant 0 : i32
      %dma_wait3A_227 = arith.constant 0 : i32
      %dma_wait3A_228 = tpu.memref_slice %arg3[%dma_wait3A_226, %dma_wait3A_227] : memref<1000000x64xbf16, #tpu.memory_space<hbm>> -> memref<1000000x64xbf16, #tpu.memory_space<hbm>>
      tpu.wait_indirect_dma semaphore(%arg11 : memref<!tpu.dma_semaphore, #tpu.memory_space<semaphore_mem>>) src(%dma_wait3A_228 : memref<1000000x64xbf16, #tpu.memory_space<hbm>>) dst(%dma_wait3A_222 : memref<104x64xbf16, #tpu.memory_space<vmem>>)
      %broadcast_in_dim3A_229 = arith.constant 0.000000e+00 : f32
      %broadcast_in_dim3A_230 = vector.broadcast %broadcast_in_dim3A_229 : f32 to vector<16xf32>
      %scan3A_231 = arith.constant 0 : i32
      %scan3A_232 = arith.constant 26 : i32
      %scan3A_233 = arith.addi %scan3A_231, %scan3A_232 : i32
      %scan3A_234 = arith.constant 1 : i32
      %scan3A_235:4 = scf.for %scan3A_428 = %scan3A_231 to %scan3A_233 step %scan3A_234 iter_args(%scan3A_429 = %broadcast_in_dim3A_230, %scan3A_430 = %broadcast_in_dim3A_230, %scan3A_431 = %broadcast_in_dim3A_230, %scan3A_432 = %broadcast_in_dim3A_230) -> (vector<16xf32>, vector<16xf32>, vector<16xf32>, vector<16xf32>)  : i32 {
        %mul3A_433 = arith.constant 4 : i32
        %mul3A_434 = arith.muli %scan3A_428, %mul3A_433 : i32
        %add3A_435 = arith.constant 0 : i32
        %add3A_436 = arith.addi %mul3A_434, %add3A_435 : i32
        %get3A = arith.constant 3 : i32
        %get3A_437 = arith.index_cast %get3A : i32 to index
        %get3A_438 = arith.index_cast %add3A_436 : i32 to index
        %get3A_439 = arith.constant 0 : index
        %get3A_440 = tpu.vector_load %arg6[%get3A_437, %get3A_438, %get3A_439] {strides = array<i32>} : memref<8x104x64xbf16, #tpu.memory_space<vmem>>, vector<32xbf16>,
        %unpack3A = tpu.unpack_subelements %get3A_440, 0 {pack_format = #tpu.pack_format<interleaved>} : vector<32xbf16> -> vector<16xf32>
        %unpack3A_441 = tpu.unpack_subelements %get3A_440, 1 {pack_format = #tpu.pack_format<interleaved>} : vector<32xbf16> -> vector<16xf32>
        %add3A_442 = arith.addf %scan3A_429, %unpack3A : vector<16xf32>
        %add3A_443 = arith.addf %scan3A_430, %unpack3A_441 : vector<16xf32>
        %get3A_444 = arith.constant 3 : i32
        %get3A_445 = arith.index_cast %get3A_444 : i32 to index
        %get3A_446 = arith.index_cast %add3A_436 : i32 to index
        %get3A_447 = arith.constant 32 : index
        %get3A_448 = tpu.vector_load %arg6[%get3A_445, %get3A_446, %get3A_447] {strides = array<i32>} : memref<8x104x64xbf16, #tpu.memory_space<vmem>>, vector<32xbf16>,
        %unpack3A_449 = tpu.unpack_subelements %get3A_448, 0 {pack_format = #tpu.pack_format<interleaved>} : vector<32xbf16> -> vector<16xf32>
        %unpack3A_450 = tpu.unpack_subelements %get3A_448, 1 {pack_format = #tpu.pack_format<interleaved>} : vector<32xbf16> -> vector<16xf32>
        %add3A_451 = arith.addf %scan3A_431, %unpack3A_449 : vector<16xf32>
        %add3A_452 = arith.addf %scan3A_432, %unpack3A_450 : vector<16xf32>
        %mul3A_453 = arith.constant 4 : i32
        %mul3A_454 = arith.muli %scan3A_428, %mul3A_453 : i32
        %add3A_455 = arith.constant 1 : i32
        %add3A_456 = arith.addi %mul3A_454, %add3A_455 : i32
        %get3A_457 = arith.constant 3 : i32
        %get3A_458 = arith.index_cast %get3A_457 : i32 to index
        %get3A_459 = arith.index_cast %add3A_456 : i32 to index
        %get3A_460 = arith.constant 0 : index
        %get3A_461 = tpu.vector_load %arg6[%get3A_458, %get3A_459, %get3A_460] {strides = array<i32>} : memref<8x104x64xbf16, #tpu.memory_space<vmem>>, vector<32xbf16>,
        %unpack3A_462 = tpu.unpack_subelements %get3A_461, 0 {pack_format = #tpu.pack_format<interleaved>} : vector<32xbf16> -> vector<16xf32>
        %unpack3A_463 = tpu.unpack_subelements %get3A_461, 1 {pack_format = #tpu.pack_format<interleaved>} : vector<32xbf16> -> vector<16xf32>
        %add3A_464 = arith.addf %add3A_442, %unpack3A_462 : vector<16xf32>
        %add3A_465 = arith.addf %add3A_443, %unpack3A_463 : vector<16xf32>
        %get3A_466 = arith.constant 3 : i32
        %get3A_467 = arith.index_cast %get3A_466 : i32 to index
        %get3A_468 = arith.index_cast %add3A_456 : i32 to index
        %get3A_469 = arith.constant 32 : index
        %get3A_470 = tpu.vector_load %arg6[%get3A_467, %get3A_468, %get3A_469] {strides = array<i32>} : memref<8x104x64xbf16, #tpu.memory_space<vmem>>, vector<32xbf16>,
        %unpack3A_471 = tpu.unpack_subelements %get3A_470, 0 {pack_format = #tpu.pack_format<interleaved>} : vector<32xbf16> -> vector<16xf32>
        %unpack3A_472 = tpu.unpack_subelements %get3A_470, 1 {pack_format = #tpu.pack_format<interleaved>} : vector<32xbf16> -> vector<16xf32>
        %add3A_473 = arith.addf %add3A_451, %unpack3A_471 : vector<16xf32>
        %add3A_474 = arith.addf %add3A_452, %unpack3A_472 : vector<16xf32>
        %mul3A_475 = arith.constant 4 : i32
        %mul3A_476 = arith.muli %scan3A_428, %mul3A_475 : i32
        %add3A_477 = arith.constant 2 : i32
        %add3A_478 = arith.addi %mul3A_476, %add3A_477 : i32
        %get3A_479 = arith.constant 3 : i32
        %get3A_480 = arith.index_cast %get3A_479 : i32 to index
        %get3A_481 = arith.index_cast %add3A_478 : i32 to index
        %get3A_482 = arith.constant 0 : index
        %get3A_483 = tpu.vector_load %arg6[%get3A_480, %get3A_481, %get3A_482] {strides = array<i32>} : memref<8x104x64xbf16, #tpu.memory_space<vmem>>, vector<32xbf16>,
        %unpack3A_484 = tpu.unpack_subelements %get3A_483, 0 {pack_format = #tpu.pack_format<interleaved>} : vector<32xbf16> -> vector<16xf32>
        %unpack3A_485 = tpu.unpack_subelements %get3A_483, 1 {pack_format = #tpu.pack_format<interleaved>} : vector<32xbf16> -> vector<16xf32>
        %add3A_486 = arith.addf %add3A_464, %unpack3A_484 : vector<16xf32>
        %add3A_487 = arith.addf %add3A_465, %unpack3A_485 : vector<16xf32>
        %get3A_488 = arith.constant 3 : i32
        %get3A_489 = arith.index_cast %get3A_488 : i32 to index
        %get3A_490 = arith.index_cast %add3A_478 : i32 to index
        %get3A_491 = arith.constant 32 : index
        %get3A_492 = tpu.vector_load %arg6[%get3A_489, %get3A_490, %get3A_491] {strides = array<i32>} : memref<8x104x64xbf16, #tpu.memory_space<vmem>>, vector<32xbf16>,
        %unpack3A_493 = tpu.unpack_subelements %get3A_492, 0 {pack_format = #tpu.pack_format<interleaved>} : vector<32xbf16> -> vector<16xf32>
        %unpack3A_494 = tpu.unpack_subelements %get3A_492, 1 {pack_format = #tpu.pack_format<interleaved>} : vector<32xbf16> -> vector<16xf32>
        %add3A_495 = arith.addf %add3A_473, %unpack3A_493 : vector<16xf32>
        %add3A_496 = arith.addf %add3A_474, %unpack3A_494 : vector<16xf32>
        %mul3A_497 = arith.constant 4 : i32
        %mul3A_498 = arith.muli %scan3A_428, %mul3A_497 : i32
        %add3A_499 = arith.constant 3 : i32
        %add3A_500 = arith.addi %mul3A_498, %add3A_499 : i32
        %get3A_501 = arith.constant 3 : i32
        %get3A_502 = arith.index_cast %get3A_501 : i32 to index
        %get3A_503 = arith.index_cast %add3A_500 : i32 to index
        %get3A_504 = arith.constant 0 : index
        %get3A_505 = tpu.vector_load %arg6[%get3A_502, %get3A_503, %get3A_504] {strides = array<i32>} : memref<8x104x64xbf16, #tpu.memory_space<vmem>>, vector<32xbf16>,
        %unpack3A_506 = tpu.unpack_subelements %get3A_505, 0 {pack_format = #tpu.pack_format<interleaved>} : vector<32xbf16> -> vector<16xf32>
        %unpack3A_507 = tpu.unpack_subelements %get3A_505, 1 {pack_format = #tpu.pack_format<interleaved>} : vector<32xbf16> -> vector<16xf32>
        %add3A_508 = arith.addf %add3A_486, %unpack3A_506 : vector<16xf32>
        %add3A_509 = arith.addf %add3A_487, %unpack3A_507 : vector<16xf32>
        %get3A_510 = arith.constant 3 : i32
        %get3A_511 = arith.index_cast %get3A_510 : i32 to index
        %get3A_512 = arith.index_cast %add3A_500 : i32 to index
        %get3A_513 = arith.constant 32 : index
        %get3A_514 = tpu.vector_load %arg6[%get3A_511, %get3A_512, %get3A_513] {strides = array<i32>} : memref<8x104x64xbf16, #tpu.memory_space<vmem>>, vector<32xbf16>,
        %unpack3A_515 = tpu.unpack_subelements %get3A_514, 0 {pack_format = #tpu.pack_format<interleaved>} : vector<32xbf16> -> vector<16xf32>
        %unpack3A_516 = tpu.unpack_subelements %get3A_514, 1 {pack_format = #tpu.pack_format<interleaved>} : vector<32xbf16> -> vector<16xf32>
        %add3A_517 = arith.addf %add3A_495, %unpack3A_515 : vector<16xf32>
        %add3A_518 = arith.addf %add3A_496, %unpack3A_516 : vector<16xf32>
        scf.yield %add3A_508, %add3A_509, %add3A_517, %add3A_518 : vector<16xf32>, vector<16xf32>, vector<16xf32>, vector<16xf32>
      }
      %scan3A_236 = arith.constant 26 : i32
      %mul3A_237 = arith.constant 4 : i32
      %mul3A_238 = arith.muli %mul3A_237, %scan3A_105 : i32
      %add3A_239 = arith.constant 1 : i32
      %add3A_240 = arith.addi %mul3A_238, %add3A_239 : i32
      %add3A_241 = arith.addf %scan3A_204#0, %scan3A_235#0 : vector<16xf32>
      %swap3A_242 = arith.index_cast %add3A_240 : i32 to index
      %swap3A_243 = arith.constant 0 : index
      %swap3A_244 = tpu.vector_load %arg7[%swap3A_242, %swap3A_243] {strides = array<i32>} : memref<128x64xf32, #tpu.memory_space<vmem>>, vector<16xf32>,
      tpu.vector_store %arg7[%swap3A_242, %swap3A_243], %add3A_241 {strides = array<i32>} : memref<128x64xf32, #tpu.memory_space<vmem>>, vector<16xf32>,
      %add3A_245 = arith.addf %scan3A_204#1, %scan3A_235#1 : vector<16xf32>
      %swap3A_246 = arith.index_cast %add3A_240 : i32 to index
      %swap3A_247 = arith.constant 16 : index
      %swap3A_248 = tpu.vector_load %arg7[%swap3A_246, %swap3A_247] {strides = array<i32>} : memref<128x64xf32, #tpu.memory_space<vmem>>, vector<16xf32>,
      tpu.vector_store %arg7[%swap3A_246, %swap3A_247], %add3A_245 {strides = array<i32>} : memref<128x64xf32, #tpu.memory_space<vmem>>, vector<16xf32>,
      %add3A_249 = arith.addf %scan3A_204#2, %scan3A_235#2 : vector<16xf32>
      %swap3A_250 = arith.index_cast %add3A_240 : i32 to index
      %swap3A_251 = arith.constant 32 : index
      %swap3A_252 = tpu.vector_load %arg7[%swap3A_250, %swap3A_251] {strides = array<i32>} : memref<128x64xf32, #tpu.memory_space<vmem>>, vector<16xf32>,
      tpu.vector_store %arg7[%swap3A_250, %swap3A_251], %add3A_249 {strides = array<i32>} : memref<128x64xf32, #tpu.memory_space<vmem>>, vector<16xf32>,
      %add3A_253 = arith.addf %scan3A_204#3, %scan3A_235#3 : vector<16xf32>
      %swap3A_254 = arith.index_cast %add3A_240 : i32 to index
      %swap3A_255 = arith.constant 48 : index
      %swap3A_256 = tpu.vector_load %arg7[%swap3A_254, %swap3A_255] {strides = array<i32>} : memref<128x64xf32, #tpu.memory_space<vmem>>, vector<16xf32>,
      tpu.vector_store %arg7[%swap3A_254, %swap3A_255], %add3A_253 {strides = array<i32>} : memref<128x64xf32, #tpu.memory_space<vmem>>, vector<16xf32>,
      %add3A_257 = arith.constant 8 : i32
      %add3A_258 = arith.addi %add3A_216, %add3A_257 : i32
      %lt3A_259 = arith.constant 256 : i32
      %lt3A_260 = arith.cmpi slt, %add3A_258, %lt3A_259 : i32
      %convert_element_type3A_261 = arith.extui %lt3A_260 : i1 to i32
      %cond3A_262 = arith.constant 0 : i32
      %cond3A_263 = arith.cmpi ne, %convert_element_type3A_261, %cond3A_262 : i32
      scf.if %cond3A_263 {
        %add3A_428 = arith.constant 8 : i32
        %add3A_429 = arith.addi %add3A_216, %add3A_428 : i32
        %dma_start3A_430 = arith.constant 3 : i32
        %dma_start3A_431 = arith.constant 0 : i32
        %dma_start3A_432 = arith.constant 0 : i32
        %dma_start3A_433 = tpu.memref_slice %arg6[%dma_start3A_430, %dma_start3A_431, %dma_start3A_432] : memref<8x104x64xbf16, #tpu.memory_space<vmem>> -> memref<1x104x64xbf16, #tpu.memory_space<vmem>>
        %dma_start3A_434 = tpu.memref_squeeze %dma_start3A_433 : memref<1x104x64xbf16, #tpu.memory_space<vmem>> -> memref<104x64xbf16, #tpu.memory_space<vmem>>
        %dma_start3A_435 = arith.constant 0 : i32
        %dma_start3A_436 = tpu.memref_slice %arg5[%add3A_429, %dma_start3A_435] : memref<256x104xi32, #tpu.memory_space<vmem>> -> memref<1x104xi32, #tpu.memory_space<vmem>>
        %dma_start3A_437 = tpu.memref_squeeze %dma_start3A_436 : memref<1x104xi32, #tpu.memory_space<vmem>> -> memref<104xi32, #tpu.memory_space<vmem>>
        %dma_start3A_438 = arith.constant 0 : i32
        %dma_start3A_439 = arith.constant 0 : i32
        %dma_start3A_440 = tpu.memref_slice %arg3[%dma_start3A_438, %dma_start3A_439] : memref<1000000x64xbf16, #tpu.memory_space<hbm>> -> memref<1000000x64xbf16, #tpu.memory_space<hbm>>
        tpu.enqueue_indirect_dma source(%dma_start3A_440 : memref<1000000x64xbf16, #tpu.memory_space<hbm>>) target(%dma_start3A_434 : memref<104x64xbf16, #tpu.memory_space<vmem>>) offsets(%dma_start3A_437 : memref<104xi32, #tpu.memory_space<vmem>>) semaphore(%arg11 : memref<!tpu.dma_semaphore, #tpu.memory_space<semaphore_mem>>)
      } else {
      }
      %mul3A_264 = arith.constant 8 : i32
      %mul3A_265 = arith.muli %mul3A_264, %scan3A_105 : i32
      %add3A_266 = arith.constant 4 : i32
      %add3A_267 = arith.addi %mul3A_265, %add3A_266 : i32
      %dma_wait3A_268 = arith.constant 0 : i32
      %dma_wait3A_269 = arith.constant 4 : i32
      %dma_wait3A_270 = arith.constant 0 : i32
      %dma_wait3A_271 = arith.constant 0 : i32
      %dma_wait3A_272 = tpu.memref_slice %arg6[%dma_wait3A_269, %dma_wait3A_270, %dma_wait3A_271] : memref<8x104x64xbf16, #tpu.memory_space<vmem>> -> memref<1x104x64xbf16, #tpu.memory_space<vmem>>
      %dma_wait3A_273 = tpu.memref_squeeze %dma_wait3A_272 : memref<1x104x64xbf16, #tpu.memory_space<vmem>> -> memref<104x64xbf16, #tpu.memory_space<vmem>>
      %dma_wait3A_274 = arith.constant 0 : i32
      %dma_wait3A_275 = tpu.memref_slice %arg5[%dma_wait3A_268, %dma_wait3A_274] : memref<256x104xi32, #tpu.memory_space<vmem>> -> memref<1x104xi32, #tpu.memory_space<vmem>>
      %dma_wait3A_276 = tpu.memref_squeeze %dma_wait3A_275 : memref<1x104xi32, #tpu.memory_space<vmem>> -> memref<104xi32, #tpu.memory_space<vmem>>
      %dma_wait3A_277 = arith.constant 0 : i32
      %dma_wait3A_278 = arith.constant 0 : i32
      %dma_wait3A_279 = tpu.memref_slice %arg3[%dma_wait3A_277, %dma_wait3A_278] : memref<1000000x64xbf16, #tpu.memory_space<hbm>> -> memref<1000000x64xbf16, #tpu.memory_space<hbm>>
      tpu.wait_indirect_dma semaphore(%arg12 : memref<!tpu.dma_semaphore, #tpu.memory_space<semaphore_mem>>) src(%dma_wait3A_279 : memref<1000000x64xbf16, #tpu.memory_space<hbm>>) dst(%dma_wait3A_273 : memref<104x64xbf16, #tpu.memory_space<vmem>>)
      %broadcast_in_dim3A_280 = arith.constant 0.000000e+00 : f32
      %broadcast_in_dim3A_281 = vector.broadcast %broadcast_in_dim3A_280 : f32 to vector<16xf32>
      %scan3A_282 = arith.constant 0 : i32
      %scan3A_283 = arith.constant 26 : i32
      %scan3A_284 = arith.addi %scan3A_282, %scan3A_283 : i32
      %scan3A_285 = arith.constant 1 : i32
      %scan3A_286:4 = scf.for %scan3A_428 = %scan3A_282 to %scan3A_284 step %scan3A_285 iter_args(%scan3A_429 = %broadcast_in_dim3A_281, %scan3A_430 = %broadcast_in_dim3A_281, %scan3A_431 = %broadcast_in_dim3A_281, %scan3A_432 = %broadcast_in_dim3A_281) -> (vector<16xf32>, vector<16xf32>, vector<16xf32>, vector<16xf32>)  : i32 {
        %mul3A_433 = arith.constant 4 : i32
        %mul3A_434 = arith.muli %scan3A_428, %mul3A_433 : i32
        %add3A_435 = arith.constant 0 : i32
        %add3A_436 = arith.addi %mul3A_434, %add3A_435 : i32
        %get3A = arith.constant 4 : i32
        %get3A_437 = arith.index_cast %get3A : i32 to index
        %get3A_438 = arith.index_cast %add3A_436 : i32 to index
        %get3A_439 = arith.constant 0 : index
        %get3A_440 = tpu.vector_load %arg6[%get3A_437, %get3A_438, %get3A_439] {strides = array<i32>} : memref<8x104x64xbf16, #tpu.memory_space<vmem>>, vector<32xbf16>,
        %unpack3A = tpu.unpack_subelements %get3A_440, 0 {pack_format = #tpu.pack_format<interleaved>} : vector<32xbf16> -> vector<16xf32>
        %unpack3A_441 = tpu.unpack_subelements %get3A_440, 1 {pack_format = #tpu.pack_format<interleaved>} : vector<32xbf16> -> vector<16xf32>
        %add3A_442 = arith.addf %scan3A_429, %unpack3A : vector<16xf32>
        %add3A_443 = arith.addf %scan3A_430, %unpack3A_441 : vector<16xf32>
        %get3A_444 = arith.constant 4 : i32
        %get3A_445 = arith.index_cast %get3A_444 : i32 to index
        %get3A_446 = arith.index_cast %add3A_436 : i32 to index
        %get3A_447 = arith.constant 32 : index
        %get3A_448 = tpu.vector_load %arg6[%get3A_445, %get3A_446, %get3A_447] {strides = array<i32>} : memref<8x104x64xbf16, #tpu.memory_space<vmem>>, vector<32xbf16>,
        %unpack3A_449 = tpu.unpack_subelements %get3A_448, 0 {pack_format = #tpu.pack_format<interleaved>} : vector<32xbf16> -> vector<16xf32>
        %unpack3A_450 = tpu.unpack_subelements %get3A_448, 1 {pack_format = #tpu.pack_format<interleaved>} : vector<32xbf16> -> vector<16xf32>
        %add3A_451 = arith.addf %scan3A_431, %unpack3A_449 : vector<16xf32>
        %add3A_452 = arith.addf %scan3A_432, %unpack3A_450 : vector<16xf32>
        %mul3A_453 = arith.constant 4 : i32
        %mul3A_454 = arith.muli %scan3A_428, %mul3A_453 : i32
        %add3A_455 = arith.constant 1 : i32
        %add3A_456 = arith.addi %mul3A_454, %add3A_455 : i32
        %get3A_457 = arith.constant 4 : i32
        %get3A_458 = arith.index_cast %get3A_457 : i32 to index
        %get3A_459 = arith.index_cast %add3A_456 : i32 to index
        %get3A_460 = arith.constant 0 : index
        %get3A_461 = tpu.vector_load %arg6[%get3A_458, %get3A_459, %get3A_460] {strides = array<i32>} : memref<8x104x64xbf16, #tpu.memory_space<vmem>>, vector<32xbf16>,
        %unpack3A_462 = tpu.unpack_subelements %get3A_461, 0 {pack_format = #tpu.pack_format<interleaved>} : vector<32xbf16> -> vector<16xf32>
        %unpack3A_463 = tpu.unpack_subelements %get3A_461, 1 {pack_format = #tpu.pack_format<interleaved>} : vector<32xbf16> -> vector<16xf32>
        %add3A_464 = arith.addf %add3A_442, %unpack3A_462 : vector<16xf32>
        %add3A_465 = arith.addf %add3A_443, %unpack3A_463 : vector<16xf32>
        %get3A_466 = arith.constant 4 : i32
        %get3A_467 = arith.index_cast %get3A_466 : i32 to index
        %get3A_468 = arith.index_cast %add3A_456 : i32 to index
        %get3A_469 = arith.constant 32 : index
        %get3A_470 = tpu.vector_load %arg6[%get3A_467, %get3A_468, %get3A_469] {strides = array<i32>} : memref<8x104x64xbf16, #tpu.memory_space<vmem>>, vector<32xbf16>,
        %unpack3A_471 = tpu.unpack_subelements %get3A_470, 0 {pack_format = #tpu.pack_format<interleaved>} : vector<32xbf16> -> vector<16xf32>
        %unpack3A_472 = tpu.unpack_subelements %get3A_470, 1 {pack_format = #tpu.pack_format<interleaved>} : vector<32xbf16> -> vector<16xf32>
        %add3A_473 = arith.addf %add3A_451, %unpack3A_471 : vector<16xf32>
        %add3A_474 = arith.addf %add3A_452, %unpack3A_472 : vector<16xf32>
        %mul3A_475 = arith.constant 4 : i32
        %mul3A_476 = arith.muli %scan3A_428, %mul3A_475 : i32
        %add3A_477 = arith.constant 2 : i32
        %add3A_478 = arith.addi %mul3A_476, %add3A_477 : i32
        %get3A_479 = arith.constant 4 : i32
        %get3A_480 = arith.index_cast %get3A_479 : i32 to index
        %get3A_481 = arith.index_cast %add3A_478 : i32 to index
        %get3A_482 = arith.constant 0 : index
        %get3A_483 = tpu.vector_load %arg6[%get3A_480, %get3A_481, %get3A_482] {strides = array<i32>} : memref<8x104x64xbf16, #tpu.memory_space<vmem>>, vector<32xbf16>,
        %unpack3A_484 = tpu.unpack_subelements %get3A_483, 0 {pack_format = #tpu.pack_format<interleaved>} : vector<32xbf16> -> vector<16xf32>
        %unpack3A_485 = tpu.unpack_subelements %get3A_483, 1 {pack_format = #tpu.pack_format<interleaved>} : vector<32xbf16> -> vector<16xf32>
        %add3A_486 = arith.addf %add3A_464, %unpack3A_484 : vector<16xf32>
        %add3A_487 = arith.addf %add3A_465, %unpack3A_485 : vector<16xf32>
        %get3A_488 = arith.constant 4 : i32
        %get3A_489 = arith.index_cast %get3A_488 : i32 to index
        %get3A_490 = arith.index_cast %add3A_478 : i32 to index
        %get3A_491 = arith.constant 32 : index
        %get3A_492 = tpu.vector_load %arg6[%get3A_489, %get3A_490, %get3A_491] {strides = array<i32>} : memref<8x104x64xbf16, #tpu.memory_space<vmem>>, vector<32xbf16>,
        %unpack3A_493 = tpu.unpack_subelements %get3A_492, 0 {pack_format = #tpu.pack_format<interleaved>} : vector<32xbf16> -> vector<16xf32>
        %unpack3A_494 = tpu.unpack_subelements %get3A_492, 1 {pack_format = #tpu.pack_format<interleaved>} : vector<32xbf16> -> vector<16xf32>
        %add3A_495 = arith.addf %add3A_473, %unpack3A_493 : vector<16xf32>
        %add3A_496 = arith.addf %add3A_474, %unpack3A_494 : vector<16xf32>
        %mul3A_497 = arith.constant 4 : i32
        %mul3A_498 = arith.muli %scan3A_428, %mul3A_497 : i32
        %add3A_499 = arith.constant 3 : i32
        %add3A_500 = arith.addi %mul3A_498, %add3A_499 : i32
        %get3A_501 = arith.constant 4 : i32
        %get3A_502 = arith.index_cast %get3A_501 : i32 to index
        %get3A_503 = arith.index_cast %add3A_500 : i32 to index
        %get3A_504 = arith.constant 0 : index
        %get3A_505 = tpu.vector_load %arg6[%get3A_502, %get3A_503, %get3A_504] {strides = array<i32>} : memref<8x104x64xbf16, #tpu.memory_space<vmem>>, vector<32xbf16>,
        %unpack3A_506 = tpu.unpack_subelements %get3A_505, 0 {pack_format = #tpu.pack_format<interleaved>} : vector<32xbf16> -> vector<16xf32>
        %unpack3A_507 = tpu.unpack_subelements %get3A_505, 1 {pack_format = #tpu.pack_format<interleaved>} : vector<32xbf16> -> vector<16xf32>
        %add3A_508 = arith.addf %add3A_486, %unpack3A_506 : vector<16xf32>
        %add3A_509 = arith.addf %add3A_487, %unpack3A_507 : vector<16xf32>
        %get3A_510 = arith.constant 4 : i32
        %get3A_511 = arith.index_cast %get3A_510 : i32 to index
        %get3A_512 = arith.index_cast %add3A_500 : i32 to index
        %get3A_513 = arith.constant 32 : index
        %get3A_514 = tpu.vector_load %arg6[%get3A_511, %get3A_512, %get3A_513] {strides = array<i32>} : memref<8x104x64xbf16, #tpu.memory_space<vmem>>, vector<32xbf16>,
        %unpack3A_515 = tpu.unpack_subelements %get3A_514, 0 {pack_format = #tpu.pack_format<interleaved>} : vector<32xbf16> -> vector<16xf32>
        %unpack3A_516 = tpu.unpack_subelements %get3A_514, 1 {pack_format = #tpu.pack_format<interleaved>} : vector<32xbf16> -> vector<16xf32>
        %add3A_517 = arith.addf %add3A_495, %unpack3A_515 : vector<16xf32>
        %add3A_518 = arith.addf %add3A_496, %unpack3A_516 : vector<16xf32>
        scf.yield %add3A_508, %add3A_509, %add3A_517, %add3A_518 : vector<16xf32>, vector<16xf32>, vector<16xf32>, vector<16xf32>
      }
      %scan3A_287 = arith.constant 26 : i32
      %add3A_288 = arith.constant 8 : i32
      %add3A_289 = arith.addi %add3A_267, %add3A_288 : i32
      %lt3A_290 = arith.constant 256 : i32
      %lt3A_291 = arith.cmpi slt, %add3A_289, %lt3A_290 : i32
      %convert_element_type3A_292 = arith.extui %lt3A_291 : i1 to i32
      %cond3A_293 = arith.constant 0 : i32
      %cond3A_294 = arith.cmpi ne, %convert_element_type3A_292, %cond3A_293 : i32
      scf.if %cond3A_294 {
        %add3A_428 = arith.constant 8 : i32
        %add3A_429 = arith.addi %add3A_267, %add3A_428 : i32
        %dma_start3A_430 = arith.constant 4 : i32
        %dma_start3A_431 = arith.constant 0 : i32
        %dma_start3A_432 = arith.constant 0 : i32
        %dma_start3A_433 = tpu.memref_slice %arg6[%dma_start3A_430, %dma_start3A_431, %dma_start3A_432] : memref<8x104x64xbf16, #tpu.memory_space<vmem>> -> memref<1x104x64xbf16, #tpu.memory_space<vmem>>
        %dma_start3A_434 = tpu.memref_squeeze %dma_start3A_433 : memref<1x104x64xbf16, #tpu.memory_space<vmem>> -> memref<104x64xbf16, #tpu.memory_space<vmem>>
        %dma_start3A_435 = arith.constant 0 : i32
        %dma_start3A_436 = tpu.memref_slice %arg5[%add3A_429, %dma_start3A_435] : memref<256x104xi32, #tpu.memory_space<vmem>> -> memref<1x104xi32, #tpu.memory_space<vmem>>
        %dma_start3A_437 = tpu.memref_squeeze %dma_start3A_436 : memref<1x104xi32, #tpu.memory_space<vmem>> -> memref<104xi32, #tpu.memory_space<vmem>>
        %dma_start3A_438 = arith.constant 0 : i32
        %dma_start3A_439 = arith.constant 0 : i32
        %dma_start3A_440 = tpu.memref_slice %arg3[%dma_start3A_438, %dma_start3A_439] : memref<1000000x64xbf16, #tpu.memory_space<hbm>> -> memref<1000000x64xbf16, #tpu.memory_space<hbm>>
        tpu.enqueue_indirect_dma source(%dma_start3A_440 : memref<1000000x64xbf16, #tpu.memory_space<hbm>>) target(%dma_start3A_434 : memref<104x64xbf16, #tpu.memory_space<vmem>>) offsets(%dma_start3A_437 : memref<104xi32, #tpu.memory_space<vmem>>) semaphore(%arg12 : memref<!tpu.dma_semaphore, #tpu.memory_space<semaphore_mem>>)
      } else {
      }
      %mul3A_295 = arith.constant 8 : i32
      %mul3A_296 = arith.muli %mul3A_295, %scan3A_105 : i32
      %add3A_297 = arith.constant 5 : i32
      %add3A_298 = arith.addi %mul3A_296, %add3A_297 : i32
      %dma_wait3A_299 = arith.constant 0 : i32
      %dma_wait3A_300 = arith.constant 5 : i32
      %dma_wait3A_301 = arith.constant 0 : i32
      %dma_wait3A_302 = arith.constant 0 : i32
      %dma_wait3A_303 = tpu.memref_slice %arg6[%dma_wait3A_300, %dma_wait3A_301, %dma_wait3A_302] : memref<8x104x64xbf16, #tpu.memory_space<vmem>> -> memref<1x104x64xbf16, #tpu.memory_space<vmem>>
      %dma_wait3A_304 = tpu.memref_squeeze %dma_wait3A_303 : memref<1x104x64xbf16, #tpu.memory_space<vmem>> -> memref<104x64xbf16, #tpu.memory_space<vmem>>
      %dma_wait3A_305 = arith.constant 0 : i32
      %dma_wait3A_306 = tpu.memref_slice %arg5[%dma_wait3A_299, %dma_wait3A_305] : memref<256x104xi32, #tpu.memory_space<vmem>> -> memref<1x104xi32, #tpu.memory_space<vmem>>
      %dma_wait3A_307 = tpu.memref_squeeze %dma_wait3A_306 : memref<1x104xi32, #tpu.memory_space<vmem>> -> memref<104xi32, #tpu.memory_space<vmem>>
      %dma_wait3A_308 = arith.constant 0 : i32
      %dma_wait3A_309 = arith.constant 0 : i32
      %dma_wait3A_310 = tpu.memref_slice %arg3[%dma_wait3A_308, %dma_wait3A_309] : memref<1000000x64xbf16, #tpu.memory_space<hbm>> -> memref<1000000x64xbf16, #tpu.memory_space<hbm>>
      tpu.wait_indirect_dma semaphore(%arg13 : memref<!tpu.dma_semaphore, #tpu.memory_space<semaphore_mem>>) src(%dma_wait3A_310 : memref<1000000x64xbf16, #tpu.memory_space<hbm>>) dst(%dma_wait3A_304 : memref<104x64xbf16, #tpu.memory_space<vmem>>)
      %broadcast_in_dim3A_311 = arith.constant 0.000000e+00 : f32
      %broadcast_in_dim3A_312 = vector.broadcast %broadcast_in_dim3A_311 : f32 to vector<16xf32>
      %scan3A_313 = arith.constant 0 : i32
      %scan3A_314 = arith.constant 26 : i32
      %scan3A_315 = arith.addi %scan3A_313, %scan3A_314 : i32
      %scan3A_316 = arith.constant 1 : i32
      %scan3A_317:4 = scf.for %scan3A_428 = %scan3A_313 to %scan3A_315 step %scan3A_316 iter_args(%scan3A_429 = %broadcast_in_dim3A_312, %scan3A_430 = %broadcast_in_dim3A_312, %scan3A_431 = %broadcast_in_dim3A_312, %scan3A_432 = %broadcast_in_dim3A_312) -> (vector<16xf32>, vector<16xf32>, vector<16xf32>, vector<16xf32>)  : i32 {
        %mul3A_433 = arith.constant 4 : i32
        %mul3A_434 = arith.muli %scan3A_428, %mul3A_433 : i32
        %add3A_435 = arith.constant 0 : i32
        %add3A_436 = arith.addi %mul3A_434, %add3A_435 : i32
        %get3A = arith.constant 5 : i32
        %get3A_437 = arith.index_cast %get3A : i32 to index
        %get3A_438 = arith.index_cast %add3A_436 : i32 to index
        %get3A_439 = arith.constant 0 : index
        %get3A_440 = tpu.vector_load %arg6[%get3A_437, %get3A_438, %get3A_439] {strides = array<i32>} : memref<8x104x64xbf16, #tpu.memory_space<vmem>>, vector<32xbf16>,
        %unpack3A = tpu.unpack_subelements %get3A_440, 0 {pack_format = #tpu.pack_format<interleaved>} : vector<32xbf16> -> vector<16xf32>
        %unpack3A_441 = tpu.unpack_subelements %get3A_440, 1 {pack_format = #tpu.pack_format<interleaved>} : vector<32xbf16> -> vector<16xf32>
        %add3A_442 = arith.addf %scan3A_429, %unpack3A : vector<16xf32>
        %add3A_443 = arith.addf %scan3A_430, %unpack3A_441 : vector<16xf32>
        %get3A_444 = arith.constant 5 : i32
        %get3A_445 = arith.index_cast %get3A_444 : i32 to index
        %get3A_446 = arith.index_cast %add3A_436 : i32 to index
        %get3A_447 = arith.constant 32 : index
        %get3A_448 = tpu.vector_load %arg6[%get3A_445, %get3A_446, %get3A_447] {strides = array<i32>} : memref<8x104x64xbf16, #tpu.memory_space<vmem>>, vector<32xbf16>,
        %unpack3A_449 = tpu.unpack_subelements %get3A_448, 0 {pack_format = #tpu.pack_format<interleaved>} : vector<32xbf16> -> vector<16xf32>
        %unpack3A_450 = tpu.unpack_subelements %get3A_448, 1 {pack_format = #tpu.pack_format<interleaved>} : vector<32xbf16> -> vector<16xf32>
        %add3A_451 = arith.addf %scan3A_431, %unpack3A_449 : vector<16xf32>
        %add3A_452 = arith.addf %scan3A_432, %unpack3A_450 : vector<16xf32>
        %mul3A_453 = arith.constant 4 : i32
        %mul3A_454 = arith.muli %scan3A_428, %mul3A_453 : i32
        %add3A_455 = arith.constant 1 : i32
        %add3A_456 = arith.addi %mul3A_454, %add3A_455 : i32
        %get3A_457 = arith.constant 5 : i32
        %get3A_458 = arith.index_cast %get3A_457 : i32 to index
        %get3A_459 = arith.index_cast %add3A_456 : i32 to index
        %get3A_460 = arith.constant 0 : index
        %get3A_461 = tpu.vector_load %arg6[%get3A_458, %get3A_459, %get3A_460] {strides = array<i32>} : memref<8x104x64xbf16, #tpu.memory_space<vmem>>, vector<32xbf16>,
        %unpack3A_462 = tpu.unpack_subelements %get3A_461, 0 {pack_format = #tpu.pack_format<interleaved>} : vector<32xbf16> -> vector<16xf32>
        %unpack3A_463 = tpu.unpack_subelements %get3A_461, 1 {pack_format = #tpu.pack_format<interleaved>} : vector<32xbf16> -> vector<16xf32>
        %add3A_464 = arith.addf %add3A_442, %unpack3A_462 : vector<16xf32>
        %add3A_465 = arith.addf %add3A_443, %unpack3A_463 : vector<16xf32>
        %get3A_466 = arith.constant 5 : i32
        %get3A_467 = arith.index_cast %get3A_466 : i32 to index
        %get3A_468 = arith.index_cast %add3A_456 : i32 to index
        %get3A_469 = arith.constant 32 : index
        %get3A_470 = tpu.vector_load %arg6[%get3A_467, %get3A_468, %get3A_469] {strides = array<i32>} : memref<8x104x64xbf16, #tpu.memory_space<vmem>>, vector<32xbf16>,
        %unpack3A_471 = tpu.unpack_subelements %get3A_470, 0 {pack_format = #tpu.pack_format<interleaved>} : vector<32xbf16> -> vector<16xf32>
        %unpack3A_472 = tpu.unpack_subelements %get3A_470, 1 {pack_format = #tpu.pack_format<interleaved>} : vector<32xbf16> -> vector<16xf32>
        %add3A_473 = arith.addf %add3A_451, %unpack3A_471 : vector<16xf32>
        %add3A_474 = arith.addf %add3A_452, %unpack3A_472 : vector<16xf32>
        %mul3A_475 = arith.constant 4 : i32
        %mul3A_476 = arith.muli %scan3A_428, %mul3A_475 : i32
        %add3A_477 = arith.constant 2 : i32
        %add3A_478 = arith.addi %mul3A_476, %add3A_477 : i32
        %get3A_479 = arith.constant 5 : i32
        %get3A_480 = arith.index_cast %get3A_479 : i32 to index
        %get3A_481 = arith.index_cast %add3A_478 : i32 to index
        %get3A_482 = arith.constant 0 : index
        %get3A_483 = tpu.vector_load %arg6[%get3A_480, %get3A_481, %get3A_482] {strides = array<i32>} : memref<8x104x64xbf16, #tpu.memory_space<vmem>>, vector<32xbf16>,
        %unpack3A_484 = tpu.unpack_subelements %get3A_483, 0 {pack_format = #tpu.pack_format<interleaved>} : vector<32xbf16> -> vector<16xf32>
        %unpack3A_485 = tpu.unpack_subelements %get3A_483, 1 {pack_format = #tpu.pack_format<interleaved>} : vector<32xbf16> -> vector<16xf32>
        %add3A_486 = arith.addf %add3A_464, %unpack3A_484 : vector<16xf32>
        %add3A_487 = arith.addf %add3A_465, %unpack3A_485 : vector<16xf32>
        %get3A_488 = arith.constant 5 : i32
        %get3A_489 = arith.index_cast %get3A_488 : i32 to index
        %get3A_490 = arith.index_cast %add3A_478 : i32 to index
        %get3A_491 = arith.constant 32 : index
        %get3A_492 = tpu.vector_load %arg6[%get3A_489, %get3A_490, %get3A_491] {strides = array<i32>} : memref<8x104x64xbf16, #tpu.memory_space<vmem>>, vector<32xbf16>,
        %unpack3A_493 = tpu.unpack_subelements %get3A_492, 0 {pack_format = #tpu.pack_format<interleaved>} : vector<32xbf16> -> vector<16xf32>
        %unpack3A_494 = tpu.unpack_subelements %get3A_492, 1 {pack_format = #tpu.pack_format<interleaved>} : vector<32xbf16> -> vector<16xf32>
        %add3A_495 = arith.addf %add3A_473, %unpack3A_493 : vector<16xf32>
        %add3A_496 = arith.addf %add3A_474, %unpack3A_494 : vector<16xf32>
        %mul3A_497 = arith.constant 4 : i32
        %mul3A_498 = arith.muli %scan3A_428, %mul3A_497 : i32
        %add3A_499 = arith.constant 3 : i32
        %add3A_500 = arith.addi %mul3A_498, %add3A_499 : i32
        %get3A_501 = arith.constant 5 : i32
        %get3A_502 = arith.index_cast %get3A_501 : i32 to index
        %get3A_503 = arith.index_cast %add3A_500 : i32 to index
        %get3A_504 = arith.constant 0 : index
        %get3A_505 = tpu.vector_load %arg6[%get3A_502, %get3A_503, %get3A_504] {strides = array<i32>} : memref<8x104x64xbf16, #tpu.memory_space<vmem>>, vector<32xbf16>,
        %unpack3A_506 = tpu.unpack_subelements %get3A_505, 0 {pack_format = #tpu.pack_format<interleaved>} : vector<32xbf16> -> vector<16xf32>
        %unpack3A_507 = tpu.unpack_subelements %get3A_505, 1 {pack_format = #tpu.pack_format<interleaved>} : vector<32xbf16> -> vector<16xf32>
        %add3A_508 = arith.addf %add3A_486, %unpack3A_506 : vector<16xf32>
        %add3A_509 = arith.addf %add3A_487, %unpack3A_507 : vector<16xf32>
        %get3A_510 = arith.constant 5 : i32
        %get3A_511 = arith.index_cast %get3A_510 : i32 to index
        %get3A_512 = arith.index_cast %add3A_500 : i32 to index
        %get3A_513 = arith.constant 32 : index
        %get3A_514 = tpu.vector_load %arg6[%get3A_511, %get3A_512, %get3A_513] {strides = array<i32>} : memref<8x104x64xbf16, #tpu.memory_space<vmem>>, vector<32xbf16>,
        %unpack3A_515 = tpu.unpack_subelements %get3A_514, 0 {pack_format = #tpu.pack_format<interleaved>} : vector<32xbf16> -> vector<16xf32>
        %unpack3A_516 = tpu.unpack_subelements %get3A_514, 1 {pack_format = #tpu.pack_format<interleaved>} : vector<32xbf16> -> vector<16xf32>
        %add3A_517 = arith.addf %add3A_495, %unpack3A_515 : vector<16xf32>
        %add3A_518 = arith.addf %add3A_496, %unpack3A_516 : vector<16xf32>
        scf.yield %add3A_508, %add3A_509, %add3A_517, %add3A_518 : vector<16xf32>, vector<16xf32>, vector<16xf32>, vector<16xf32>
      }
      %scan3A_318 = arith.constant 26 : i32
      %mul3A_319 = arith.constant 4 : i32
      %mul3A_320 = arith.muli %mul3A_319, %scan3A_105 : i32
      %add3A_321 = arith.constant 2 : i32
      %add3A_322 = arith.addi %mul3A_320, %add3A_321 : i32
      %add3A_323 = arith.addf %scan3A_286#0, %scan3A_317#0 : vector<16xf32>
      %swap3A_324 = arith.index_cast %add3A_322 : i32 to index
      %swap3A_325 = arith.constant 0 : index
      %swap3A_326 = tpu.vector_load %arg7[%swap3A_324, %swap3A_325] {strides = array<i32>} : memref<128x64xf32, #tpu.memory_space<vmem>>, vector<16xf32>,
      tpu.vector_store %arg7[%swap3A_324, %swap3A_325], %add3A_323 {strides = array<i32>} : memref<128x64xf32, #tpu.memory_space<vmem>>, vector<16xf32>,
      %add3A_327 = arith.addf %scan3A_286#1, %scan3A_317#1 : vector<16xf32>
      %swap3A_328 = arith.index_cast %add3A_322 : i32 to index
      %swap3A_329 = arith.constant 16 : index
      %swap3A_330 = tpu.vector_load %arg7[%swap3A_328, %swap3A_329] {strides = array<i32>} : memref<128x64xf32, #tpu.memory_space<vmem>>, vector<16xf32>,
      tpu.vector_store %arg7[%swap3A_328, %swap3A_329], %add3A_327 {strides = array<i32>} : memref<128x64xf32, #tpu.memory_space<vmem>>, vector<16xf32>,
      %add3A_331 = arith.addf %scan3A_286#2, %scan3A_317#2 : vector<16xf32>
      %swap3A_332 = arith.index_cast %add3A_322 : i32 to index
      %swap3A_333 = arith.constant 32 : index
      %swap3A_334 = tpu.vector_load %arg7[%swap3A_332, %swap3A_333] {strides = array<i32>} : memref<128x64xf32, #tpu.memory_space<vmem>>, vector<16xf32>,
      tpu.vector_store %arg7[%swap3A_332, %swap3A_333], %add3A_331 {strides = array<i32>} : memref<128x64xf32, #tpu.memory_space<vmem>>, vector<16xf32>,
      %add3A_335 = arith.addf %scan3A_286#3, %scan3A_317#3 : vector<16xf32>
      %swap3A_336 = arith.index_cast %add3A_322 : i32 to index
      %swap3A_337 = arith.constant 48 : index
      %swap3A_338 = tpu.vector_load %arg7[%swap3A_336, %swap3A_337] {strides = array<i32>} : memref<128x64xf32, #tpu.memory_space<vmem>>, vector<16xf32>,
      tpu.vector_store %arg7[%swap3A_336, %swap3A_337], %add3A_335 {strides = array<i32>} : memref<128x64xf32, #tpu.memory_space<vmem>>, vector<16xf32>,
      %add3A_339 = arith.constant 8 : i32
      %add3A_340 = arith.addi %add3A_298, %add3A_339 : i32
      %lt3A_341 = arith.constant 256 : i32
      %lt3A_342 = arith.cmpi slt, %add3A_340, %lt3A_341 : i32
      %convert_element_type3A_343 = arith.extui %lt3A_342 : i1 to i32
      %cond3A_344 = arith.constant 0 : i32
      %cond3A_345 = arith.cmpi ne, %convert_element_type3A_343, %cond3A_344 : i32
      scf.if %cond3A_345 {
        %add3A_428 = arith.constant 8 : i32
        %add3A_429 = arith.addi %add3A_298, %add3A_428 : i32
        %dma_start3A_430 = arith.constant 5 : i32
        %dma_start3A_431 = arith.constant 0 : i32
        %dma_start3A_432 = arith.constant 0 : i32
        %dma_start3A_433 = tpu.memref_slice %arg6[%dma_start3A_430, %dma_start3A_431, %dma_start3A_432] : memref<8x104x64xbf16, #tpu.memory_space<vmem>> -> memref<1x104x64xbf16, #tpu.memory_space<vmem>>
        %dma_start3A_434 = tpu.memref_squeeze %dma_start3A_433 : memref<1x104x64xbf16, #tpu.memory_space<vmem>> -> memref<104x64xbf16, #tpu.memory_space<vmem>>
        %dma_start3A_435 = arith.constant 0 : i32
        %dma_start3A_436 = tpu.memref_slice %arg5[%add3A_429, %dma_start3A_435] : memref<256x104xi32, #tpu.memory_space<vmem>> -> memref<1x104xi32, #tpu.memory_space<vmem>>
        %dma_start3A_437 = tpu.memref_squeeze %dma_start3A_436 : memref<1x104xi32, #tpu.memory_space<vmem>> -> memref<104xi32, #tpu.memory_space<vmem>>
        %dma_start3A_438 = arith.constant 0 : i32
        %dma_start3A_439 = arith.constant 0 : i32
        %dma_start3A_440 = tpu.memref_slice %arg3[%dma_start3A_438, %dma_start3A_439] : memref<1000000x64xbf16, #tpu.memory_space<hbm>> -> memref<1000000x64xbf16, #tpu.memory_space<hbm>>
        tpu.enqueue_indirect_dma source(%dma_start3A_440 : memref<1000000x64xbf16, #tpu.memory_space<hbm>>) target(%dma_start3A_434 : memref<104x64xbf16, #tpu.memory_space<vmem>>) offsets(%dma_start3A_437 : memref<104xi32, #tpu.memory_space<vmem>>) semaphore(%arg13 : memref<!tpu.dma_semaphore, #tpu.memory_space<semaphore_mem>>)
      } else {
      }
      %mul3A_346 = arith.constant 8 : i32
      %mul3A_347 = arith.muli %mul3A_346, %scan3A_105 : i32
      %add3A_348 = arith.constant 6 : i32
      %add3A_349 = arith.addi %mul3A_347, %add3A_348 : i32
      %dma_wait3A_350 = arith.constant 0 : i32
      %dma_wait3A_351 = arith.constant 6 : i32
      %dma_wait3A_352 = arith.constant 0 : i32
      %dma_wait3A_353 = arith.constant 0 : i32
      %dma_wait3A_354 = tpu.memref_slice %arg6[%dma_wait3A_351, %dma_wait3A_352, %dma_wait3A_353] : memref<8x104x64xbf16, #tpu.memory_space<vmem>> -> memref<1x104x64xbf16, #tpu.memory_space<vmem>>
      %dma_wait3A_355 = tpu.memref_squeeze %dma_wait3A_354 : memref<1x104x64xbf16, #tpu.memory_space<vmem>> -> memref<104x64xbf16, #tpu.memory_space<vmem>>
      %dma_wait3A_356 = arith.constant 0 : i32
      %dma_wait3A_357 = tpu.memref_slice %arg5[%dma_wait3A_350, %dma_wait3A_356] : memref<256x104xi32, #tpu.memory_space<vmem>> -> memref<1x104xi32, #tpu.memory_space<vmem>>
      %dma_wait3A_358 = tpu.memref_squeeze %dma_wait3A_357 : memref<1x104xi32, #tpu.memory_space<vmem>> -> memref<104xi32, #tpu.memory_space<vmem>>
      %dma_wait3A_359 = arith.constant 0 : i32
      %dma_wait3A_360 = arith.constant 0 : i32
      %dma_wait3A_361 = tpu.memref_slice %arg3[%dma_wait3A_359, %dma_wait3A_360] : memref<1000000x64xbf16, #tpu.memory_space<hbm>> -> memref<1000000x64xbf16, #tpu.memory_space<hbm>>
      tpu.wait_indirect_dma semaphore(%arg14 : memref<!tpu.dma_semaphore, #tpu.memory_space<semaphore_mem>>) src(%dma_wait3A_361 : memref<1000000x64xbf16, #tpu.memory_space<hbm>>) dst(%dma_wait3A_355 : memref<104x64xbf16, #tpu.memory_space<vmem>>)
      %broadcast_in_dim3A_362 = arith.constant 0.000000e+00 : f32
      %broadcast_in_dim3A_363 = vector.broadcast %broadcast_in_dim3A_362 : f32 to vector<16xf32>
      %scan3A_364 = arith.constant 0 : i32
      %scan3A_365 = arith.constant 26 : i32
      %scan3A_366 = arith.addi %scan3A_364, %scan3A_365 : i32
      %scan3A_367 = arith.constant 1 : i32
      %scan3A_368:4 = scf.for %scan3A_428 = %scan3A_364 to %scan3A_366 step %scan3A_367 iter_args(%scan3A_429 = %broadcast_in_dim3A_363, %scan3A_430 = %broadcast_in_dim3A_363, %scan3A_431 = %broadcast_in_dim3A_363, %scan3A_432 = %broadcast_in_dim3A_363) -> (vector<16xf32>, vector<16xf32>, vector<16xf32>, vector<16xf32>)  : i32 {
        %mul3A_433 = arith.constant 4 : i32
        %mul3A_434 = arith.muli %scan3A_428, %mul3A_433 : i32
        %add3A_435 = arith.constant 0 : i32
        %add3A_436 = arith.addi %mul3A_434, %add3A_435 : i32
        %get3A = arith.constant 6 : i32
        %get3A_437 = arith.index_cast %get3A : i32 to index
        %get3A_438 = arith.index_cast %add3A_436 : i32 to index
        %get3A_439 = arith.constant 0 : index
        %get3A_440 = tpu.vector_load %arg6[%get3A_437, %get3A_438, %get3A_439] {strides = array<i32>} : memref<8x104x64xbf16, #tpu.memory_space<vmem>>, vector<32xbf16>,
        %unpack3A = tpu.unpack_subelements %get3A_440, 0 {pack_format = #tpu.pack_format<interleaved>} : vector<32xbf16> -> vector<16xf32>
        %unpack3A_441 = tpu.unpack_subelements %get3A_440, 1 {pack_format = #tpu.pack_format<interleaved>} : vector<32xbf16> -> vector<16xf32>
        %add3A_442 = arith.addf %scan3A_429, %unpack3A : vector<16xf32>
        %add3A_443 = arith.addf %scan3A_430, %unpack3A_441 : vector<16xf32>
        %get3A_444 = arith.constant 6 : i32
        %get3A_445 = arith.index_cast %get3A_444 : i32 to index
        %get3A_446 = arith.index_cast %add3A_436 : i32 to index
        %get3A_447 = arith.constant 32 : index
        %get3A_448 = tpu.vector_load %arg6[%get3A_445, %get3A_446, %get3A_447] {strides = array<i32>} : memref<8x104x64xbf16, #tpu.memory_space<vmem>>, vector<32xbf16>,
        %unpack3A_449 = tpu.unpack_subelements %get3A_448, 0 {pack_format = #tpu.pack_format<interleaved>} : vector<32xbf16> -> vector<16xf32>
        %unpack3A_450 = tpu.unpack_subelements %get3A_448, 1 {pack_format = #tpu.pack_format<interleaved>} : vector<32xbf16> -> vector<16xf32>
        %add3A_451 = arith.addf %scan3A_431, %unpack3A_449 : vector<16xf32>
        %add3A_452 = arith.addf %scan3A_432, %unpack3A_450 : vector<16xf32>
        %mul3A_453 = arith.constant 4 : i32
        %mul3A_454 = arith.muli %scan3A_428, %mul3A_453 : i32
        %add3A_455 = arith.constant 1 : i32
        %add3A_456 = arith.addi %mul3A_454, %add3A_455 : i32
        %get3A_457 = arith.constant 6 : i32
        %get3A_458 = arith.index_cast %get3A_457 : i32 to index
        %get3A_459 = arith.index_cast %add3A_456 : i32 to index
        %get3A_460 = arith.constant 0 : index
        %get3A_461 = tpu.vector_load %arg6[%get3A_458, %get3A_459, %get3A_460] {strides = array<i32>} : memref<8x104x64xbf16, #tpu.memory_space<vmem>>, vector<32xbf16>,
        %unpack3A_462 = tpu.unpack_subelements %get3A_461, 0 {pack_format = #tpu.pack_format<interleaved>} : vector<32xbf16> -> vector<16xf32>
        %unpack3A_463 = tpu.unpack_subelements %get3A_461, 1 {pack_format = #tpu.pack_format<interleaved>} : vector<32xbf16> -> vector<16xf32>
        %add3A_464 = arith.addf %add3A_442, %unpack3A_462 : vector<16xf32>
        %add3A_465 = arith.addf %add3A_443, %unpack3A_463 : vector<16xf32>
        %get3A_466 = arith.constant 6 : i32
        %get3A_467 = arith.index_cast %get3A_466 : i32 to index
        %get3A_468 = arith.index_cast %add3A_456 : i32 to index
        %get3A_469 = arith.constant 32 : index
        %get3A_470 = tpu.vector_load %arg6[%get3A_467, %get3A_468, %get3A_469] {strides = array<i32>} : memref<8x104x64xbf16, #tpu.memory_space<vmem>>, vector<32xbf16>,
        %unpack3A_471 = tpu.unpack_subelements %get3A_470, 0 {pack_format = #tpu.pack_format<interleaved>} : vector<32xbf16> -> vector<16xf32>
        %unpack3A_472 = tpu.unpack_subelements %get3A_470, 1 {pack_format = #tpu.pack_format<interleaved>} : vector<32xbf16> -> vector<16xf32>
        %add3A_473 = arith.addf %add3A_451, %unpack3A_471 : vector<16xf32>
        %add3A_474 = arith.addf %add3A_452, %unpack3A_472 : vector<16xf32>
        %mul3A_475 = arith.constant 4 : i32
        %mul3A_476 = arith.muli %scan3A_428, %mul3A_475 : i32
        %add3A_477 = arith.constant 2 : i32
        %add3A_478 = arith.addi %mul3A_476, %add3A_477 : i32
        %get3A_479 = arith.constant 6 : i32
        %get3A_480 = arith.index_cast %get3A_479 : i32 to index
        %get3A_481 = arith.index_cast %add3A_478 : i32 to index
        %get3A_482 = arith.constant 0 : index
        %get3A_483 = tpu.vector_load %arg6[%get3A_480, %get3A_481, %get3A_482] {strides = array<i32>} : memref<8x104x64xbf16, #tpu.memory_space<vmem>>, vector<32xbf16>,
        %unpack3A_484 = tpu.unpack_subelements %get3A_483, 0 {pack_format = #tpu.pack_format<interleaved>} : vector<32xbf16> -> vector<16xf32>
        %unpack3A_485 = tpu.unpack_subelements %get3A_483, 1 {pack_format = #tpu.pack_format<interleaved>} : vector<32xbf16> -> vector<16xf32>
        %add3A_486 = arith.addf %add3A_464, %unpack3A_484 : vector<16xf32>
        %add3A_487 = arith.addf %add3A_465, %unpack3A_485 : vector<16xf32>
        %get3A_488 = arith.constant 6 : i32
        %get3A_489 = arith.index_cast %get3A_488 : i32 to index
        %get3A_490 = arith.index_cast %add3A_478 : i32 to index
        %get3A_491 = arith.constant 32 : index
        %get3A_492 = tpu.vector_load %arg6[%get3A_489, %get3A_490, %get3A_491] {strides = array<i32>} : memref<8x104x64xbf16, #tpu.memory_space<vmem>>, vector<32xbf16>,
        %unpack3A_493 = tpu.unpack_subelements %get3A_492, 0 {pack_format = #tpu.pack_format<interleaved>} : vector<32xbf16> -> vector<16xf32>
        %unpack3A_494 = tpu.unpack_subelements %get3A_492, 1 {pack_format = #tpu.pack_format<interleaved>} : vector<32xbf16> -> vector<16xf32>
        %add3A_495 = arith.addf %add3A_473, %unpack3A_493 : vector<16xf32>
        %add3A_496 = arith.addf %add3A_474, %unpack3A_494 : vector<16xf32>
        %mul3A_497 = arith.constant 4 : i32
        %mul3A_498 = arith.muli %scan3A_428, %mul3A_497 : i32
        %add3A_499 = arith.constant 3 : i32
        %add3A_500 = arith.addi %mul3A_498, %add3A_499 : i32
        %get3A_501 = arith.constant 6 : i32
        %get3A_502 = arith.index_cast %get3A_501 : i32 to index
        %get3A_503 = arith.index_cast %add3A_500 : i32 to index
        %get3A_504 = arith.constant 0 : index
        %get3A_505 = tpu.vector_load %arg6[%get3A_502, %get3A_503, %get3A_504] {strides = array<i32>} : memref<8x104x64xbf16, #tpu.memory_space<vmem>>, vector<32xbf16>,
        %unpack3A_506 = tpu.unpack_subelements %get3A_505, 0 {pack_format = #tpu.pack_format<interleaved>} : vector<32xbf16> -> vector<16xf32>
        %unpack3A_507 = tpu.unpack_subelements %get3A_505, 1 {pack_format = #tpu.pack_format<interleaved>} : vector<32xbf16> -> vector<16xf32>
        %add3A_508 = arith.addf %add3A_486, %unpack3A_506 : vector<16xf32>
        %add3A_509 = arith.addf %add3A_487, %unpack3A_507 : vector<16xf32>
        %get3A_510 = arith.constant 6 : i32
        %get3A_511 = arith.index_cast %get3A_510 : i32 to index
        %get3A_512 = arith.index_cast %add3A_500 : i32 to index
        %get3A_513 = arith.constant 32 : index
        %get3A_514 = tpu.vector_load %arg6[%get3A_511, %get3A_512, %get3A_513] {strides = array<i32>} : memref<8x104x64xbf16, #tpu.memory_space<vmem>>, vector<32xbf16>,
        %unpack3A_515 = tpu.unpack_subelements %get3A_514, 0 {pack_format = #tpu.pack_format<interleaved>} : vector<32xbf16> -> vector<16xf32>
        %unpack3A_516 = tpu.unpack_subelements %get3A_514, 1 {pack_format = #tpu.pack_format<interleaved>} : vector<32xbf16> -> vector<16xf32>
        %add3A_517 = arith.addf %add3A_495, %unpack3A_515 : vector<16xf32>
        %add3A_518 = arith.addf %add3A_496, %unpack3A_516 : vector<16xf32>
        scf.yield %add3A_508, %add3A_509, %add3A_517, %add3A_518 : vector<16xf32>, vector<16xf32>, vector<16xf32>, vector<16xf32>
      }
      %scan3A_369 = arith.constant 26 : i32
      %add3A_370 = arith.constant 8 : i32
      %add3A_371 = arith.addi %add3A_349, %add3A_370 : i32
      %lt3A_372 = arith.constant 256 : i32
      %lt3A_373 = arith.cmpi slt, %add3A_371, %lt3A_372 : i32
      %convert_element_type3A_374 = arith.extui %lt3A_373 : i1 to i32
      %cond3A_375 = arith.constant 0 : i32
      %cond3A_376 = arith.cmpi ne, %convert_element_type3A_374, %cond3A_375 : i32
      scf.if %cond3A_376 {
        %add3A_428 = arith.constant 8 : i32
        %add3A_429 = arith.addi %add3A_349, %add3A_428 : i32
        %dma_start3A_430 = arith.constant 6 : i32
        %dma_start3A_431 = arith.constant 0 : i32
        %dma_start3A_432 = arith.constant 0 : i32
        %dma_start3A_433 = tpu.memref_slice %arg6[%dma_start3A_430, %dma_start3A_431, %dma_start3A_432] : memref<8x104x64xbf16, #tpu.memory_space<vmem>> -> memref<1x104x64xbf16, #tpu.memory_space<vmem>>
        %dma_start3A_434 = tpu.memref_squeeze %dma_start3A_433 : memref<1x104x64xbf16, #tpu.memory_space<vmem>> -> memref<104x64xbf16, #tpu.memory_space<vmem>>
        %dma_start3A_435 = arith.constant 0 : i32
        %dma_start3A_436 = tpu.memref_slice %arg5[%add3A_429, %dma_start3A_435] : memref<256x104xi32, #tpu.memory_space<vmem>> -> memref<1x104xi32, #tpu.memory_space<vmem>>
        %dma_start3A_437 = tpu.memref_squeeze %dma_start3A_436 : memref<1x104xi32, #tpu.memory_space<vmem>> -> memref<104xi32, #tpu.memory_space<vmem>>
        %dma_start3A_438 = arith.constant 0 : i32
        %dma_start3A_439 = arith.constant 0 : i32
        %dma_start3A_440 = tpu.memref_slice %arg3[%dma_start3A_438, %dma_start3A_439] : memref<1000000x64xbf16, #tpu.memory_space<hbm>> -> memref<1000000x64xbf16, #tpu.memory_space<hbm>>
        tpu.enqueue_indirect_dma source(%dma_start3A_440 : memref<1000000x64xbf16, #tpu.memory_space<hbm>>) target(%dma_start3A_434 : memref<104x64xbf16, #tpu.memory_space<vmem>>) offsets(%dma_start3A_437 : memref<104xi32, #tpu.memory_space<vmem>>) semaphore(%arg14 : memref<!tpu.dma_semaphore, #tpu.memory_space<semaphore_mem>>)
      } else {
      }
      %mul3A_377 = arith.constant 8 : i32
      %mul3A_378 = arith.muli %mul3A_377, %scan3A_105 : i32
      %add3A_379 = arith.constant 7 : i32
      %add3A_380 = arith.addi %mul3A_378, %add3A_379 : i32
      %dma_wait3A_381 = arith.constant 0 : i32
      %dma_wait3A_382 = arith.constant 7 : i32
      %dma_wait3A_383 = arith.constant 0 : i32
      %dma_wait3A_384 = arith.constant 0 : i32
      %dma_wait3A_385 = tpu.memref_slice %arg6[%dma_wait3A_382, %dma_wait3A_383, %dma_wait3A_384] : memref<8x104x64xbf16, #tpu.memory_space<vmem>> -> memref<1x104x64xbf16, #tpu.memory_space<vmem>>
      %dma_wait3A_386 = tpu.memref_squeeze %dma_wait3A_385 : memref<1x104x64xbf16, #tpu.memory_space<vmem>> -> memref<104x64xbf16, #tpu.memory_space<vmem>>
      %dma_wait3A_387 = arith.constant 0 : i32
      %dma_wait3A_388 = tpu.memref_slice %arg5[%dma_wait3A_381, %dma_wait3A_387] : memref<256x104xi32, #tpu.memory_space<vmem>> -> memref<1x104xi32, #tpu.memory_space<vmem>>
      %dma_wait3A_389 = tpu.memref_squeeze %dma_wait3A_388 : memref<1x104xi32, #tpu.memory_space<vmem>> -> memref<104xi32, #tpu.memory_space<vmem>>
      %dma_wait3A_390 = arith.constant 0 : i32
      %dma_wait3A_391 = arith.constant 0 : i32
      %dma_wait3A_392 = tpu.memref_slice %arg3[%dma_wait3A_390, %dma_wait3A_391] : memref<1000000x64xbf16, #tpu.memory_space<hbm>> -> memref<1000000x64xbf16, #tpu.memory_space<hbm>>
      tpu.wait_indirect_dma semaphore(%arg15 : memref<!tpu.dma_semaphore, #tpu.memory_space<semaphore_mem>>) src(%dma_wait3A_392 : memref<1000000x64xbf16, #tpu.memory_space<hbm>>) dst(%dma_wait3A_386 : memref<104x64xbf16, #tpu.memory_space<vmem>>)
      %broadcast_in_dim3A_393 = arith.constant 0.000000e+00 : f32
      %broadcast_in_dim3A_394 = vector.broadcast %broadcast_in_dim3A_393 : f32 to vector<16xf32>
      %scan3A_395 = arith.constant 0 : i32
      %scan3A_396 = arith.constant 26 : i32
      %scan3A_397 = arith.addi %scan3A_395, %scan3A_396 : i32
      %scan3A_398 = arith.constant 1 : i32
      %scan3A_399:4 = scf.for %scan3A_428 = %scan3A_395 to %scan3A_397 step %scan3A_398 iter_args(%scan3A_429 = %broadcast_in_dim3A_394, %scan3A_430 = %broadcast_in_dim3A_394, %scan3A_431 = %broadcast_in_dim3A_394, %scan3A_432 = %broadcast_in_dim3A_394) -> (vector<16xf32>, vector<16xf32>, vector<16xf32>, vector<16xf32>)  : i32 {
        %mul3A_433 = arith.constant 4 : i32
        %mul3A_434 = arith.muli %scan3A_428, %mul3A_433 : i32
        %add3A_435 = arith.constant 0 : i32
        %add3A_436 = arith.addi %mul3A_434, %add3A_435 : i32
        %get3A = arith.constant 7 : i32
        %get3A_437 = arith.index_cast %get3A : i32 to index
        %get3A_438 = arith.index_cast %add3A_436 : i32 to index
        %get3A_439 = arith.constant 0 : index
        %get3A_440 = tpu.vector_load %arg6[%get3A_437, %get3A_438, %get3A_439] {strides = array<i32>} : memref<8x104x64xbf16, #tpu.memory_space<vmem>>, vector<32xbf16>,
        %unpack3A = tpu.unpack_subelements %get3A_440, 0 {pack_format = #tpu.pack_format<interleaved>} : vector<32xbf16> -> vector<16xf32>
        %unpack3A_441 = tpu.unpack_subelements %get3A_440, 1 {pack_format = #tpu.pack_format<interleaved>} : vector<32xbf16> -> vector<16xf32>
        %add3A_442 = arith.addf %scan3A_429, %unpack3A : vector<16xf32>
        %add3A_443 = arith.addf %scan3A_430, %unpack3A_441 : vector<16xf32>
        %get3A_444 = arith.constant 7 : i32
        %get3A_445 = arith.index_cast %get3A_444 : i32 to index
        %get3A_446 = arith.index_cast %add3A_436 : i32 to index
        %get3A_447 = arith.constant 32 : index
        %get3A_448 = tpu.vector_load %arg6[%get3A_445, %get3A_446, %get3A_447] {strides = array<i32>} : memref<8x104x64xbf16, #tpu.memory_space<vmem>>, vector<32xbf16>,
        %unpack3A_449 = tpu.unpack_subelements %get3A_448, 0 {pack_format = #tpu.pack_format<interleaved>} : vector<32xbf16> -> vector<16xf32>
        %unpack3A_450 = tpu.unpack_subelements %get3A_448, 1 {pack_format = #tpu.pack_format<interleaved>} : vector<32xbf16> -> vector<16xf32>
        %add3A_451 = arith.addf %scan3A_431, %unpack3A_449 : vector<16xf32>
        %add3A_452 = arith.addf %scan3A_432, %unpack3A_450 : vector<16xf32>
        %mul3A_453 = arith.constant 4 : i32
        %mul3A_454 = arith.muli %scan3A_428, %mul3A_453 : i32
        %add3A_455 = arith.constant 1 : i32
        %add3A_456 = arith.addi %mul3A_454, %add3A_455 : i32
        %get3A_457 = arith.constant 7 : i32
        %get3A_458 = arith.index_cast %get3A_457 : i32 to index
        %get3A_459 = arith.index_cast %add3A_456 : i32 to index
        %get3A_460 = arith.constant 0 : index
        %get3A_461 = tpu.vector_load %arg6[%get3A_458, %get3A_459, %get3A_460] {strides = array<i32>} : memref<8x104x64xbf16, #tpu.memory_space<vmem>>, vector<32xbf16>,
        %unpack3A_462 = tpu.unpack_subelements %get3A_461, 0 {pack_format = #tpu.pack_format<interleaved>} : vector<32xbf16> -> vector<16xf32>
        %unpack3A_463 = tpu.unpack_subelements %get3A_461, 1 {pack_format = #tpu.pack_format<interleaved>} : vector<32xbf16> -> vector<16xf32>
        %add3A_464 = arith.addf %add3A_442, %unpack3A_462 : vector<16xf32>
        %add3A_465 = arith.addf %add3A_443, %unpack3A_463 : vector<16xf32>
        %get3A_466 = arith.constant 7 : i32
        %get3A_467 = arith.index_cast %get3A_466 : i32 to index
        %get3A_468 = arith.index_cast %add3A_456 : i32 to index
        %get3A_469 = arith.constant 32 : index
        %get3A_470 = tpu.vector_load %arg6[%get3A_467, %get3A_468, %get3A_469] {strides = array<i32>} : memref<8x104x64xbf16, #tpu.memory_space<vmem>>, vector<32xbf16>,
        %unpack3A_471 = tpu.unpack_subelements %get3A_470, 0 {pack_format = #tpu.pack_format<interleaved>} : vector<32xbf16> -> vector<16xf32>
        %unpack3A_472 = tpu.unpack_subelements %get3A_470, 1 {pack_format = #tpu.pack_format<interleaved>} : vector<32xbf16> -> vector<16xf32>
        %add3A_473 = arith.addf %add3A_451, %unpack3A_471 : vector<16xf32>
        %add3A_474 = arith.addf %add3A_452, %unpack3A_472 : vector<16xf32>
        %mul3A_475 = arith.constant 4 : i32
        %mul3A_476 = arith.muli %scan3A_428, %mul3A_475 : i32
        %add3A_477 = arith.constant 2 : i32
        %add3A_478 = arith.addi %mul3A_476, %add3A_477 : i32
        %get3A_479 = arith.constant 7 : i32
        %get3A_480 = arith.index_cast %get3A_479 : i32 to index
        %get3A_481 = arith.index_cast %add3A_478 : i32 to index
        %get3A_482 = arith.constant 0 : index
        %get3A_483 = tpu.vector_load %arg6[%get3A_480, %get3A_481, %get3A_482] {strides = array<i32>} : memref<8x104x64xbf16, #tpu.memory_space<vmem>>, vector<32xbf16>,
        %unpack3A_484 = tpu.unpack_subelements %get3A_483, 0 {pack_format = #tpu.pack_format<interleaved>} : vector<32xbf16> -> vector<16xf32>
        %unpack3A_485 = tpu.unpack_subelements %get3A_483, 1 {pack_format = #tpu.pack_format<interleaved>} : vector<32xbf16> -> vector<16xf32>
        %add3A_486 = arith.addf %add3A_464, %unpack3A_484 : vector<16xf32>
        %add3A_487 = arith.addf %add3A_465, %unpack3A_485 : vector<16xf32>
        %get3A_488 = arith.constant 7 : i32
        %get3A_489 = arith.index_cast %get3A_488 : i32 to index
        %get3A_490 = arith.index_cast %add3A_478 : i32 to index
        %get3A_491 = arith.constant 32 : index
        %get3A_492 = tpu.vector_load %arg6[%get3A_489, %get3A_490, %get3A_491] {strides = array<i32>} : memref<8x104x64xbf16, #tpu.memory_space<vmem>>, vector<32xbf16>,
        %unpack3A_493 = tpu.unpack_subelements %get3A_492, 0 {pack_format = #tpu.pack_format<interleaved>} : vector<32xbf16> -> vector<16xf32>
        %unpack3A_494 = tpu.unpack_subelements %get3A_492, 1 {pack_format = #tpu.pack_format<interleaved>} : vector<32xbf16> -> vector<16xf32>
        %add3A_495 = arith.addf %add3A_473, %unpack3A_493 : vector<16xf32>
        %add3A_496 = arith.addf %add3A_474, %unpack3A_494 : vector<16xf32>
        %mul3A_497 = arith.constant 4 : i32
        %mul3A_498 = arith.muli %scan3A_428, %mul3A_497 : i32
        %add3A_499 = arith.constant 3 : i32
        %add3A_500 = arith.addi %mul3A_498, %add3A_499 : i32
        %get3A_501 = arith.constant 7 : i32
        %get3A_502 = arith.index_cast %get3A_501 : i32 to index
        %get3A_503 = arith.index_cast %add3A_500 : i32 to index
        %get3A_504 = arith.constant 0 : index
        %get3A_505 = tpu.vector_load %arg6[%get3A_502, %get3A_503, %get3A_504] {strides = array<i32>} : memref<8x104x64xbf16, #tpu.memory_space<vmem>>, vector<32xbf16>,
        %unpack3A_506 = tpu.unpack_subelements %get3A_505, 0 {pack_format = #tpu.pack_format<interleaved>} : vector<32xbf16> -> vector<16xf32>
        %unpack3A_507 = tpu.unpack_subelements %get3A_505, 1 {pack_format = #tpu.pack_format<interleaved>} : vector<32xbf16> -> vector<16xf32>
        %add3A_508 = arith.addf %add3A_486, %unpack3A_506 : vector<16xf32>
        %add3A_509 = arith.addf %add3A_487, %unpack3A_507 : vector<16xf32>
        %get3A_510 = arith.constant 7 : i32
        %get3A_511 = arith.index_cast %get3A_510 : i32 to index
        %get3A_512 = arith.index_cast %add3A_500 : i32 to index
        %get3A_513 = arith.constant 32 : index
        %get3A_514 = tpu.vector_load %arg6[%get3A_511, %get3A_512, %get3A_513] {strides = array<i32>} : memref<8x104x64xbf16, #tpu.memory_space<vmem>>, vector<32xbf16>,
        %unpack3A_515 = tpu.unpack_subelements %get3A_514, 0 {pack_format = #tpu.pack_format<interleaved>} : vector<32xbf16> -> vector<16xf32>
        %unpack3A_516 = tpu.unpack_subelements %get3A_514, 1 {pack_format = #tpu.pack_format<interleaved>} : vector<32xbf16> -> vector<16xf32>
        %add3A_517 = arith.addf %add3A_495, %unpack3A_515 : vector<16xf32>
        %add3A_518 = arith.addf %add3A_496, %unpack3A_516 : vector<16xf32>
        scf.yield %add3A_508, %add3A_509, %add3A_517, %add3A_518 : vector<16xf32>, vector<16xf32>, vector<16xf32>, vector<16xf32>
      }
      %scan3A_400 = arith.constant 26 : i32
      %mul3A_401 = arith.constant 4 : i32
      %mul3A_402 = arith.muli %mul3A_401, %scan3A_105 : i32
      %add3A_403 = arith.constant 3 : i32
      %add3A_404 = arith.addi %mul3A_402, %add3A_403 : i32
      %add3A_405 = arith.addf %scan3A_368#0, %scan3A_399#0 : vector<16xf32>
      %swap3A_406 = arith.index_cast %add3A_404 : i32 to index
      %swap3A_407 = arith.constant 0 : index
      %swap3A_408 = tpu.vector_load %arg7[%swap3A_406, %swap3A_407] {strides = array<i32>} : memref<128x64xf32, #tpu.memory_space<vmem>>, vector<16xf32>,
      tpu.vector_store %arg7[%swap3A_406, %swap3A_407], %add3A_405 {strides = array<i32>} : memref<128x64xf32, #tpu.memory_space<vmem>>, vector<16xf32>,
      %add3A_409 = arith.addf %scan3A_368#1, %scan3A_399#1 : vector<16xf32>
      %swap3A_410 = arith.index_cast %add3A_404 : i32 to index
      %swap3A_411 = arith.constant 16 : index
      %swap3A_412 = tpu.vector_load %arg7[%swap3A_410, %swap3A_411] {strides = array<i32>} : memref<128x64xf32, #tpu.memory_space<vmem>>, vector<16xf32>,
      tpu.vector_store %arg7[%swap3A_410, %swap3A_411], %add3A_409 {strides = array<i32>} : memref<128x64xf32, #tpu.memory_space<vmem>>, vector<16xf32>,
      %add3A_413 = arith.addf %scan3A_368#2, %scan3A_399#2 : vector<16xf32>
      %swap3A_414 = arith.index_cast %add3A_404 : i32 to index
      %swap3A_415 = arith.constant 32 : index
      %swap3A_416 = tpu.vector_load %arg7[%swap3A_414, %swap3A_415] {strides = array<i32>} : memref<128x64xf32, #tpu.memory_space<vmem>>, vector<16xf32>,
      tpu.vector_store %arg7[%swap3A_414, %swap3A_415], %add3A_413 {strides = array<i32>} : memref<128x64xf32, #tpu.memory_space<vmem>>, vector<16xf32>,
      %add3A_417 = arith.addf %scan3A_368#3, %scan3A_399#3 : vector<16xf32>
      %swap3A_418 = arith.index_cast %add3A_404 : i32 to index
      %swap3A_419 = arith.constant 48 : index
      %swap3A_420 = tpu.vector_load %arg7[%swap3A_418, %swap3A_419] {strides = array<i32>} : memref<128x64xf32, #tpu.memory_space<vmem>>, vector<16xf32>,
      tpu.vector_store %arg7[%swap3A_418, %swap3A_419], %add3A_417 {strides = array<i32>} : memref<128x64xf32, #tpu.memory_space<vmem>>, vector<16xf32>,
      %add3A_421 = arith.constant 8 : i32
      %add3A_422 = arith.addi %add3A_380, %add3A_421 : i32
      %lt3A_423 = arith.constant 256 : i32
      %lt3A_424 = arith.cmpi slt, %add3A_422, %lt3A_423 : i32
      %convert_element_type3A_425 = arith.extui %lt3A_424 : i1 to i32
      %cond3A_426 = arith.constant 0 : i32
      %cond3A_427 = arith.cmpi ne, %convert_element_type3A_425, %cond3A_426 : i32
      scf.if %cond3A_427 {
        %add3A_428 = arith.constant 8 : i32
        %add3A_429 = arith.addi %add3A_380, %add3A_428 : i32
        %dma_start3A_430 = arith.constant 7 : i32
        %dma_start3A_431 = arith.constant 0 : i32
        %dma_start3A_432 = arith.constant 0 : i32
        %dma_start3A_433 = tpu.memref_slice %arg6[%dma_start3A_430, %dma_start3A_431, %dma_start3A_432] : memref<8x104x64xbf16, #tpu.memory_space<vmem>> -> memref<1x104x64xbf16, #tpu.memory_space<vmem>>
        %dma_start3A_434 = tpu.memref_squeeze %dma_start3A_433 : memref<1x104x64xbf16, #tpu.memory_space<vmem>> -> memref<104x64xbf16, #tpu.memory_space<vmem>>
        %dma_start3A_435 = arith.constant 0 : i32
        %dma_start3A_436 = tpu.memref_slice %arg5[%add3A_429, %dma_start3A_435] : memref<256x104xi32, #tpu.memory_space<vmem>> -> memref<1x104xi32, #tpu.memory_space<vmem>>
        %dma_start3A_437 = tpu.memref_squeeze %dma_start3A_436 : memref<1x104xi32, #tpu.memory_space<vmem>> -> memref<104xi32, #tpu.memory_space<vmem>>
        %dma_start3A_438 = arith.constant 0 : i32
        %dma_start3A_439 = arith.constant 0 : i32
        %dma_start3A_440 = tpu.memref_slice %arg3[%dma_start3A_438, %dma_start3A_439] : memref<1000000x64xbf16, #tpu.memory_space<hbm>> -> memref<1000000x64xbf16, #tpu.memory_space<hbm>>
        tpu.enqueue_indirect_dma source(%dma_start3A_440 : memref<1000000x64xbf16, #tpu.memory_space<hbm>>) target(%dma_start3A_434 : memref<104x64xbf16, #tpu.memory_space<vmem>>) offsets(%dma_start3A_437 : memref<104xi32, #tpu.memory_space<vmem>>) semaphore(%arg15 : memref<!tpu.dma_semaphore, #tpu.memory_space<semaphore_mem>>)
      } else {
      }
    }
    %scan3A_102 = arith.constant 32 : i32
    %mul3A_103 = arith.constant 128 : i32
    %mul3A_104 = arith.muli %add3A, %mul3A_103 : i32
    "tpu.region"() ({
      %run_scoped3A = tpu.sem_alloc : memref<!tpu.dma_semaphore, #tpu.memory_space<semaphore_mem>>
      %dma_start3A_105 = arith.constant 0 : i32
      %dma_start3A_106 = tpu.memref_slice %arg4[%mul3A_104, %dma_start3A_105] : memref<4096x64xf32, #tpu.memory_space<hbm>> -> memref<128x64xf32, #tpu.memory_space<hbm>>
      %dma_start3A_107 = arith.constant 0 : i32
      %dma_start3A_108 = tpu.memref_slice %arg4[%mul3A_104, %dma_start3A_107] : memref<4096x64xf32, #tpu.memory_space<hbm>> -> memref<128x64xf32, #tpu.memory_space<hbm>>
      tpu.enqueue_dma source(%arg7 : memref<128x64xf32, #tpu.memory_space<vmem>>) target(%dma_start3A_108 : memref<128x64xf32, #tpu.memory_space<hbm>>) target_semaphore(%run_scoped3A : memref<!tpu.dma_semaphore, #tpu.memory_space<semaphore_mem>>)
      %dma_wait3A = arith.constant 0 : i32
      %dma_wait3A_109 = tpu.memref_slice %arg4[%mul3A_104, %dma_wait3A] : memref<4096x64xf32, #tpu.memory_space<hbm>> -> memref<128x64xf32, #tpu.memory_space<hbm>>
      %dma_wait3A_110 = arith.constant 0 : i32
      %dma_wait3A_111 = tpu.memref_slice %arg4[%mul3A_104, %dma_wait3A_110] : memref<4096x64xf32, #tpu.memory_space<hbm>> -> memref<128x64xf32, #tpu.memory_space<hbm>>
      tpu.wait_dma2 semaphore(%run_scoped3A : memref<!tpu.dma_semaphore, #tpu.memory_space<semaphore_mem>>) src(%arg7 : memref<128x64xf32, #tpu.memory_space<vmem>>) dst(%dma_wait3A_111 : memref<128x64xf32, #tpu.memory_space<hbm>>)
      tpu.yield
    }) : () -> ()
    return
  }
}

module attributes {stable_mosaic.version = 14 : i64} {
  func.func @_head_body(%arg0: memref<4096x64xf32, #tpu.memory_space<vmem>>, %arg1: memref<64x2xf32, #tpu.memory_space<vmem>>, %arg2: memref<1x2xf32, #tpu.memory_space<vmem>>, %arg3: memref<4096x2xf32, #tpu.memory_space<vmem>>) attributes {dimension_semantics = [], scalar_prefetch = 0 : i64, scratch_operands = 0 : i64, tpu.core_type = #tpu.core_type<tc>} {
    %get3A = arith.constant 0 : index
    %get3A_0 = arith.constant 0 : index
    %get3A_1 = vector.load %arg0[%get3A, %get3A_0] : memref<4096x64xf32, #tpu.memory_space<vmem>>, vector<4096x64xf32>
    %get3A_2 = arith.constant 0 : index
    %get3A_3 = arith.constant 0 : index
    %get3A_4 = vector.load %arg1[%get3A_2, %get3A_3] : memref<64x2xf32, #tpu.memory_space<vmem>>, vector<64x2xf32>
    %dot_general3A = arith.constant dense<0.000000e+00> : vector<4096x2xf32>
    %dot_general3A_5 = tpu.matmul %get3A_1, %get3A_4, %dot_general3A {dimension_numbers = #tpu.dot_dimension_numbers<[1], [0], [0], [1], [0, 0, 1, 1], [], []>, transpose_lhs_hint = false} : vector<4096x64xf32>, vector<64x2xf32>, vector<4096x2xf32> -> vector<4096x2xf32>
    %mul3A = arith.constant 5.000000e-03 : f32
    %mul3A_6 = vector.broadcast %mul3A : f32 to vector<4096x2xf32>
    %mul3A_7 = arith.mulf %dot_general3A_5, %mul3A_6 : vector<4096x2xf32>
    %get3A_8 = arith.constant 0 : index
    %get3A_9 = arith.constant 0 : index
    %get3A_10 = vector.load %arg2[%get3A_8, %get3A_9] : memref<1x2xf32, #tpu.memory_space<vmem>>, vector<1x2xf32>
    %add3A = vector.broadcast %get3A_10 : vector<1x2xf32> to vector<4096x2xf32>
    %add3A_11 = arith.addf %mul3A_7, %add3A : vector<4096x2xf32>
    %reduce_max3A = arith.constant dense<0xFF800000> : vector<4096xf32>
    %reduce_max3A_12 = vector.multi_reduction <maximumf>, %add3A_11, %reduce_max3A [1] : vector<4096x2xf32> to vector<4096xf32>
    %broadcast_in_dim3A = vector.shape_cast %reduce_max3A_12 : vector<4096xf32> to vector<4096x1xf32>
    %sub3A = vector.broadcast %broadcast_in_dim3A : vector<4096x1xf32> to vector<4096x2xf32>
    %sub3A_13 = arith.subf %add3A_11, %sub3A : vector<4096x2xf32>
    %exp3A = math.exp %sub3A_13 : vector<4096x2xf32>
    %reduce_sum3A = arith.constant dense<0.000000e+00> : vector<4096xf32>
    %reduce_sum3A_14 = vector.multi_reduction <add>, %exp3A, %reduce_sum3A [1] : vector<4096x2xf32> to vector<4096xf32>
    %broadcast_in_dim3A_15 = vector.shape_cast %reduce_sum3A_14 : vector<4096xf32> to vector<4096x1xf32>
    %log3A = math.log %broadcast_in_dim3A_15 : vector<4096x1xf32>
    %add3A_16 = arith.addf %broadcast_in_dim3A, %log3A : vector<4096x1xf32>
    %sub3A_17 = vector.broadcast %add3A_16 : vector<4096x1xf32> to vector<4096x2xf32>
    %sub3A_18 = arith.subf %add3A_11, %sub3A_17 : vector<4096x2xf32>
    %swap3A = arith.constant 0 : index
    %swap3A_19 = arith.constant 0 : index
    %swap3A_20 = vector.load %arg3[%swap3A, %swap3A_19] : memref<4096x2xf32, #tpu.memory_space<vmem>>, vector<4096x2xf32>
    tpu.vector_store %arg3[%swap3A, %swap3A_19], %sub3A_18 {strides = array<i32>} : memref<4096x2xf32, #tpu.memory_space<vmem>>, vector<4096x2xf32>,
    return
  }
}

</mosaic_0001>

<sc_bundles>
// kernel: kernel.4.cloned.1.call-start
scs
__scs_entry_jumppad:
0x0: {  	(pc) =	sbr.rel $0x88, $3  }
0x1: {  	(tag) =	ssettag $0x0;
	lr =	simm.s32 $0x1  }
0x2: {  	[smem:$0x3F9D] =	sst lr;
	_ =	strace $0xD0000000  }
0x3: {  	_ = 	snop  }
0x4: {  	_ = 	snop  }
0x5: {  	_ = 	snop  }
0x6: {  	_ = 	snop  }
0x7: {  	_ = 	snop  }
__scs_overlays_trampoline_lowered:
0x8: {  	[smem:$0x3FAC] =	sst s0  }
0x9: {  	[smem:$0x3FAD] =	sst s1  }
0xa: {  	[smem:$0x3FAE] =	sst s2  }
0xb: {  	[smem:$0x3FAF] =	sst s3  }
0xc: {  	[smem:$0x3FB0] =	sst s4  }
0xd: {  	[smem:$0x3FB1] =	sst s5  }
0xe: {  	[smem:$0x3FB2] =	sst s6  }
0xf: {  	[smem:$0x3FB3] =	sst s7  }
0x10: {  	[smem:$0x3FB4] =	sst s8  }
0x11: {  	[smem:$0x3FB5] =	sst s9;
	s0 =	simm.s32 @!p0 $0x0  }
0x12: {  	s1 =	sld [smem:$0x3F9B];
	s0 =	simm.s32 @p0 $0x1  }
0x13: {  	[smem:$0x3FB6] =	sst s0;
	s0 =	simm.s32 @!p1 $0x0  }
0x14: {  	s2 =	sld [smem:$0x3F9A];
	s0 =	simm.s32 @p1 $0x1  }
0x15: {  	[smem:$0x3FB7] =	sst s0;
	s0 =	simm.s32 @!p2 $0x0  }
0x16: {  	s3 =	sld [smem:$0x3FDB];
	s0 =	simm.s32 @p2 $0x1  }
0x17: {  	s4 =	simm.s32 $0x1BF5;
	[smem:$0x3FB9] =	sst s0  }
0x18: {  	s0 =	sld [smem:$0x3F9C];
	_ =	swait.ge [sflag:s4], $0x0  }
0x19: {  	s7 =	sld [smem:$0x3F9D]  }
0x1a: {  	s8 =	sadd.s32 $0xFFFFE003, lr  }
0x1b: {  	s9 =	sadd.s32 $0xFFFFFEF7, lr;
	s5 =	simm.s32 $0xFFFFFFFF;
	p2 =	slt.u32 s8, $0xFFFFF086  }
0x1c: {  	p1 =	slt.u32 s9, $0xF7A;
	s5 =	simm.s32 @!p2 $0x0  }
0x1d: {  	s5 =	simm.s32 @p1 $0x1;
	p0 =	seq.s32 s7, s2  }
0x1e: {  	s7 =	smul.u32 @!p0 $0xF7A, s2;
	p2 =	seq.s32 @!p0 s5, $0x0  }
0x1f: {  	s9 =	smul.u32 $0xF7A, s1;
	s8 =	simm.s32 @!p0 $0x1BF5;
	p2 =	por !p2, p0  }
0x20: {  	[sflag:s8] =	ssyncset.s32 @!p0 $0xFFFFF086;
	s6 =	sadd.s32 @!p0 s3, s7;
	s7 =	simm.s32 @!p0 $0x108  }
0x21: {  	s3 =	sadd.s32 s3, s9;
	s6 =	sadd.s32 @!p0 $0x88, s6;
	s7 =	simm.s32 @p2 $0x1082  }
0x22: {  	[simem:s7], [sflag:s8] =	dma.local @!p0 [hbm:s6], $0xF7A  }
0x23: {  	s9 =	sor.u32 $0xD0000000, s2;
	s6 =	simm.s32 $0x108;
	_ =	swait.ge @!p0 [sflag:s8], $0x0  }
0x24: {  	s3 =	sadd.s32 $0x88, s3;
	s6 =	simm.s32 @!p1 $0x1082;
	[sflag:s4] =	ssyncset.s32 $0xFFFFF086  }
0x25: {  	[simem:s6], [sflag:s4] =	dma.local [hbm:s3], $0xF7A  }
0x26: {  	[smem:$0x3F9D] =	sst s1;
	(tag) =	ssettag s2;
	_ =	strace s9  }
0x27: {  	s1 =	sld [smem:$0x3FAD]  }
0x28: {  	s2 =	sld [smem:$0x3FAE]  }
0x29: {  	s4 =	sld [smem:$0x3FB0]  }
0x2a: {  	p0 =	seq.s32 s5, $0x0;
	s5 =	sld [smem:$0x3FB1]  }
0x2b: {  	s6 =	sld [smem:$0x3FB2]  }
0x2c: {  	s7 =	sld [smem:$0x3FB3]  }
0x2d: {  	s3 =	simm.s32 $0x108;
	s8 =	sld [smem:$0x3FB4]  }
0x2e: {  	s3 =	simm.s32 @!p0 $0x1082;
	s9 =	sld [smem:$0x3FB5]  }
0x2f: {  	lr =	sadd.s32 s0, s3;
	s0 =	sld [smem:$0x3FAC]  }
0x30: {  	s3 =	sld [smem:$0x3FAF]  }
0x31: {  	[smem:$0x3FB8] =	sst s10  }
0x32: {  	s10 =	sld [smem:$0x3FB6];
	_ =	sdelay $0x3  }
0x33: {  	p0 =	seq.s32 s10, $0x1;
	s10 =	sld [smem:$0x3FB8];
	_ =	sdelay $0x3  }
0x34: {  	[smem:$0x3FB8] =	sst s10  }
0x35: {  	s10 =	sld [smem:$0x3FB7];
	_ =	sdelay $0x3  }
0x36: {  	p1 =	seq.s32 s10, $0x1;
	s10 =	sld [smem:$0x3FB8];
	_ =	sdelay $0x3  }
0x37: {  	[smem:$0x3FB8] =	sst s10  }
0x38: {  	s10 =	sld [smem:$0x3FB9]  }
0x39: {  	_ = 	snop;
	(pc) =	sbr.ind lr, $3  }
0x3a: {  	_ = 	snop  }
0x3b: {  	_ = 	snop  }
0x3c: {  	p2 =	seq.s32 s10, $0x1;
	s10 =	sld [smem:$0x3FB8]  }
0x3d: {  	_ =	shalt  }
0x3e: {  	_ =	shalt  }
0x3f: {  	_ =	shalt  }
0x40: {  	_ =	shalt  }
0x41: {  	_ =	shalt  }
0x42: {  	_ =	shalt  }
0x43: {  	_ =	shalt  }
0x44: {  	_ =	shalt  }
0x45: {  	_ =	shalt  }
0x46: {  	_ =	shalt  }
0x47: {  	_ =	shalt  }
0x48: {  	_ =	shalt  }
0x49: {  	_ =	shalt  }
0x4a: {  	_ =	shalt  }
0x4b: {  	_ =	shalt  }
0x4c: {  	_ =	shalt  }
0x4d: {  	_ =	shalt  }
0x4e: {  	_ =	shalt  }
0x4f: {  	_ =	shalt  }
0x50: {  	_ =	shalt  }
0x51: {  	_ =	shalt  }
0x52: {  	_ =	shalt  }
0x53: {  	_ =	shalt  }
0x54: {  	_ =	shalt  }
0x55: {  	_ =	shalt  }
0x56: {  	_ =	shalt  }
0x57: {  	_ =	shalt  }
0x58: {  	_ =	shalt  }
0x59: {  	_ =	shalt  }
0x5a: {  	_ =	shalt  }
0x5b: {  	_ =	shalt  }
0x5c: {  	_ =	shalt  }
0x5d: {  	_ =	shalt  }
0x5e: {  	_ =	shalt  }
0x5f: {  	_ =	shalt  }
0x60: {  	_ =	shalt  }
0x61: {  	_ =	shalt  }
0x62: {  	_ =	shalt  }
0x63: {  	_ =	shalt  }
0x64: {  	_ =	shalt  }
0x65: {  	_ =	shalt  }
0x66: {  	_ =	shalt  }
0x67: {  	_ =	shalt  }
0x68: {  	_ =	shalt  }
0x69: {  	_ =	shalt  }
0x6a: {  	_ =	shalt  }
0x6b: {  	_ =	shalt  }
0x6c: {  	_ =	shalt  }
0x6d: {  	_ =	shalt  }
0x6e: {  	_ =	shalt  }
0x6f: {  	_ =	shalt  }
0x70: {  	_ =	shalt  }
0x71: {  	_ =	shalt  }
0x72: {  	_ =	shalt  }
0x73: {  	_ =	shalt  }
0x74: {  	_ =	shalt  }
0x75: {  	_ =	shalt  }
0x76: {  	_ =	shalt  }
0x77: {  	_ =	shalt  }
0x78: {  	_ =	shalt  }
0x79: {  	_ =	shalt  }
0x7a: {  	_ =	shalt  }
0x7b: {  	_ =	shalt  }
0x7c: {  	_ =	shalt  }
0x7d: {  	_ =	shalt  }
0x7e: {  	_ =	shalt  }
0x7f: {  	_ =	shalt  }
0x80: {  	_ =	shalt  }
0x81: {  	_ =	shalt  }
0x82: {  	_ =	shalt  }
0x83: {  	_ =	shalt  }
0x84: {  	_ =	shalt  }
0x85: {  	_ =	shalt  }
0x86: {  	_ =	shalt  }
0x87: {  	_ =	shalt  }
.Lfunc_end0:
.L_simem_size_0:
called_computation.2_lowered:
.L_overlay_start_0:
0x88: {  	s2 =	sld [smem:$0x3FD9]  }
0x89: {  	s3 =	sld [smem:$0x3FFE];
	_ =	sdelay $0x1  }
0x8a: {  	s1 =	srdreg.scid  }
0x8b: {  	s0 =	sand.u32 $0x1, s1  }
0x8c: {  	s16 =	sshll.u32 s0, $0xA;
	s2 =	sadd.s32 s3, s2  }
0x8d: {  	s2 =	sadd.s32 s2, s16  }
0x8e: {  	[smem:$0x3FC4] =	sst s2  }
0x8f: {  	_ = 	snop  }
0x90: {  	(tm) =	ssettm $0x1  }
0x91: {  	s17 =	sld [smem:$0x3FFB];
	_ =	sdelay $0x3  }
0x92: {  	_ =	strace s17  }
0x93: {  	s2 =	sld [smem:$0x3FFC];
	_ =	sdelay $0x3  }
0x94: {  	_ =	strace s2  }
0x95: {  	s2 =	sld [smem:$0x3FFD];
	_ =	sdelay $0x3  }
0x96: {  	_ =	strace s2  }
0x97: {  	_ =	strace $0x8FFFFFFF  }
0x98: {  	s18 =	sld [smem:$0x3FDB];
	_ =	sdelay $0x1  }
0x99: {  	s19 =	simm.s32 $_scs_section_size  }
0x9a: {  	s4 =	simm.s32 $_size__tile_overlayer_lowered;
	s5 =	simm.s32 $_tile_overlayer_lowered  }
0x9b: {  	s22 =	simm.s32 $0x1BFF;
	s21 =	sshll.u32 s5, $0x1;
	s2 =	sadd.s32 s19, s18  }
0x9c: {  	s6 =	simm.s32 $0x0;
	s20 =	sshll.u32 s4, $0x1;
	s4 =	sadd.s32 s21, s2  }
0x9d: {  	[timem:s6], [sflag:s22] =	dma.local [hbm:s4], s20  }
0x9e: {  	_ =	swait.ge [sflag:s22], s20  }
0x9f: {  	s3 =	ssub.s32 $0x0, s20;
	[sflag:s22] =	ssyncset.done $0x0  }
0xa0: {  	[sflag:s22] =	ssyncadd.s32 s3;
	_ =	sdelay $0x1  }
0xa1: {  	s23 =	simm.s32 $0x1B8B  }
0xa2: {  	_ =	swait.ge [sflag:s23], $0x1  }
0xa3: {  	[sflag:s23] =	ssyncset.done $0x0  }
0xa4: {  	s25 =	simm.s32 $0x1B8E;
	s24 =	sld [smem:$0x3FFE];
	[sflag:s23] =	ssyncadd.s32 $0xFFFFFFFF  }
0xa5: {  	s26 =	simm.s32 $execute0_lowered;
	[smem:$0x3FD2] =	sst s25  }
0xa6: {  	s4 =	sshll.u32 s26, $0x1;
	_ =	strace $0x8000004C;
	[dreg:$0x1] =	wrdreg $0xFFFFFFFF  }
0xa7: {  	s28 =	simm.s32 $_size_execute0_lowered;
	s2 =	sadd.s32 s2, s4;
	[dreg:$0x0] =	wrdreg $0x0  }
0xa8: {  	s4 =	sshll.u32 s28, $0x1;
	[dreg:$0x2] =	wrdreg s2  }
0xa9: {  	[dreg:$0x3] =	wrdreg s4  }
0xaa: {  	[dreg:$0x4] =	wrdreg $0xC0  }
0xab: {  	_ =	task [dreg:s6], $0x5FFFF  }
0xac: {  	[dreg:$0x1] =	wrdreg $0xFFFFFFFF  }
0xad: {  	[dreg:$0x0] =	wrdreg $0x60  }
0xae: {  	[dreg:$0x2] =	wrdreg s24  }
0xaf: {  	[dreg:$0x3] =	wrdreg $0x9  }
0xb0: {  	_ =	task.clear_ibuf [dreg:s6], $0x4FFFF;
	_ =	strace $0x9000004C  }
0xb1: {  	s29 =	simm.s32 $0x9;
	_ =	strace $0x8000004E  }
0xb2: {  	_ =	swait.ge [sflag:s29], $0x1  }
0xb3: {  	[sflag:s29] =	ssyncadd.s32 $0xFFFFFFFF  }
0xb4: {  	_ =	strace $0x9000004E  }
0xb5: {  	_ =	sfence  }
0xb6: {  	s30 =	sld [smem:$0x0];
	_ =	sdelay $0x2  }
0xb7: {  	s31 =	sshll.u32 s1, $0xD;
	s1 =	sshrl.u32 s1, $0x2  }
0xb8: {  	s3 =	sand.u32 $0x4000, s31;
	s1 =	sadd.s32 s1, s30  }
0xb9: {  	s0 =	sor.u32 s3, s0;
	s1 =	sshll.u32 s1, $0x11  }
0xba: {  	s0 =	sor.u32 s1, s0  }
0xbb: {  	s0 =	sadd.s32 $0x8F2B, s0  }
0xbc: {  	[sflag:s0] =	ssyncadd.remote.s32 $0x1  }
0xbd: {  	_ =	sfence.sel $0xFFFF  }
0xbe: {  	[dreg:$0x0] =	wrdreg $0xFFFFFFFF;
	(pc) =	sbr.abs _section_cstart, $3  }
0xbf: {  	[dreg:$0x1] =	wrdreg $0xFFFFFFFF  }
0xc0: {  	_ =	task.clear_ibuf [dreg:s6], $0x2FFFF;
	_ =	strace $0x9FFFFFFF  }
0xc1: {  	(tm) =	ssettm $0x7FFFFFFF  }
tec
execute0_lowered:
.L_overlay_start_1:
0x0: {  	(tag) =	ssettag $0x1  }
0x1: {  	s0 =	srdreg.scid;
	s2 =	stileid.u32  }
0x2: {  	s1 =	rddreg [dreg:$0x0];
	s7 =	simm.s32 $0x9;
	s8 =	simm.s32 $0x68  }
0x3: {  	s15 =	simm.s32 $0x1A0;
	s16 =	simm.s32 $0x9C00;
	s17 =	simm.s32 $0x208  }
0x4: {  	s18 =	simm.s32 $0xA900;
	s19 =	simm.s32 $0x270;
	s20 =	simm.s32 $0xB600  }
0x5: {  	s21 =	simm.s32 $0x2D8;
	s22 =	simm.s32 $0xC300;
	s23 =	simm.s32 $0x1  }
0x6: {  	s24 =	simm.s32 $0x2;
	s25 =	simm.s32 $0x3;
	s28 =	simm.s32 $0x5  }
0x7: {  	s29 =	simm.s32 $0x6;
	s0 =	sand.u32 $0x1, s0;
	s3 =	sshll.u32 s2, $0x1  }
0x8: {  	s30 =	simm.s32 $0x7;
	s2 =	simm.s32 $0x0;
	s3 =	sor.u32 s0, s3  }
0x9: {  	s31 =	simm.s32 $0x8;
	[smem:$0x7FF] =	sst s2;
	s4 =	smul.u32 $0xD00, s3  }
.Ltmp0:
0xa: {  	s0 =	ssub.s32 $0x2, s0;
	_ =	strace $0x8000004D;
	(pc) =	sbr.rel .LBB2_1-.Ltmp0, $4  }
0xb: {  	s5 =	sshll.u32 s3, $0xA;
	s3 =	sadd.s32 $0x1400, s1;
	s26 =	sshrl.u32 s0, $0x1  }
0xc: {  	s0 =	ssub.s32 s0, s26;
	s26 =	simm.s32 $0x4;
	s4 =	sadd.s32 s4, s1  }
0xd: {  	s1 =	sadd.s32 s5, s1;
	s6 =	smax.u32 s0, $0x1;
	s4 =	sadd.s32 $0x7A2800, s4  }
0xe: {  	s0 =	simm.s32 $0x0;
	s5 =	sadd.s32 $0x3D1E00, s1;
	s1 =	simm.s32 $0xD000  }
.LBB2_20:
0xf: {  	s0 =	sadd.s32 $0x1, s0  }
0x10: {  	p0 =	sne.s32 s0, s6  }
.Ltmp1:
0x11: {  	_ = 	snop;
	(pc) =	sbr.rel @!p0 .LBB2_21-.Ltmp1, $4  }
0x12: {  	[hbm4b:s5+s2] =	stream.linear.scatter [tilespmem:s1], [sflag:$0x9], $0x2000, $0x38;
	[tilespmem:$0xF000] =	vst v63  }
0x13: {  	_ =	swait.ge [sflag:s7], $0x2000  }
0x14: {  	[sflag:s7] =	ssyncset.done $0x0  }
0x15: {  	[sflag:s7] =	ssyncadd.s32 $0xFFFFE000  }
.LBB2_1:
0x16: {  	[tilespmem:s2], [sflag:$0x9] =	stream.linear.gather [hbm4b:s4+s2], $0x6800, $0x38;
	[tilespmem:$0xF000] =	vst v63  }
0x17: {  	_ =	swait.ge [sflag:s7], $0x6800  }
0x18: {  	[sflag:s7] =	ssyncset.done $0x0  }
0x19: {  	s9 =	simm.s32 $0x6800;
	[sflag:s7] =	ssyncadd.s32 $0xFFFF9800  }
0x1a: {  	[tilespmem:s9], [sflag:$0x1] =	stream.indirect.gather [hbm4b:s3+s8], $0x20, s2, s8, $0xb8;
	[tilespmem:$0xF000] =	vst v63  }
0x1b: {  	s11 =	simm.s32 $0x7500  }
0x1c: {  	[tilespmem:s11], [sflag:$0x2] =	stream.indirect.gather [hbm4b:s3+s8], $0x20, s8, s8, $0xb8;
	[tilespmem:$0xF000] =	vst v63  }
0x1d: {  	s12 =	simm.s32 $0xD0;
	s10 =	simm.s32 $0x8200  }
0x1e: {  	[tilespmem:s10], [sflag:$0x3] =	stream.indirect.gather [hbm4b:s3+s8], $0x20, s12, s8, $0xb8;
	[tilespmem:$0xF000] =	vst v63  }
0x1f: {  	s13 =	simm.s32 $0x138;
	s14 =	simm.s32 $0x8F00  }
0x20: {  	[tilespmem:s14], [sflag:$0x4] =	stream.indirect.gather [hbm4b:s3+s8], $0x20, s13, s8, $0xb8;
	[tilespmem:$0xF000] =	vst v63  }
0x21: {  	_ = 	snop  }
0x22: {  	[tilespmem:s16], [sflag:$0x5] =	stream.indirect.gather [hbm4b:s3+s8], $0x20, s15, s8, $0xb8;
	[tilespmem:$0xF000] =	vst v63  }
0x23: {  	_ = 	snop  }
0x24: {  	[tilespmem:s18], [sflag:$0x6] =	stream.indirect.gather [hbm4b:s3+s8], $0x20, s17, s8, $0xb8;
	[tilespmem:$0xF000] =	vst v63  }
0x25: {  	_ = 	snop  }
0x26: {  	[tilespmem:s20], [sflag:$0x7] =	stream.indirect.gather [hbm4b:s3+s8], $0x20, s19, s8, $0xb8;
	[tilespmem:$0xF000] =	vst v63  }
0x27: {  	s9 =	simm.s32 $0x0  }
0x28: {  	[tilespmem:s22], [sflag:$0x8] =	stream.indirect.gather [hbm4b:s3+s8], $0x20, s21, s8, $0xb8;
	[tilespmem:$0xF000] =	vst v63  }
.LBB2_2:
0x29: {  	_ =	swait.ge [sflag:s23], $0xD00  }
0x2a: {  	[sflag:s23] =	ssyncset.done $0x0  }
0x2b: {  	s11 =	simm.s32 $0x0;
	[sflag:s23] =	ssyncadd.s32 $0xFFFFF300  }
0x2c: {  	v1 =	vld [tilespmem:s11+$0x6860]  }
0x2d: {  	v2 =	vld [tilespmem:s11+$0x6840]  }
0x2e: {  	v3 =	vld [tilespmem:s11+$0x6820]  }
0x2f: {  	v4 =	vld [tilespmem:s11+$0x6800]  }
0x30: {  	v5 =	vld [tilespmem:s11+$0x6810];
	_ =	sdelay $0x1  }
0x31: {  	v6 =	vimm.f32 $0.0e+00;
	v8 =	vld [tilespmem:s11+$0x6830]  }
0x32: {  	v9 =	vunpack.i.u.bf16.f32 v2;
	v0 =	vunpack.i.u.bf16.f32 v1;
	v1 =	vunpack.i.l.bf16.f32 v1  }
0x33: {  	v13 =	vld [tilespmem:s11+$0x6850];
	v10 =	vunpack.i.u.bf16.f32 v3;
	v11 =	vunpack.i.l.bf16.f32 v3;
	v12 =	vunpack.i.l.bf16.f32 v2  }
0x34: {  	v2 =	vunpack.i.u.bf16.f32 v4;
	v3 =	vunpack.i.l.bf16.f32 v4;
	v4 =	vunpack.i.u.bf16.f32 v5  }
0x35: {  	s10 =	simm.s32 $0x80;
	v7 =	vld [tilespmem:s11+$0x6870];
	v14 =	vadd.f32 v3, v6;
	v15 =	vadd.f32 v2, v6;
	v3 =	vunpack.i.l.bf16.f32 v5  }
0x36: {  	v2 =	vld [tilespmem:s10+$0x6860];
	v4 =	vadd.f32 v4, v6;
	v16 =	vadd.f32 v3, v6;
	v6 =	vunpack.i.u.bf16.f32 v8  }
0x37: {  	v5 =	vld [tilespmem:s10+$0x6820];
	v8 =	vunpack.i.l.bf16.f32 v8;
	v11 =	vadd.f32 v11, v14;
	v10 =	vadd.f32 v10, v15  }
0x38: {  	v63 =	vunpack.i.u.bf16.f32 v13;
	v3 =	vld [tilespmem:s10+$0x6840];
	v15 =	vadd.f32 v6, v4;
	v14 =	vadd.f32 v8, v16  }
0x39: {  	v6 =	vld [tilespmem:s10+$0x6800];
	v8 =	vadd.f32 v12, v11;
	v9 =	vadd.f32 v9, v10;
	v10 =	vunpack.i.l.bf16.f32 v13  }
0x3a: {  	s11 =	simm.s32 $0x400;
	v4 =	vld [tilespmem:s10+$0x6810];
	v11 =	vadd.f32 v63, v15;
	v12 =	vunpack.i.u.bf16.f32 v7;
	v10 =	vadd.f32 v10, v14  }
.LBB2_3:
0x3b: {  	p0 =	sne.s32 s11, $0x3200;
	v8 =	vadd.f32 v1, v8;
	v9 =	vadd.f32 v0, v9;
	v0 =	vunpack.i.l.bf16.f32 v7  }
0x3c: {  	v13 =	vld [tilespmem:s10+$0x6830];
	v10 =	vadd.f32 v0, v10;
	v11 =	vadd.f32 v12, v11  }
0x3d: {  	v1 =	vunpack.i.l.bf16.f32 v2;
	v12 =	vunpack.i.u.bf16.f32 v3;
	v0 =	vunpack.i.u.bf16.f32 v2  }
0x3e: {  	v15 =	vunpack.i.l.bf16.f32 v3;
	v14 =	vunpack.i.u.bf16.f32 v5;
	v5 =	vunpack.i.l.bf16.f32 v5;
	v16 =	vld [tilespmem:s10+$0x6850]  }
0x3f: {  	v2 =	vunpack.i.u.bf16.f32 v6;
	v3 =	vunpack.i.l.bf16.f32 v6;
	v6 =	vunpack.i.u.bf16.f32 v4  }
0x40: {  	v8 =	vadd.f32 v3, v8;
	v9 =	vadd.f32 v2, v9;
	v3 =	vunpack.i.l.bf16.f32 v4;
	v7 =	vld [tilespmem:s10+$0x6870];
	s10 =	sshra.s32 s11, $0x2  }
.Ltmp2:
0x41: {  	v4 =	vadd.f32 v3, v10;
	v6 =	vadd.f32 v6, v11;
	v2 =	vld [tilespmem:s10+$0x6860];
	v10 =	vunpack.i.u.bf16.f32 v13;
	(pc) =	sbr.rel @p0 .LBB2_3-.Ltmp2, $4  }
0x42: {  	v8 =	vadd.f32 v5, v8;
	v9 =	vadd.f32 v14, v9;
	v11 =	vunpack.i.l.bf16.f32 v13;
	v3 =	vld [tilespmem:s10+$0x6840]  }
0x43: {  	v11 =	vadd.f32 v11, v4;
	v13 =	vadd.f32 v10, v6;
	v5 =	vld [tilespmem:s10+$0x6820];
	v14 =	vunpack.i.u.bf16.f32 v16  }
0x44: {  	v8 =	vadd.f32 v15, v8;
	v9 =	vadd.f32 v12, v9;
	v10 =	vunpack.i.l.bf16.f32 v16;
	v6 =	vld [tilespmem:s10+$0x6800]  }
0x45: {  	s11 =	sadd.s32 $0x200, s11;
	v10 =	vadd.f32 v10, v11;
	v11 =	vadd.f32 v14, v13;
	v4 =	vld [tilespmem:s10+$0x6810];
	v12 =	vunpack.i.u.bf16.f32 v7  }
0x46: {  	p0 =	seq.s32 s9, $0x1F  }
0x47: {  	s11 =	smul.u32 @!p0 $0xD00, s9  }
0x48: {  	v13 =	vld [tilespmem:s10+$0x6830]  }
0x49: {  	v1 =	vadd.f32 v1, v8;
	v0 =	vadd.f32 v0, v9;
	v7 =	vunpack.i.l.bf16.f32 v7;
	v8 =	vld [tilespmem:s10+$0x6850];
	s11 =	sshra.s32 @!p0 s11, $0x2  }
0x4a: {  	v7 =	vadd.f32 v7, v10;
	v9 =	vadd.f32 v12, v11;
	v10 =	vld [tilespmem:s10+$0x6870];
	s12 =	simm.s32 @!p0 $0x68;
	s13 =	simm.s32 @!p0 $0x6800;
	s10 =	sadd.s32 @!p0 $0x340, s11  }
0x4b: {  	v11 =	vunpack.i.u.bf16.f32 v3;
	v12 =	vunpack.i.u.bf16.f32 v2;
	v2 =	vunpack.i.l.bf16.f32 v2;
	[tilespmem:s13], [sflag:$0x1] =	stream.indirect.gather @!p0 [hbm4b:s3+s12], $0x20, s10, s12, $0xb8;
	[tilespmem:$0xF000] =	vst v63  }
0x4c: {  	v3 =	vunpack.i.l.bf16.f32 v3;
	v14 =	vunpack.i.u.bf16.f32 v5;
	v5 =	vunpack.i.l.bf16.f32 v5;
	_ =	swait.ge [sflag:s24], $0xD00  }
0x4d: {  	v15 =	vunpack.i.u.bf16.f32 v6;
	v6 =	vunpack.i.l.bf16.f32 v6;
	v16 =	vunpack.i.u.bf16.f32 v4;
	[sflag:s24] =	ssyncset.done $0x0  }
0x4e: {  	s14 =	simm.s32 $0x0;
	v1 =	vadd.f32 v6, v1;
	v0 =	vadd.f32 v15, v0;
	v4 =	vunpack.i.l.bf16.f32 v4;
	[sflag:s24] =	ssyncadd.s32 $0xFFFFF300  }
0x4f: {  	v4 =	vadd.f32 v4, v7;
	v6 =	vadd.f32 v16, v9;
	v7 =	vunpack.i.u.bf16.f32 v13;
	v9 =	vld [tilespmem:s14+$0x7560]  }
0x50: {  	v1 =	vadd.f32 v5, v1;
	v0 =	vadd.f32 v14, v0;
	v5 =	vunpack.i.l.bf16.f32 v13;
	v13 =	vld [tilespmem:s14+$0x7540]  }
0x51: {  	v4 =	vadd.f32 v5, v4;
	v5 =	vadd.f32 v7, v6;
	v6 =	vunpack.i.u.bf16.f32 v8;
	v7 =	vld [tilespmem:s14+$0x7520]  }
0x52: {  	v1 =	vadd.f32 v3, v1;
	v0 =	vadd.f32 v11, v0;
	v3 =	vunpack.i.l.bf16.f32 v8;
	v8 =	vld [tilespmem:s14+$0x7500]  }
0x53: {  	v4 =	vadd.f32 v3, v4;
	v5 =	vadd.f32 v6, v5;
	v6 =	vunpack.i.u.bf16.f32 v10;
	v11 =	vld [tilespmem:s14+$0x7510]  }
0x54: {  	v3 =	vadd.f32 v2, v1;
	v1 =	vadd.f32 v12, v0;
	v0 =	vunpack.i.l.bf16.f32 v10  }
0x55: {  	v10 =	vld [tilespmem:s14+$0x7530];
	v2 =	vadd.f32 v0, v4;
	v0 =	vadd.f32 v6, v5;
	v6 =	vimm.f32 $0.0e+00  }
0x56: {  	v12 =	vunpack.i.u.bf16.f32 v13;
	v4 =	vunpack.i.u.bf16.f32 v9;
	v5 =	vunpack.i.l.bf16.f32 v9  }
0x57: {  	v15 =	vld [tilespmem:s14+$0x7550];
	v9 =	vunpack.i.u.bf16.f32 v7;
	v14 =	vunpack.i.l.bf16.f32 v7;
	v13 =	vunpack.i.l.bf16.f32 v13  }
0x58: {  	v7 =	vunpack.i.u.bf16.f32 v8;
	v8 =	vunpack.i.l.bf16.f32 v8;
	v16 =	vunpack.i.u.bf16.f32 v11  }
0x59: {  	s10 =	simm.s32 $0x80;
	v11 =	vunpack.i.l.bf16.f32 v11;
	v17 =	vadd.f32 v8, v6;
	v18 =	vadd.f32 v7, v6;
	v8 =	vld [tilespmem:s14+$0x7570]  }
0x5a: {  	v7 =	vld [tilespmem:s10+$0x7560];
	v11 =	vadd.f32 v11, v6;
	v16 =	vadd.f32 v16, v6;
	v19 =	vunpack.i.u.bf16.f32 v10  }
0x5b: {  	v6 =	vld [tilespmem:s10+$0x7540];
	v10 =	vunpack.i.l.bf16.f32 v10;
	v14 =	vadd.f32 v14, v17;
	v17 =	vadd.f32 v9, v18  }
0x5c: {  	v9 =	vld [tilespmem:s10+$0x7520];
	v18 =	vadd.f32 v10, v11;
	v16 =	vadd.f32 v19, v16;
	v19 =	vunpack.i.u.bf16.f32 v15  }
0x5d: {  	v11 =	vld [tilespmem:s10+$0x7500];
	v13 =	vadd.f32 v13, v14;
	v12 =	vadd.f32 v12, v17;
	v14 =	vunpack.i.l.bf16.f32 v15  }
0x5e: {  	s12 =	simm.s32 $0x400;
	v10 =	vld [tilespmem:s10+$0x7510];
	v15 =	vadd.f32 v14, v18;
	v14 =	vadd.f32 v19, v16;
	v16 =	vunpack.i.u.bf16.f32 v8  }
.LBB2_5:
0x5f: {  	p1 =	sne.s32 s12, $0x3200;
	v13 =	vadd.f32 v5, v13;
	v12 =	vadd.f32 v4, v12;
	v4 =	vunpack.i.l.bf16.f32 v8  }
0x60: {  	v17 =	vld [tilespmem:s10+$0x7530];
	v15 =	vadd.f32 v4, v15;
	v14 =	vadd.f32 v16, v14  }
0x61: {  	v5 =	vunpack.i.l.bf16.f32 v7;
	v16 =	vunpack.i.u.bf16.f32 v6;
	v4 =	vunpack.i.u.bf16.f32 v7  }
0x62: {  	v19 =	vunpack.i.l.bf16.f32 v6;
	v18 =	vunpack.i.u.bf16.f32 v9;
	v9 =	vunpack.i.l.bf16.f32 v9;
	v20 =	vld [tilespmem:s10+$0x7550]  }
0x63: {  	v6 =	vunpack.i.u.bf16.f32 v11;
	v7 =	vunpack.i.l.bf16.f32 v11;
	v11 =	vunpack.i.u.bf16.f32 v10  }
0x64: {  	v13 =	vadd.f32 v7, v13;
	v12 =	vadd.f32 v6, v12;
	v6 =	vunpack.i.l.bf16.f32 v10;
	v8 =	vld [tilespmem:s10+$0x7570];
	s10 =	sshra.s32 s12, $0x2  }
.Ltmp3:
0x65: {  	v10 =	vadd.f32 v6, v15;
	v11 =	vadd.f32 v11, v14;
	v7 =	vld [tilespmem:s10+$0x7560];
	v14 =	vunpack.i.u.bf16.f32 v17;
	(pc) =	sbr.rel @p1 .LBB2_5-.Ltmp3, $4  }
0x66: {  	v13 =	vadd.f32 v9, v13;
	v12 =	vadd.f32 v18, v12;
	v15 =	vunpack.i.l.bf16.f32 v17;
	v6 =	vld [tilespmem:s10+$0x7540]  }
0x67: {  	v15 =	vadd.f32 v15, v10;
	v14 =	vadd.f32 v14, v11;
	v9 =	vld [tilespmem:s10+$0x7520];
	v17 =	vunpack.i.u.bf16.f32 v20  }
0x68: {  	v13 =	vadd.f32 v19, v13;
	v12 =	vadd.f32 v16, v12;
	v16 =	vunpack.i.l.bf16.f32 v20;
	v11 =	vld [tilespmem:s10+$0x7500]  }
0x69: {  	s12 =	sadd.s32 $0x200, s12;
	v15 =	vadd.f32 v16, v15;
	v14 =	vadd.f32 v17, v14;
	v10 =	vld [tilespmem:s10+$0x7510];
	v16 =	vunpack.i.u.bf16.f32 v8  }
0x6a: {  	v5 =	vadd.f32 v5, v13;
	v8 =	vunpack.i.l.bf16.f32 v8  }
0x6b: {  	v4 =	vadd.f32 v4, v12;
	v8 =	vadd.f32 v8, v15  }
0x6c: {  	v12 =	vld [tilespmem:s10+$0x7530];
	v13 =	vadd.f32 v16, v14;
	v14 =	vunpack.i.u.bf16.f32 v6;
	v15 =	vunpack.i.u.bf16.f32 v7  }
0x6d: {  	v7 =	vunpack.i.l.bf16.f32 v7;
	v6 =	vunpack.i.l.bf16.f32 v6;
	v17 =	vunpack.i.l.bf16.f32 v11  }
0x6e: {  	v18 =	vld [tilespmem:s10+$0x7550];
	v60 =	vunpack.i.u.bf16.f32 v9;
	v11 =	vunpack.i.u.bf16.f32 v11;
	v5 =	vadd.f32 v17, v5  }
0x6f: {  	v9 =	vunpack.i.l.bf16.f32 v9;
	v4 =	vadd.f32 v11, v4;
	v11 =	vunpack.i.l.bf16.f32 v10  }
0x70: {  	v61 =	vld [tilespmem:s10+$0x7570];
	v10 =	vunpack.i.u.bf16.f32 v10;
	v8 =	vadd.f32 v11, v8;
	v5 =	vadd.f32 v9, v5  }
0x71: {  	v9 =	vadd.f32 v10, v13;
	v4 =	vadd.f32 v60, v4;
	v10 =	vunpack.i.l.bf16.f32 v12  }
0x72: {  	v11 =	vunpack.i.u.bf16.f32 v12;
	v8 =	vadd.f32 v10, v8;
	v5 =	vadd.f32 v6, v5  }
0x73: {  	v6 =	vadd.f32 v11, v9;
	v4 =	vadd.f32 v14, v4;
	v9 =	vunpack.i.l.bf16.f32 v18  }
0x74: {  	v10 =	vunpack.i.u.bf16.f32 v18;
	v8 =	vadd.f32 v9, v8;
	v5 =	vadd.f32 v7, v5  }
0x75: {  	v6 =	vadd.f32 v10, v6;
	v4 =	vadd.f32 v15, v4;
	v7 =	vunpack.i.l.bf16.f32 v61  }
0x76: {  	s13 =	sshll.u32 s9, $0x8;
	v9 =	vunpack.i.u.bf16.f32 v61;
	v7 =	vadd.f32 v7, v8;
	v3 =	vadd.f32 v5, v3  }
0x77: {  	s10 =	sand.u32 $0x3FFFFF00, s13;
	v5 =	vadd.f32 v9, v6;
	v1 =	vadd.f32 v4, v1  }
0x78: {  	v2 =	vadd.f32 v7, v2;
	[tilespmem:s10+$0xD000] =	vst v3  }
0x79: {  	[tilespmem:s10+$0xD010] =	vst v1;
	v0 =	vadd.f32 v5, v0  }
0x7a: {  	[tilespmem:s10+$0xD020] =	vst v2  }
0x7b: {  	s12 =	sadd.s32 @!p0 $0x3A8, s11;
	s14 =	simm.s32 @!p0 $0x7500;
	s13 =	simm.s32 @!p0 $0x68;
	[tilespmem:s10+$0xD030] =	vst v0  }
0x7c: {  	[tilespmem:s14], [sflag:$0x2] =	stream.indirect.gather @!p0 [hbm4b:s3+s13], $0x20, s12, s13, $0xb8;
	[tilespmem:$0xF000] =	vst v63  }
0x7d: {  	_ =	swait.ge [sflag:s25], $0xD00  }
0x7e: {  	[sflag:s25] =	ssyncset.done $0x0  }
0x7f: {  	s14 =	simm.s32 $0x0;
	[sflag:s25] =	ssyncadd.s32 $0xFFFFF300  }
0x80: {  	v1 =	vld [tilespmem:s14+$0x8260]  }
0x81: {  	v2 =	vld [tilespmem:s14+$0x8240]  }
0x82: {  	v3 =	vld [tilespmem:s14+$0x8220]  }
0x83: {  	v4 =	vld [tilespmem:s14+$0x8200]  }
0x84: {  	v5 =	vld [tilespmem:s14+$0x8210];
	_ =	sdelay $0x1  }
0x85: {  	v6 =	vimm.f32 $0.0e+00;
	v8 =	vld [tilespmem:s14+$0x8230]  }
0x86: {  	v9 =	vunpack.i.u.bf16.f32 v2;
	v0 =	vunpack.i.u.bf16.f32 v1;
	v1 =	vunpack.i.l.bf16.f32 v1  }
0x87: {  	v13 =	vld [tilespmem:s14+$0x8250];
	v10 =	vunpack.i.u.bf16.f32 v3;
	v11 =	vunpack.i.l.bf16.f32 v3;
	v12 =	vunpack.i.l.bf16.f32 v2  }
0x88: {  	v2 =	vunpack.i.u.bf16.f32 v4;
	v3 =	vunpack.i.l.bf16.f32 v4;
	v4 =	vunpack.i.u.bf16.f32 v5  }
0x89: {  	s12 =	simm.s32 $0x80;
	v7 =	vld [tilespmem:s14+$0x8270];
	v14 =	vadd.f32 v3, v6;
	v15 =	vadd.f32 v2, v6;
	v3 =	vunpack.i.l.bf16.f32 v5  }
0x8a: {  	v2 =	vld [tilespmem:s12+$0x8260];
	v4 =	vadd.f32 v4, v6;
	v62 =	vadd.f32 v3, v6;
	v6 =	vunpack.i.u.bf16.f32 v8  }
0x8b: {  	v5 =	vld [tilespmem:s12+$0x8220];
	v8 =	vunpack.i.l.bf16.f32 v8;
	v11 =	vadd.f32 v11, v14;
	v10 =	vadd.f32 v10, v15  }
0x8c: {  	v63 =	vunpack.i.u.bf16.f32 v13;
	v3 =	vld [tilespmem:s12+$0x8240];
	v15 =	vadd.f32 v6, v4;
	v14 =	vadd.f32 v8, v62  }
0x8d: {  	v6 =	vld [tilespmem:s12+$0x8200];
	v8 =	vadd.f32 v12, v11;
	v9 =	vadd.f32 v9, v10;
	v10 =	vunpack.i.l.bf16.f32 v13  }
0x8e: {  	s13 =	simm.s32 $0x400;
	v4 =	vld [tilespmem:s12+$0x8210];
	v11 =	vadd.f32 v63, v15;
	v12 =	vunpack.i.u.bf16.f32 v7;
	v10 =	vadd.f32 v10, v14  }
.LBB2_7:
0x8f: {  	p1 =	sne.s32 s13, $0x3200;
	v8 =	vadd.f32 v1, v8;
	v9 =	vadd.f32 v0, v9;
	v0 =	vunpack.i.l.bf16.f32 v7  }
0x90: {  	v13 =	vld [tilespmem:s12+$0x8230];
	v10 =	vadd.f32 v0, v10;
	v11 =	vadd.f32 v12, v11  }
0x91: {  	v1 =	vunpack.i.l.bf16.f32 v2;
	v12 =	vunpack.i.u.bf16.f32 v3;
	v0 =	vunpack.i.u.bf16.f32 v2  }
0x92: {  	v15 =	vunpack.i.l.bf16.f32 v3;
	v14 =	vunpack.i.u.bf16.f32 v5;
	v5 =	vunpack.i.l.bf16.f32 v5;
	v16 =	vld [tilespmem:s12+$0x8250]  }
0x93: {  	v2 =	vunpack.i.u.bf16.f32 v6;
	v3 =	vunpack.i.l.bf16.f32 v6;
	v6 =	vunpack.i.u.bf16.f32 v4  }
0x94: {  	v8 =	vadd.f32 v3, v8;
	v9 =	vadd.f32 v2, v9;
	v3 =	vunpack.i.l.bf16.f32 v4;
	v7 =	vld [tilespmem:s12+$0x8270];
	s12 =	sshra.s32 s13, $0x2  }
.Ltmp4:
0x95: {  	v4 =	vadd.f32 v3, v10;
	v6 =	vadd.f32 v6, v11;
	v2 =	vld [tilespmem:s12+$0x8260];
	v10 =	vunpack.i.u.bf16.f32 v13;
	(pc) =	sbr.rel @p1 .LBB2_7-.Ltmp4, $4  }
0x96: {  	v8 =	vadd.f32 v5, v8;
	v9 =	vadd.f32 v14, v9;
	v11 =	vunpack.i.l.bf16.f32 v13;
	v3 =	vld [tilespmem:s12+$0x8240]  }
0x97: {  	v11 =	vadd.f32 v11, v4;
	v13 =	vadd.f32 v10, v6;
	v5 =	vld [tilespmem:s12+$0x8220];
	v14 =	vunpack.i.u.bf16.f32 v16  }
0x98: {  	v8 =	vadd.f32 v15, v8;
	v9 =	vadd.f32 v12, v9;
	v10 =	vunpack.i.l.bf16.f32 v16;
	v6 =	vld [tilespmem:s12+$0x8200]  }
0x99: {  	s13 =	sadd.s32 $0x200, s13;
	v10 =	vadd.f32 v10, v11;
	v11 =	vadd.f32 v14, v13;
	v4 =	vld [tilespmem:s12+$0x8210];
	v12 =	vunpack.i.u.bf16.f32 v7  }
0x9a: {  	v13 =	vld [tilespmem:s12+$0x8230]  }
0x9b: {  	v1 =	vadd.f32 v1, v8;
	v0 =	vadd.f32 v0, v9;
	v7 =	vunpack.i.l.bf16.f32 v7;
	v8 =	vld [tilespmem:s12+$0x8250]  }
0x9c: {  	s13 =	simm.s32 @!p0 $0x68;
	s14 =	simm.s32 @!p0 $0x8200;
	v7 =	vadd.f32 v7, v10;
	v9 =	vadd.f32 v12, v11;
	v10 =	vld [tilespmem:s12+$0x8270];
	s12 =	sadd.s32 @!p0 $0x410, s11  }
0x9d: {  	v11 =	vunpack.i.u.bf16.f32 v3;
	v12 =	vunpack.i.u.bf16.f32 v2;
	v2 =	vunpack.i.l.bf16.f32 v2;
	[tilespmem:s14], [sflag:$0x3] =	stream.indirect.gather @!p0 [hbm4b:s3+s13], $0x20, s12, s13, $0xb8;
	[tilespmem:$0xF000] =	vst v63  }
0x9e: {  	v3 =	vunpack.i.l.bf16.f32 v3;
	v14 =	vunpack.i.u.bf16.f32 v5;
	v5 =	vunpack.i.l.bf16.f32 v5;
	_ =	swait.ge [sflag:s26], $0xD00  }
0x9f: {  	v15 =	vunpack.i.u.bf16.f32 v6;
	v6 =	vunpack.i.l.bf16.f32 v6;
	v16 =	vunpack.i.u.bf16.f32 v4;
	[sflag:s26] =	ssyncset.done $0x0  }
0xa0: {  	s14 =	simm.s32 $0x0;
	v1 =	vadd.f32 v6, v1;
	v0 =	vadd.f32 v15, v0;
	v4 =	vunpack.i.l.bf16.f32 v4;
	[sflag:s26] =	ssyncadd.s32 $0xFFFFF300  }
0xa1: {  	v4 =	vadd.f32 v4, v7;
	v6 =	vadd.f32 v16, v9;
	v7 =	vunpack.i.u.bf16.f32 v13;
	v9 =	vld [tilespmem:s14+$0x8F60]  }
0xa2: {  	v1 =	vadd.f32 v5, v1;
	v0 =	vadd.f32 v14, v0;
	v5 =	vunpack.i.l.bf16.f32 v13;
	v13 =	vld [tilespmem:s14+$0x8F40]  }
0xa3: {  	v4 =	vadd.f32 v5, v4;
	v5 =	vadd.f32 v7, v6;
	v6 =	vunpack.i.u.bf16.f32 v8;
	v7 =	vld [tilespmem:s14+$0x8F20]  }
0xa4: {  	v1 =	vadd.f32 v3, v1;
	v0 =	vadd.f32 v11, v0;
	v3 =	vunpack.i.l.bf16.f32 v8;
	v8 =	vld [tilespmem:s14+$0x8F00]  }
0xa5: {  	v11 =	vld [tilespmem:s14+$0x8F10];
	v4 =	vadd.f32 v3, v4;
	v5 =	vadd.f32 v6, v5;
	v6 =	vunpack.i.u.bf16.f32 v10  }
0xa6: {  	v3 =	vadd.f32 v2, v1;
	v1 =	vadd.f32 v12, v0;
	v0 =	vunpack.i.l.bf16.f32 v10  }
0xa7: {  	v10 =	vld [tilespmem:s14+$0x8F30];
	v2 =	vadd.f32 v0, v4;
	v0 =	vadd.f32 v6, v5;
	v6 =	vimm.f32 $0.0e+00  }
0xa8: {  	v12 =	vunpack.i.u.bf16.f32 v13;
	v4 =	vunpack.i.u.bf16.f32 v9;
	v5 =	vunpack.i.l.bf16.f32 v9  }
0xa9: {  	v15 =	vld [tilespmem:s14+$0x8F50];
	v13 =	vunpack.i.l.bf16.f32 v13;
	v9 =	vunpack.i.u.bf16.f32 v7;
	v14 =	vunpack.i.l.bf16.f32 v7  }
0xaa: {  	v7 =	vunpack.i.u.bf16.f32 v8;
	v8 =	vunpack.i.l.bf16.f32 v8;
	v16 =	vunpack.i.u.bf16.f32 v11  }
0xab: {  	s12 =	simm.s32 $0x80;
	v11 =	vunpack.i.l.bf16.f32 v11;
	v17 =	vadd.f32 v8, v6;
	v18 =	vadd.f32 v7, v6;
	v8 =	vld [tilespmem:s14+$0x8F70]  }
0xac: {  	v7 =	vld [tilespmem:s12+$0x8F60];
	v11 =	vadd.f32 v11, v6;
	v16 =	vadd.f32 v16, v6;
	v19 =	vunpack.i.u.bf16.f32 v10  }
0xad: {  	v6 =	vld [tilespmem:s12+$0x8F40];
	v10 =	vunpack.i.l.bf16.f32 v10;
	v14 =	vadd.f32 v14, v17;
	v17 =	vadd.f32 v9, v18  }
0xae: {  	v9 =	vld [tilespmem:s12+$0x8F20];
	v18 =	vadd.f32 v10, v11;
	v16 =	vadd.f32 v19, v16;
	v19 =	vunpack.i.u.bf16.f32 v15  }
0xaf: {  	v11 =	vld [tilespmem:s12+$0x8F00];
	v13 =	vadd.f32 v13, v14;
	v12 =	vadd.f32 v12, v17;
	v14 =	vunpack.i.l.bf16.f32 v15  }
0xb0: {  	s13 =	simm.s32 $0x400;
	v10 =	vld [tilespmem:s12+$0x8F10];
	v15 =	vadd.f32 v14, v18;
	v14 =	vadd.f32 v19, v16;
	v16 =	vunpack.i.u.bf16.f32 v8  }
.LBB2_9:
0xb1: {  	p1 =	sne.s32 s13, $0x3200;
	v13 =	vadd.f32 v5, v13;
	v12 =	vadd.f32 v4, v12;
	v4 =	vunpack.i.l.bf16.f32 v8  }
0xb2: {  	v17 =	vld [tilespmem:s12+$0x8F30];
	v15 =	vadd.f32 v4, v15;
	v14 =	vadd.f32 v16, v14  }
0xb3: {  	v5 =	vunpack.i.l.bf16.f32 v7;
	v16 =	vunpack.i.u.bf16.f32 v6;
	v4 =	vunpack.i.u.bf16.f32 v7  }
0xb4: {  	v19 =	vunpack.i.l.bf16.f32 v6;
	v18 =	vunpack.i.u.bf16.f32 v9;
	v9 =	vunpack.i.l.bf16.f32 v9;
	v20 =	vld [tilespmem:s12+$0x8F50]  }
0xb5: {  	v6 =	vunpack.i.u.bf16.f32 v11;
	v7 =	vunpack.i.l.bf16.f32 v11;
	v11 =	vunpack.i.u.bf16.f32 v10  }
0xb6: {  	v13 =	vadd.f32 v7, v13;
	v12 =	vadd.f32 v6, v12;
	v6 =	vunpack.i.l.bf16.f32 v10;
	v8 =	vld [tilespmem:s12+$0x8F70];
	s12 =	sshra.s32 s13, $0x2  }
.Ltmp5:
0xb7: {  	v10 =	vadd.f32 v6, v15;
	v11 =	vadd.f32 v11, v14;
	v7 =	vld [tilespmem:s12+$0x8F60];
	v14 =	vunpack.i.u.bf16.f32 v17;
	(pc) =	sbr.rel @p1 .LBB2_9-.Ltmp5, $4  }
0xb8: {  	v13 =	vadd.f32 v9, v13;
	v12 =	vadd.f32 v18, v12;
	v15 =	vunpack.i.l.bf16.f32 v17;
	v6 =	vld [tilespmem:s12+$0x8F40]  }
0xb9: {  	v15 =	vadd.f32 v15, v10;
	v14 =	vadd.f32 v14, v11;
	v9 =	vld [tilespmem:s12+$0x8F20];
	v17 =	vunpack.i.u.bf16.f32 v20  }
0xba: {  	v13 =	vadd.f32 v19, v13;
	v12 =	vadd.f32 v16, v12;
	v16 =	vunpack.i.l.bf16.f32 v20;
	v11 =	vld [tilespmem:s12+$0x8F00]  }
0xbb: {  	s13 =	sadd.s32 $0x200, s13;
	v15 =	vadd.f32 v16, v15;
	v14 =	vadd.f32 v17, v14;
	v10 =	vld [tilespmem:s12+$0x8F10];
	v16 =	vunpack.i.u.bf16.f32 v8  }
0xbc: {  	v5 =	vadd.f32 v5, v13;
	v8 =	vunpack.i.l.bf16.f32 v8  }
0xbd: {  	v4 =	vadd.f32 v4, v12;
	v8 =	vadd.f32 v8, v15  }
0xbe: {  	v12 =	vld [tilespmem:s12+$0x8F30];
	v13 =	vadd.f32 v16, v14;
	v14 =	vunpack.i.u.bf16.f32 v6;
	v15 =	vunpack.i.u.bf16.f32 v7  }
0xbf: {  	v7 =	vunpack.i.l.bf16.f32 v7;
	v6 =	vunpack.i.l.bf16.f32 v6;
	v17 =	vunpack.i.l.bf16.f32 v11  }
0xc0: {  	v18 =	vld [tilespmem:s12+$0x8F50];
	v60 =	vunpack.i.u.bf16.f32 v9;
	v11 =	vunpack.i.u.bf16.f32 v11;
	v5 =	vadd.f32 v17, v5  }
0xc1: {  	v9 =	vunpack.i.l.bf16.f32 v9;
	v4 =	vadd.f32 v11, v4;
	v11 =	vunpack.i.l.bf16.f32 v10  }
0xc2: {  	v61 =	vld [tilespmem:s12+$0x8F70];
	v10 =	vunpack.i.u.bf16.f32 v10;
	v8 =	vadd.f32 v11, v8;
	v5 =	vadd.f32 v9, v5  }
0xc3: {  	v9 =	vadd.f32 v10, v13;
	v4 =	vadd.f32 v60, v4;
	v10 =	vunpack.i.l.bf16.f32 v12  }
0xc4: {  	v11 =	vunpack.i.u.bf16.f32 v12;
	v8 =	vadd.f32 v10, v8;
	v5 =	vadd.f32 v6, v5  }
0xc5: {  	v6 =	vadd.f32 v11, v9;
	v4 =	vadd.f32 v14, v4;
	v9 =	vunpack.i.l.bf16.f32 v18  }
0xc6: {  	v10 =	vunpack.i.u.bf16.f32 v18;
	v8 =	vadd.f32 v9, v8;
	v5 =	vadd.f32 v7, v5  }
0xc7: {  	v6 =	vadd.f32 v10, v6;
	v4 =	vadd.f32 v15, v4;
	v7 =	vunpack.i.l.bf16.f32 v61  }
0xc8: {  	v9 =	vunpack.i.u.bf16.f32 v61;
	v7 =	vadd.f32 v7, v8;
	v3 =	vadd.f32 v5, v3  }
0xc9: {  	v5 =	vadd.f32 v9, v6;
	v1 =	vadd.f32 v4, v1  }
0xca: {  	v2 =	vadd.f32 v7, v2;
	[tilespmem:s10+$0xD040] =	vst v3  }
0xcb: {  	[tilespmem:s10+$0xD050] =	vst v1;
	v0 =	vadd.f32 v5, v0  }
0xcc: {  	[tilespmem:s10+$0xD060] =	vst v2  }
0xcd: {  	s12 =	sadd.s32 @!p0 $0x478, s11;
	s13 =	simm.s32 @!p0 $0x68;
	s14 =	simm.s32 @!p0 $0x8F00;
	[tilespmem:s10+$0xD070] =	vst v0  }
0xce: {  	[tilespmem:s14], [sflag:$0x4] =	stream.indirect.gather @!p0 [hbm4b:s3+s13], $0x20, s12, s13, $0xb8;
	[tilespmem:$0xF000] =	vst v63  }
0xcf: {  	_ =	swait.ge [sflag:s28], $0xD00  }
0xd0: {  	[sflag:s28] =	ssyncset.done $0x0  }
0xd1: {  	s14 =	simm.s32 $0x0;
	[sflag:s28] =	ssyncadd.s32 $0xFFFFF300  }
0xd2: {  	v1 =	vld [tilespmem:s14+$0x9C60]  }
0xd3: {  	v2 =	vld [tilespmem:s14+$0x9C40]  }
0xd4: {  	v3 =	vld [tilespmem:s14+$0x9C20]  }
0xd5: {  	v4 =	vld [tilespmem:s14+$0x9C00]  }
0xd6: {  	v5 =	vld [tilespmem:s14+$0x9C10];
	_ =	sdelay $0x1  }
0xd7: {  	v6 =	vimm.f32 $0.0e+00;
	v8 =	vld [tilespmem:s14+$0x9C30]  }
0xd8: {  	v9 =	vunpack.i.u.bf16.f32 v2;
	v0 =	vunpack.i.u.bf16.f32 v1;
	v1 =	vunpack.i.l.bf16.f32 v1  }
0xd9: {  	v13 =	vld [tilespmem:s14+$0x9C50];
	v10 =	vunpack.i.u.bf16.f32 v3;
	v11 =	vunpack.i.l.bf16.f32 v3;
	v12 =	vunpack.i.l.bf16.f32 v2  }
0xda: {  	v2 =	vunpack.i.u.bf16.f32 v4;
	v3 =	vunpack.i.l.bf16.f32 v4;
	v4 =	vunpack.i.u.bf16.f32 v5  }
0xdb: {  	s12 =	simm.s32 $0x80;
	v7 =	vld [tilespmem:s14+$0x9C70];
	v14 =	vadd.f32 v3, v6;
	v15 =	vadd.f32 v2, v6;
	v3 =	vunpack.i.l.bf16.f32 v5  }
0xdc: {  	v2 =	vld [tilespmem:s12+$0x9C60];
	v4 =	vadd.f32 v4, v6;
	v62 =	vadd.f32 v3, v6;
	v6 =	vunpack.i.u.bf16.f32 v8  }
0xdd: {  	v5 =	vld [tilespmem:s12+$0x9C20];
	v8 =	vunpack.i.l.bf16.f32 v8;
	v11 =	vadd.f32 v11, v14;
	v10 =	vadd.f32 v10, v15  }
0xde: {  	v63 =	vunpack.i.u.bf16.f32 v13;
	v3 =	vld [tilespmem:s12+$0x9C40];
	v15 =	vadd.f32 v6, v4;
	v14 =	vadd.f32 v8, v62  }
0xdf: {  	v6 =	vld [tilespmem:s12+$0x9C00];
	v8 =	vadd.f32 v12, v11;
	v9 =	vadd.f32 v9, v10;
	v10 =	vunpack.i.l.bf16.f32 v13  }
0xe0: {  	s13 =	simm.s32 $0x400;
	v4 =	vld [tilespmem:s12+$0x9C10];
	v11 =	vadd.f32 v63, v15;
	v12 =	vunpack.i.u.bf16.f32 v7;
	v10 =	vadd.f32 v10, v14  }
.LBB2_11:
0xe1: {  	p1 =	sne.s32 s13, $0x3200;
	v8 =	vadd.f32 v1, v8;
	v9 =	vadd.f32 v0, v9;
	v0 =	vunpack.i.l.bf16.f32 v7  }
0xe2: {  	v13 =	vld [tilespmem:s12+$0x9C30];
	v10 =	vadd.f32 v0, v10;
	v11 =	vadd.f32 v12, v11  }
0xe3: {  	v1 =	vunpack.i.l.bf16.f32 v2;
	v12 =	vunpack.i.u.bf16.f32 v3;
	v0 =	vunpack.i.u.bf16.f32 v2  }
0xe4: {  	v15 =	vunpack.i.l.bf16.f32 v3;
	v14 =	vunpack.i.u.bf16.f32 v5;
	v5 =	vunpack.i.l.bf16.f32 v5;
	v16 =	vld [tilespmem:s12+$0x9C50]  }
0xe5: {  	v2 =	vunpack.i.u.bf16.f32 v6;
	v3 =	vunpack.i.l.bf16.f32 v6;
	v6 =	vunpack.i.u.bf16.f32 v4  }
0xe6: {  	v8 =	vadd.f32 v3, v8;
	v9 =	vadd.f32 v2, v9;
	v3 =	vunpack.i.l.bf16.f32 v4;
	v7 =	vld [tilespmem:s12+$0x9C70];
	s12 =	sshra.s32 s13, $0x2  }
.Ltmp6:
0xe7: {  	v4 =	vadd.f32 v3, v10;
	v6 =	vadd.f32 v6, v11;
	v2 =	vld [tilespmem:s12+$0x9C60];
	v10 =	vunpack.i.u.bf16.f32 v13;
	(pc) =	sbr.rel @p1 .LBB2_11-.Ltmp6, $4  }
0xe8: {  	v8 =	vadd.f32 v5, v8;
	v9 =	vadd.f32 v14, v9;
	v11 =	vunpack.i.l.bf16.f32 v13;
	v3 =	vld [tilespmem:s12+$0x9C40]  }
0xe9: {  	v11 =	vadd.f32 v11, v4;
	v13 =	vadd.f32 v10, v6;
	v5 =	vld [tilespmem:s12+$0x9C20];
	v14 =	vunpack.i.u.bf16.f32 v16  }
0xea: {  	v8 =	vadd.f32 v15, v8;
	v9 =	vadd.f32 v12, v9;
	v10 =	vunpack.i.l.bf16.f32 v16;
	v6 =	vld [tilespmem:s12+$0x9C00]  }
0xeb: {  	s13 =	sadd.s32 $0x200, s13;
	v10 =	vadd.f32 v10, v11;
	v11 =	vadd.f32 v14, v13;
	v4 =	vld [tilespmem:s12+$0x9C10];
	v12 =	vunpack.i.u.bf16.f32 v7  }
0xec: {  	v13 =	vld [tilespmem:s12+$0x9C30]  }
0xed: {  	v1 =	vadd.f32 v1, v8;
	v0 =	vadd.f32 v0, v9;
	v7 =	vunpack.i.l.bf16.f32 v7;
	v8 =	vld [tilespmem:s12+$0x9C50]  }
0xee: {  	s13 =	simm.s32 @!p0 $0x68;
	s14 =	simm.s32 @!p0 $0x9C00;
	v7 =	vadd.f32 v7, v10;
	v9 =	vadd.f32 v12, v11;
	v10 =	vld [tilespmem:s12+$0x9C70];
	s12 =	sadd.s32 @!p0 $0x4E0, s11  }
0xef: {  	v11 =	vunpack.i.u.bf16.f32 v3;
	v12 =	vunpack.i.u.bf16.f32 v2;
	v2 =	vunpack.i.l.bf16.f32 v2;
	[tilespmem:s14], [sflag:$0x5] =	stream.indirect.gather @!p0 [hbm4b:s3+s13], $0x20, s12, s13, $0xb8;
	[tilespmem:$0xF000] =	vst v63  }
0xf0: {  	v3 =	vunpack.i.l.bf16.f32 v3;
	v14 =	vunpack.i.u.bf16.f32 v5;
	v5 =	vunpack.i.l.bf16.f32 v5;
	_ =	swait.ge [sflag:s29], $0xD00  }
0xf1: {  	v15 =	vunpack.i.u.bf16.f32 v6;
	v6 =	vunpack.i.l.bf16.f32 v6;
	v16 =	vunpack.i.u.bf16.f32 v4;
	[sflag:s29] =	ssyncset.done $0x0  }
0xf2: {  	s14 =	simm.s32 $0x0;
	v1 =	vadd.f32 v6, v1;
	v0 =	vadd.f32 v15, v0;
	v4 =	vunpack.i.l.bf16.f32 v4;
	[sflag:s29] =	ssyncadd.s32 $0xFFFFF300  }
0xf3: {  	v4 =	vadd.f32 v4, v7;
	v6 =	vadd.f32 v16, v9;
	v7 =	vunpack.i.u.bf16.f32 v13;
	v9 =	vld [tilespmem:s14+$0xA960]  }
0xf4: {  	v1 =	vadd.f32 v5, v1;
	v0 =	vadd.f32 v14, v0;
	v5 =	vunpack.i.l.bf16.f32 v13;
	v13 =	vld [tilespmem:s14+$0xA940]  }
0xf5: {  	v4 =	vadd.f32 v5, v4;
	v5 =	vadd.f32 v7, v6;
	v6 =	vunpack.i.u.bf16.f32 v8;
	v7 =	vld [tilespmem:s14+$0xA920]  }
0xf6: {  	v1 =	vadd.f32 v3, v1;
	v0 =	vadd.f32 v11, v0;
	v3 =	vunpack.i.l.bf16.f32 v8;
	v8 =	vld [tilespmem:s14+$0xA900]  }
0xf7: {  	v11 =	vld [tilespmem:s14+$0xA910];
	v4 =	vadd.f32 v3, v4;
	v5 =	vadd.f32 v6, v5;
	v6 =	vunpack.i.u.bf16.f32 v10  }
0xf8: {  	v3 =	vadd.f32 v2, v1;
	v1 =	vadd.f32 v12, v0;
	v0 =	vunpack.i.l.bf16.f32 v10  }
0xf9: {  	v10 =	vld [tilespmem:s14+$0xA930];
	v2 =	vadd.f32 v0, v4;
	v0 =	vadd.f32 v6, v5;
	v6 =	vimm.f32 $0.0e+00  }
0xfa: {  	v12 =	vunpack.i.u.bf16.f32 v13;
	v4 =	vunpack.i.u.bf16.f32 v9;
	v5 =	vunpack.i.l.bf16.f32 v9  }
0xfb: {  	v15 =	vld [tilespmem:s14+$0xA950];
	v13 =	vunpack.i.l.bf16.f32 v13;
	v9 =	vunpack.i.u.bf16.f32 v7;
	v14 =	vunpack.i.l.bf16.f32 v7  }
0xfc: {  	v7 =	vunpack.i.u.bf16.f32 v8;
	v8 =	vunpack.i.l.bf16.f32 v8;
	v16 =	vunpack.i.u.bf16.f32 v11  }
0xfd: {  	s12 =	simm.s32 $0x80;
	v11 =	vunpack.i.l.bf16.f32 v11;
	v17 =	vadd.f32 v8, v6;
	v18 =	vadd.f32 v7, v6;
	v8 =	vld [tilespmem:s14+$0xA970]  }
0xfe: {  	v7 =	vld [tilespmem:s12+$0xA960];
	v11 =	vadd.f32 v11, v6;
	v16 =	vadd.f32 v16, v6;
	v19 =	vunpack.i.u.bf16.f32 v10  }
0xff: {  	v6 =	vld [tilespmem:s12+$0xA940];
	v10 =	vunpack.i.l.bf16.f32 v10;
	v14 =	vadd.f32 v14, v17;
	v17 =	vadd.f32 v9, v18  }
0x100: {  	v9 =	vld [tilespmem:s12+$0xA920];
	v18 =	vadd.f32 v10, v11;
	v16 =	vadd.f32 v19, v16;
	v19 =	vunpack.i.u.bf16.f32 v15  }
0x101: {  	v11 =	vld [tilespmem:s12+$0xA900];
	v13 =	vadd.f32 v13, v14;
	v12 =	vadd.f32 v12, v17;
	v14 =	vunpack.i.l.bf16.f32 v15  }
0x102: {  	s13 =	simm.s32 $0x400;
	v10 =	vld [tilespmem:s12+$0xA910];
	v15 =	vadd.f32 v14, v18;
	v14 =	vadd.f32 v19, v16;
	v16 =	vunpack.i.u.bf16.f32 v8  }
.LBB2_13:
0x103: {  	p1 =	sne.s32 s13, $0x3200;
	v13 =	vadd.f32 v5, v13;
	v12 =	vadd.f32 v4, v12;
	v4 =	vunpack.i.l.bf16.f32 v8  }
0x104: {  	v17 =	vld [tilespmem:s12+$0xA930];
	v15 =	vadd.f32 v4, v15;
	v14 =	vadd.f32 v16, v14  }
0x105: {  	v5 =	vunpack.i.l.bf16.f32 v7;
	v16 =	vunpack.i.u.bf16.f32 v6;
	v4 =	vunpack.i.u.bf16.f32 v7  }
0x106: {  	v19 =	vunpack.i.l.bf16.f32 v6;
	v18 =	vunpack.i.u.bf16.f32 v9;
	v9 =	vunpack.i.l.bf16.f32 v9;
	v20 =	vld [tilespmem:s12+$0xA950]  }
0x107: {  	v6 =	vunpack.i.u.bf16.f32 v11;
	v7 =	vunpack.i.l.bf16.f32 v11;
	v11 =	vunpack.i.u.bf16.f32 v10  }
0x108: {  	v13 =	vadd.f32 v7, v13;
	v12 =	vadd.f32 v6, v12;
	v6 =	vunpack.i.l.bf16.f32 v10;
	v8 =	vld [tilespmem:s12+$0xA970];
	s12 =	sshra.s32 s13, $0x2  }
.Ltmp7:
0x109: {  	v10 =	vadd.f32 v6, v15;
	v11 =	vadd.f32 v11, v14;
	v7 =	vld [tilespmem:s12+$0xA960];
	v14 =	vunpack.i.u.bf16.f32 v17;
	(pc) =	sbr.rel @p1 .LBB2_13-.Ltmp7, $4  }
0x10a: {  	v13 =	vadd.f32 v9, v13;
	v12 =	vadd.f32 v18, v12;
	v15 =	vunpack.i.l.bf16.f32 v17;
	v6 =	vld [tilespmem:s12+$0xA940]  }
0x10b: {  	v15 =	vadd.f32 v15, v10;
	v14 =	vadd.f32 v14, v11;
	v9 =	vld [tilespmem:s12+$0xA920];
	v17 =	vunpack.i.u.bf16.f32 v20  }
0x10c: {  	v13 =	vadd.f32 v19, v13;
	v12 =	vadd.f32 v16, v12;
	v16 =	vunpack.i.l.bf16.f32 v20;
	v11 =	vld [tilespmem:s12+$0xA900]  }
0x10d: {  	s13 =	sadd.s32 $0x200, s13;
	v15 =	vadd.f32 v16, v15;
	v14 =	vadd.f32 v17, v14;
	v10 =	vld [tilespmem:s12+$0xA910];
	v16 =	vunpack.i.u.bf16.f32 v8  }
0x10e: {  	v5 =	vadd.f32 v5, v13;
	v8 =	vunpack.i.l.bf16.f32 v8  }
0x10f: {  	v4 =	vadd.f32 v4, v12;
	v8 =	vadd.f32 v8, v15  }
0x110: {  	v12 =	vld [tilespmem:s12+$0xA930];
	v13 =	vadd.f32 v16, v14;
	v14 =	vunpack.i.u.bf16.f32 v6;
	v15 =	vunpack.i.u.bf16.f32 v7  }
0x111: {  	v7 =	vunpack.i.l.bf16.f32 v7;
	v6 =	vunpack.i.l.bf16.f32 v6;
	v17 =	vunpack.i.l.bf16.f32 v11  }
0x112: {  	v18 =	vld [tilespmem:s12+$0xA950];
	v60 =	vunpack.i.u.bf16.f32 v9;
	v11 =	vunpack.i.u.bf16.f32 v11;
	v5 =	vadd.f32 v17, v5  }
0x113: {  	v9 =	vunpack.i.l.bf16.f32 v9;
	v4 =	vadd.f32 v11, v4;
	v11 =	vunpack.i.l.bf16.f32 v10  }
0x114: {  	v61 =	vld [tilespmem:s12+$0xA970];
	v10 =	vunpack.i.u.bf16.f32 v10;
	v8 =	vadd.f32 v11, v8;
	v5 =	vadd.f32 v9, v5  }
0x115: {  	v9 =	vadd.f32 v10, v13;
	v4 =	vadd.f32 v60, v4;
	v10 =	vunpack.i.l.bf16.f32 v12  }
0x116: {  	v11 =	vunpack.i.u.bf16.f32 v12;
	v8 =	vadd.f32 v10, v8;
	v5 =	vadd.f32 v6, v5  }
0x117: {  	v6 =	vadd.f32 v11, v9;
	v4 =	vadd.f32 v14, v4;
	v9 =	vunpack.i.l.bf16.f32 v18  }
0x118: {  	v10 =	vunpack.i.u.bf16.f32 v18;
	v8 =	vadd.f32 v9, v8;
	v5 =	vadd.f32 v7, v5  }
0x119: {  	v6 =	vadd.f32 v10, v6;
	v4 =	vadd.f32 v15, v4;
	v7 =	vunpack.i.l.bf16.f32 v61  }
0x11a: {  	v9 =	vunpack.i.u.bf16.f32 v61;
	v7 =	vadd.f32 v7, v8;
	v3 =	vadd.f32 v5, v3  }
0x11b: {  	v5 =	vadd.f32 v9, v6;
	v1 =	vadd.f32 v4, v1  }
0x11c: {  	v2 =	vadd.f32 v7, v2;
	[tilespmem:s10+$0xD080] =	vst v3  }
0x11d: {  	[tilespmem:s10+$0xD090] =	vst v1;
	v0 =	vadd.f32 v5, v0  }
0x11e: {  	[tilespmem:s10+$0xD0A0] =	vst v2  }
0x11f: {  	s12 =	sadd.s32 @!p0 $0x548, s11;
	s13 =	simm.s32 @!p0 $0x68;
	s14 =	simm.s32 @!p0 $0xA900;
	[tilespmem:s10+$0xD0B0] =	vst v0  }
0x120: {  	[tilespmem:s14], [sflag:$0x6] =	stream.indirect.gather @!p0 [hbm4b:s3+s13], $0x20, s12, s13, $0xb8;
	[tilespmem:$0xF000] =	vst v63  }
0x121: {  	_ =	swait.ge [sflag:s30], $0xD00  }
0x122: {  	[sflag:s30] =	ssyncset.done $0x0  }
0x123: {  	s14 =	simm.s32 $0x0;
	[sflag:s30] =	ssyncadd.s32 $0xFFFFF300  }
0x124: {  	v1 =	vld [tilespmem:s14+$0xB660]  }
0x125: {  	v2 =	vld [tilespmem:s14+$0xB640]  }
0x126: {  	v3 =	vld [tilespmem:s14+$0xB620]  }
0x127: {  	v4 =	vld [tilespmem:s14+$0xB600]  }
0x128: {  	v5 =	vld [tilespmem:s14+$0xB610];
	_ =	sdelay $0x1  }
0x129: {  	v6 =	vimm.f32 $0.0e+00;
	v8 =	vld [tilespmem:s14+$0xB630]  }
0x12a: {  	v9 =	vunpack.i.u.bf16.f32 v2;
	v0 =	vunpack.i.u.bf16.f32 v1;
	v1 =	vunpack.i.l.bf16.f32 v1  }
0x12b: {  	v13 =	vld [tilespmem:s14+$0xB650];
	v10 =	vunpack.i.u.bf16.f32 v3;
	v11 =	vunpack.i.l.bf16.f32 v3;
	v12 =	vunpack.i.l.bf16.f32 v2  }
0x12c: {  	v2 =	vunpack.i.u.bf16.f32 v4;
	v3 =	vunpack.i.l.bf16.f32 v4;
	v4 =	vunpack.i.u.bf16.f32 v5  }
0x12d: {  	s12 =	simm.s32 $0x80;
	v7 =	vld [tilespmem:s14+$0xB670];
	v14 =	vadd.f32 v3, v6;
	v15 =	vadd.f32 v2, v6;
	v3 =	vunpack.i.l.bf16.f32 v5  }
0x12e: {  	v2 =	vld [tilespmem:s12+$0xB660];
	v4 =	vadd.f32 v4, v6;
	v62 =	vadd.f32 v3, v6;
	v6 =	vunpack.i.u.bf16.f32 v8  }
0x12f: {  	v5 =	vld [tilespmem:s12+$0xB620];
	v8 =	vunpack.i.l.bf16.f32 v8;
	v11 =	vadd.f32 v11, v14;
	v10 =	vadd.f32 v10, v15  }
0x130: {  	v63 =	vunpack.i.u.bf16.f32 v13;
	v3 =	vld [tilespmem:s12+$0xB640];
	v15 =	vadd.f32 v6, v4;
	v14 =	vadd.f32 v8, v62  }
0x131: {  	v6 =	vld [tilespmem:s12+$0xB600];
	v8 =	vadd.f32 v12, v11;
	v9 =	vadd.f32 v9, v10;
	v10 =	vunpack.i.l.bf16.f32 v13  }
0x132: {  	s13 =	simm.s32 $0x400;
	v4 =	vld [tilespmem:s12+$0xB610];
	v11 =	vadd.f32 v63, v15;
	v12 =	vunpack.i.u.bf16.f32 v7;
	v10 =	vadd.f32 v10, v14  }
.LBB2_15:
0x133: {  	p1 =	sne.s32 s13, $0x3200;
	v8 =	vadd.f32 v1, v8;
	v9 =	vadd.f32 v0, v9;
	v0 =	vunpack.i.l.bf16.f32 v7  }
0x134: {  	v13 =	vld [tilespmem:s12+$0xB630];
	v10 =	vadd.f32 v0, v10;
	v11 =	vadd.f32 v12, v11  }
0x135: {  	v1 =	vunpack.i.l.bf16.f32 v2;
	v12 =	vunpack.i.u.bf16.f32 v3;
	v0 =	vunpack.i.u.bf16.f32 v2  }
0x136: {  	v15 =	vunpack.i.l.bf16.f32 v3;
	v14 =	vunpack.i.u.bf16.f32 v5;
	v5 =	vunpack.i.l.bf16.f32 v5;
	v16 =	vld [tilespmem:s12+$0xB650]  }
0x137: {  	v2 =	vunpack.i.u.bf16.f32 v6;
	v3 =	vunpack.i.l.bf16.f32 v6;
	v6 =	vunpack.i.u.bf16.f32 v4  }
0x138: {  	v8 =	vadd.f32 v3, v8;
	v9 =	vadd.f32 v2, v9;
	v3 =	vunpack.i.l.bf16.f32 v4;
	v7 =	vld [tilespmem:s12+$0xB670];
	s12 =	sshra.s32 s13, $0x2  }
.Ltmp8:
0x139: {  	v4 =	vadd.f32 v3, v10;
	v6 =	vadd.f32 v6, v11;
	v2 =	vld [tilespmem:s12+$0xB660];
	v10 =	vunpack.i.u.bf16.f32 v13;
	(pc) =	sbr.rel @p1 .LBB2_15-.Ltmp8, $4  }
0x13a: {  	v8 =	vadd.f32 v5, v8;
	v9 =	vadd.f32 v14, v9;
	v11 =	vunpack.i.l.bf16.f32 v13;
	v3 =	vld [tilespmem:s12+$0xB640]  }
0x13b: {  	v11 =	vadd.f32 v11, v4;
	v13 =	vadd.f32 v10, v6;
	v5 =	vld [tilespmem:s12+$0xB620];
	v14 =	vunpack.i.u.bf16.f32 v16  }
0x13c: {  	v8 =	vadd.f32 v15, v8;
	v9 =	vadd.f32 v12, v9;
	v10 =	vunpack.i.l.bf16.f32 v16;
	v6 =	vld [tilespmem:s12+$0xB600]  }
0x13d: {  	s13 =	sadd.s32 $0x200, s13;
	v10 =	vadd.f32 v10, v11;
	v11 =	vadd.f32 v14, v13;
	v4 =	vld [tilespmem:s12+$0xB610];
	v12 =	vunpack.i.u.bf16.f32 v7  }
0x13e: {  	v13 =	vld [tilespmem:s12+$0xB630]  }
0x13f: {  	v1 =	vadd.f32 v1, v8;
	v0 =	vadd.f32 v0, v9;
	v7 =	vunpack.i.l.bf16.f32 v7;
	v8 =	vld [tilespmem:s12+$0xB650]  }
0x140: {  	s11 =	sadd.s32 @!p0 $0x5B0, s11;
	s13 =	simm.s32 @!p0 $0xB600;
	v7 =	vadd.f32 v7, v10;
	v9 =	vadd.f32 v12, v11;
	v10 =	vld [tilespmem:s12+$0xB670];
	s12 =	simm.s32 @!p0 $0x68  }
0x141: {  	v11 =	vunpack.i.u.bf16.f32 v3;
	v12 =	vunpack.i.u.bf16.f32 v2;
	v2 =	vunpack.i.l.bf16.f32 v2;
	[tilespmem:s13], [sflag:$0x7] =	stream.indirect.gather @!p0 [hbm4b:s3+s12], $0x20, s11, s12, $0xb8;
	[tilespmem:$0xF000] =	vst v63  }
0x142: {  	v3 =	vunpack.i.l.bf16.f32 v3;
	v14 =	vunpack.i.u.bf16.f32 v5;
	v5 =	vunpack.i.l.bf16.f32 v5;
	_ =	swait.ge [sflag:s31], $0xD00  }
0x143: {  	v15 =	vunpack.i.u.bf16.f32 v6;
	v6 =	vunpack.i.l.bf16.f32 v6;
	v16 =	vunpack.i.u.bf16.f32 v4;
	[sflag:s31] =	ssyncset.done $0x0  }
0x144: {  	s14 =	simm.s32 $0x0;
	v1 =	vadd.f32 v6, v1;
	v0 =	vadd.f32 v15, v0;
	v4 =	vunpack.i.l.bf16.f32 v4;
	[sflag:s31] =	ssyncadd.s32 $0xFFFFF300  }
0x145: {  	v4 =	vadd.f32 v4, v7;
	v6 =	vadd.f32 v16, v9;
	v7 =	vunpack.i.u.bf16.f32 v13;
	v9 =	vld [tilespmem:s14+$0xC360]  }
0x146: {  	v1 =	vadd.f32 v5, v1;
	v0 =	vadd.f32 v14, v0;
	v5 =	vunpack.i.l.bf16.f32 v13;
	v13 =	vld [tilespmem:s14+$0xC340]  }
0x147: {  	v4 =	vadd.f32 v5, v4;
	v5 =	vadd.f32 v7, v6;
	v6 =	vunpack.i.u.bf16.f32 v8;
	v7 =	vld [tilespmem:s14+$0xC320]  }
0x148: {  	v1 =	vadd.f32 v3, v1;
	v0 =	vadd.f32 v11, v0;
	v3 =	vunpack.i.l.bf16.f32 v8;
	v8 =	vld [tilespmem:s14+$0xC300]  }
0x149: {  	v11 =	vld [tilespmem:s14+$0xC310];
	v4 =	vadd.f32 v3, v4;
	v5 =	vadd.f32 v6, v5;
	v6 =	vunpack.i.u.bf16.f32 v10  }
0x14a: {  	v3 =	vadd.f32 v2, v1;
	v1 =	vadd.f32 v12, v0;
	v0 =	vunpack.i.l.bf16.f32 v10  }
0x14b: {  	v10 =	vld [tilespmem:s14+$0xC330];
	v2 =	vadd.f32 v0, v4;
	v0 =	vadd.f32 v6, v5;
	v6 =	vimm.f32 $0.0e+00  }
0x14c: {  	v12 =	vunpack.i.u.bf16.f32 v13;
	v4 =	vunpack.i.u.bf16.f32 v9;
	v5 =	vunpack.i.l.bf16.f32 v9  }
0x14d: {  	v15 =	vld [tilespmem:s14+$0xC350];
	v13 =	vunpack.i.l.bf16.f32 v13;
	v9 =	vunpack.i.u.bf16.f32 v7;
	v14 =	vunpack.i.l.bf16.f32 v7  }
0x14e: {  	v7 =	vunpack.i.u.bf16.f32 v8;
	v8 =	vunpack.i.l.bf16.f32 v8;
	v16 =	vunpack.i.u.bf16.f32 v11  }
0x14f: {  	s11 =	simm.s32 $0x80;
	v11 =	vunpack.i.l.bf16.f32 v11;
	v17 =	vadd.f32 v8, v6;
	v18 =	vadd.f32 v7, v6;
	v8 =	vld [tilespmem:s14+$0xC370]  }
0x150: {  	v7 =	vld [tilespmem:s11+$0xC360];
	v11 =	vadd.f32 v11, v6;
	v16 =	vadd.f32 v16, v6;
	v19 =	vunpack.i.u.bf16.f32 v10  }
0x151: {  	v6 =	vld [tilespmem:s11+$0xC340];
	v10 =	vunpack.i.l.bf16.f32 v10;
	v14 =	vadd.f32 v14, v17;
	v17 =	vadd.f32 v9, v18  }
0x152: {  	v9 =	vld [tilespmem:s11+$0xC320];
	v18 =	vadd.f32 v10, v11;
	v16 =	vadd.f32 v19, v16;
	v19 =	vunpack.i.u.bf16.f32 v15  }
0x153: {  	v11 =	vld [tilespmem:s11+$0xC300];
	v13 =	vadd.f32 v13, v14;
	v12 =	vadd.f32 v12, v17;
	v14 =	vunpack.i.l.bf16.f32 v15  }
0x154: {  	s12 =	simm.s32 $0x400;
	v10 =	vld [tilespmem:s11+$0xC310];
	v15 =	vadd.f32 v14, v18;
	v14 =	vadd.f32 v19, v16;
	v16 =	vunpack.i.u.bf16.f32 v8  }
.LBB2_17:
0x155: {  	p1 =	sne.s32 s12, $0x3200;
	v13 =	vadd.f32 v5, v13;
	v12 =	vadd.f32 v4, v12;
	v4 =	vunpack.i.l.bf16.f32 v8  }
0x156: {  	v17 =	vld [tilespmem:s11+$0xC330];
	v15 =	vadd.f32 v4, v15;
	v14 =	vadd.f32 v16, v14  }
0x157: {  	v5 =	vunpack.i.l.bf16.f32 v7;
	v16 =	vunpack.i.u.bf16.f32 v6;
	v4 =	vunpack.i.u.bf16.f32 v7  }
0x158: {  	v19 =	vunpack.i.l.bf16.f32 v6;
	v18 =	vunpack.i.u.bf16.f32 v9;
	v9 =	vunpack.i.l.bf16.f32 v9;
	v20 =	vld [tilespmem:s11+$0xC350]  }
0x159: {  	v6 =	vunpack.i.u.bf16.f32 v11;
	v7 =	vunpack.i.l.bf16.f32 v11;
	v11 =	vunpack.i.u.bf16.f32 v10  }
0x15a: {  	v13 =	vadd.f32 v7, v13;
	v12 =	vadd.f32 v6, v12;
	v6 =	vunpack.i.l.bf16.f32 v10;
	v8 =	vld [tilespmem:s11+$0xC370];
	s11 =	sshra.s32 s12, $0x2  }
.Ltmp9:
0x15b: {  	v10 =	vadd.f32 v6, v15;
	v11 =	vadd.f32 v11, v14;
	v7 =	vld [tilespmem:s11+$0xC360];
	v14 =	vunpack.i.u.bf16.f32 v17;
	(pc) =	sbr.rel @p1 .LBB2_17-.Ltmp9, $4  }
0x15c: {  	v13 =	vadd.f32 v9, v13;
	v12 =	vadd.f32 v18, v12;
	v15 =	vunpack.i.l.bf16.f32 v17;
	v6 =	vld [tilespmem:s11+$0xC340]  }
0x15d: {  	v15 =	vadd.f32 v15, v10;
	v14 =	vadd.f32 v14, v11;
	v9 =	vld [tilespmem:s11+$0xC320];
	v17 =	vunpack.i.u.bf16.f32 v20  }
0x15e: {  	v13 =	vadd.f32 v19, v13;
	v12 =	vadd.f32 v16, v12;
	v16 =	vunpack.i.l.bf16.f32 v20;
	v11 =	vld [tilespmem:s11+$0xC300]  }
0x15f: {  	s12 =	sadd.s32 $0x200, s12;
	v15 =	vadd.f32 v16, v15;
	v14 =	vadd.f32 v17, v14;
	v10 =	vld [tilespmem:s11+$0xC310];
	v16 =	vunpack.i.u.bf16.f32 v8  }
0x160: {  	v5 =	vadd.f32 v5, v13  }
0x161: {  	v8 =	vunpack.i.l.bf16.f32 v8;
	v4 =	vadd.f32 v4, v12;
	v46 =	vunpack.i.u.bf16.f32 v7  }
0x162: {  	v43 =	vld [tilespmem:s11+$0xC330];
	v47 =	vunpack.i.l.bf16.f32 v7;
	v8 =	vadd.f32 v8, v15;
	v44 =	vadd.f32 v16, v14  }
0x163: {  	v45 =	vunpack.i.u.bf16.f32 v6;
	v51 =	vunpack.i.l.bf16.f32 v6;
	v17 =	vunpack.i.l.bf16.f32 v11  }
0x164: {  	v18 =	vld [tilespmem:s11+$0xC350];
	v48 =	vunpack.i.u.bf16.f32 v9;
	v50 =	vunpack.i.u.bf16.f32 v11;
	v5 =	vadd.f32 v17, v5  }
0x165: {  	v49 =	vunpack.i.l.bf16.f32 v9;
	v4 =	vadd.f32 v50, v4;
	v52 =	vunpack.i.l.bf16.f32 v10  }
0x166: {  	v54 =	vld [tilespmem:s11+$0xC370];
	v53 =	vunpack.i.u.bf16.f32 v10;
	v8 =	vadd.f32 v52, v8;
	v5 =	vadd.f32 v49, v5  }
0x167: {  	v55 =	vadd.f32 v53, v44;
	v56 =	vunpack.i.l.bf16.f32 v43;
	v4 =	vadd.f32 v48, v4  }
0x168: {  	v57 =	vunpack.i.u.bf16.f32 v43;
	v8 =	vadd.f32 v56, v8;
	v5 =	vadd.f32 v51, v5  }
0x169: {  	v59 =	vunpack.i.l.bf16.f32 v18;
	v58 =	vadd.f32 v57, v55;
	v4 =	vadd.f32 v45, v4  }
0x16a: {  	v60 =	vunpack.i.u.bf16.f32 v18;
	v8 =	vadd.f32 v59, v8;
	v5 =	vadd.f32 v47, v5  }
0x16b: {  	v61 =	vunpack.i.l.bf16.f32 v54;
	v6 =	vadd.f32 v60, v58;
	v4 =	vadd.f32 v46, v4  }
0x16c: {  	v62 =	vunpack.i.u.bf16.f32 v54;
	v7 =	vadd.f32 v61, v8;
	v3 =	vadd.f32 v5, v3  }
.Ltmp10:
0x16d: {  	v63 =	vadd.f32 v62, v6;
	v1 =	vadd.f32 v4, v1;
	(pc) =	sbr.rel @p0 .LBB2_20-.Ltmp10, $4  }
0x16e: {  	v2 =	vadd.f32 v7, v2;
	[tilespmem:s10+$0xD0C0] =	vst v3  }
0x16f: {  	v0 =	vadd.f32 v63, v0;
	[tilespmem:s10+$0xD0D0] =	vst v1  }
0x170: {  	[tilespmem:s10+$0xD0E0] =	vst v2  }
0x171: {  	[tilespmem:s10+$0xD0F0] =	vst v0  }
0x172: {  	s10 =	smul.u32 $0xD00, s9  }
.Ltmp11:
0x173: {  	_ = 	snop;
	(pc) =	sbr.rel .LBB2_2-.Ltmp11, $4  }
0x174: {  	_ = 	snop  }
0x175: {  	s10 =	sshra.s32 s10, $0x2  }
0x176: {  	s9 =	sadd.s32 $0x1, s9;
	s10 =	sadd.s32 $0x618, s10  }
0x177: {  	[tilespmem:s22], [sflag:$0x8] =	stream.indirect.gather [hbm4b:s3+s8], $0x20, s10, s8, $0xb8;
	[tilespmem:$0xF000] =	vst v63  }
.LBB2_21:
0x178: {  	_ =	sfence.sel $0x180000  }
0x179: {  	[bflag:$0x0] =	sbarrier.arrive $0xFFFF  }
0x17a: {  	_ =	strace $0x9000004D  }
0x17b: {  	s0 =	stileid.u32;
	[bflag:$0x2] =	sbarrier.arrive $0xFFFF  }
0x17c: {  	p0 =	sne.s32 s0, $0x0;
	s0 =	rddreg [dreg:$0x1]  }
0x17d: {  	s0 =	sadd.s32 @!p0 $0x100000, s0  }
0x17e: {  	[sflag:s0] =	ssyncadd.tile.s32 @!p0 $0x1;
	_ =	shalt  }
.Lfunc_end2:
_tile_overlayer_lowered:
.L_overlay_start_2:
0x17f: {  	(tag) =	ssettag $0x2  }
0x180: {  	s0 =	rddreg [dreg:$0x0];
	s2 =	stileid.u32  }
0x181: {  	s1 =	rddreg [dreg:$0x1];
	p0 =	sne.s32 s2, $0x0  }
0x182: {  	s3 =	rddreg [dreg:$0x2];
	[bflag:$0x3] =	sbarrier.arrive $0xFFFF;
	s2 =	simm.s32 @!p0 $0x1C09  }
0x183: {  	[timem:s3], [sflag:s2] =	dma.local @!p0 [hbm:s0], s1  }
0x184: {  	s0 =	simm.s32 @!p0 $0x9  }
0x185: {  	_ =	swait.ge @!p0 [sflag:s0], s1  }
0x186: {  	s1 =	ssub.s32 @!p0 $0x0, s1;
	[sflag:s0] =	ssyncset.done @!p0 $0x0  }
0x187: {  	[sflag:s0] =	ssyncadd.s32 @!p0 s1  }
0x188: {  	[bflag:$0x3] =	sbarrier.arrive $0xFFFF  }
0x189: {  	_ =	shalt  }

// kernel: sparse-core-data-format-call.1.cloned.1.call-start
scs
called_computation.1_lowered:
.L_overlay_start_0:
0x0: {  	s1 =	sld [smem:$0x3FD9]  }
0x1: {  	s2 =	sld [smem:$0x3FFE];
	_ =	sdelay $0x1  }
0x2: {  	s3 =	srdreg.scid  }
0x3: {  	s0 =	sand.u32 $0x1, s3  }
0x4: {  	s17 =	sshll.u32 s0, $0xA;
	s1 =	sadd.s32 s2, s1  }
0x5: {  	s1 =	sadd.s32 s1, s17  }
0x6: {  	[smem:$0x3FC4] =	sst s1  }
0x7: {  	_ = 	snop  }
0x8: {  	(tm) =	ssettm $0x1  }
0x9: {  	s18 =	sld [smem:$0x3FFB];
	_ =	sdelay $0x3  }
0xa: {  	_ =	strace s18  }
0xb: {  	s1 =	sld [smem:$0x3FFC];
	_ =	sdelay $0x3  }
0xc: {  	_ =	strace s1  }
0xd: {  	s1 =	sld [smem:$0x3FFD];
	_ =	sdelay $0x3  }
0xe: {  	_ =	strace s1  }
0xf: {  	_ =	strace $0x8FFFFFFF  }
0x10: {  	s19 =	sld [smem:$0x3FDB];
	_ =	sdelay $0x1  }
0x11: {  	s20 =	simm.s32 $_scs_section_size  }
0x12: {  	s4 =	simm.s32 $_size__tile_overlayer_lowered;
	s5 =	simm.s32 $_tile_overlayer_lowered  }
0x13: {  	s23 =	simm.s32 $0x1BFF;
	s22 =	sshll.u32 s5, $0x1;
	s1 =	sadd.s32 s20, s19  }
0x14: {  	s6 =	simm.s32 $0x0;
	s21 =	sshll.u32 s4, $0x1;
	s4 =	sadd.s32 s22, s1  }
0x15: {  	[timem:s6], [sflag:s23] =	dma.local [hbm:s4], s21  }
0x16: {  	_ =	swait.ge [sflag:s23], s21  }
0x17: {  	s2 =	ssub.s32 $0x0, s21;
	[sflag:s23] =	ssyncset.done $0x0  }
0x18: {  	[sflag:s23] =	ssyncadd.s32 s2;
	_ =	sdelay $0x1  }
0x19: {  	s24 =	simm.s32 $0x1B8B  }
0x1a: {  	_ =	swait.ge [sflag:s24], $0x1  }
0x1b: {  	[sflag:s24] =	ssyncset.done $0x0  }
0x1c: {  	s26 =	simm.s32 $0x1B8E;
	s25 =	sld [smem:$0x3FFE];
	[sflag:s24] =	ssyncadd.s32 $0xFFFFFFFF  }
0x1d: {  	s27 =	simm.s32 $execute0_lowered;
	[smem:$0x3FD2] =	sst s26  }
0x1e: {  	s4 =	sshll.u32 s27, $0x1;
	_ =	strace $0x80000046;
	[dreg:$0x1] =	wrdreg $0xFFFFFFFF  }
0x1f: {  	s28 =	simm.s32 $_size_execute0_lowered;
	s1 =	sadd.s32 s1, s4;
	[dreg:$0x0] =	wrdreg $0x0  }
0x20: {  	s4 =	sshll.u32 s28, $0x1;
	[dreg:$0x2] =	wrdreg s1  }
0x21: {  	[dreg:$0x3] =	wrdreg s4  }
0x22: {  	[dreg:$0x4] =	wrdreg $0xC0  }
0x23: {  	_ =	task [dreg:s6], $0x5FFFF  }
0x24: {  	[dreg:$0x1] =	wrdreg $0xFFFFFFFF  }
0x25: {  	[dreg:$0x0] =	wrdreg $0x60  }
0x26: {  	[dreg:$0x2] =	wrdreg s25  }
0x27: {  	[dreg:$0x3] =	wrdreg $0x9  }
0x28: {  	_ =	task.clear_ibuf [dreg:s6], $0x4FFFF;
	_ =	strace $0x90000046  }
0x29: {  	s29 =	simm.s32 $0x9;
	_ =	strace $0x80000048  }
0x2a: {  	_ =	swait.ge [sflag:s29], $0x1  }
0x2b: {  	[sflag:s29] =	ssyncadd.s32 $0xFFFFFFFF  }
0x2c: {  	_ =	strace $0x90000048  }
0x2d: {  	_ =	sfence  }
0x2e: {  	s30 =	sld [smem:$0x0];
	_ =	sdelay $0x2  }
0x2f: {  	s31 =	sshll.u32 s3, $0xD;
	s3 =	sshrl.u32 s3, $0x2  }
0x30: {  	s2 =	sand.u32 $0x4000, s31;
	s1 =	sadd.s32 s3, s30  }
0x31: {  	s0 =	sor.u32 s2, s0;
	s1 =	sshll.u32 s1, $0x11  }
0x32: {  	s0 =	sor.u32 s1, s0  }
0x33: {  	s0 =	sadd.s32 $0x8F2B, s0  }
0x34: {  	[sflag:s0] =	ssyncadd.remote.s32 $0x1  }
0x35: {  	_ =	sfence.sel $0xFFFF  }
0x36: {  	[dreg:$0x0] =	wrdreg $0xFFFFFFFF;
	(pc) =	sbr.abs _section_cstart, $3  }
0x37: {  	[dreg:$0x1] =	wrdreg $0xFFFFFFFF  }
0x38: {  	_ =	task.clear_ibuf [dreg:s6], $0x2FFFF;
	_ =	strace $0x9FFFFFFF  }
0x39: {  	(tm) =	ssettm $0x7FFFFFFF  }
tec
execute0_lowered:
.L_overlay_start_1:
0x0: {  	(tag) =	ssettag $0x1  }
0x1: {  	s0 =	srdreg.scid  }
0x2: {  	s5 =	rddreg [dreg:$0x0];
	s1 =	stileid.u32;
	s4 =	simm.s32 $0x1  }
0x3: {  	s6 =	simm.s32 $0x2;
	s15 =	simm.s32 $0x0;
	p0 =	por $0x0, $0x0  }
0x4: {  	s8 =	simm.s32 $0x80;
	s14 =	simm.s32 $0x0;
	s2 =	sshll.u32 s0, $0x4  }
0x5: {  	s9 =	simm.s32 $0x0;
	s10 =	simm.s32 $0x0;
	s2 =	sand.u32 $0x10, s2  }
.Ltmp0:
0x6: {  	s12 =	simm.s32 $0x0;
	s3 =	sor.u32 s1, s2;
	(pc) =	sbr.rel .LBB1_1-.Ltmp0, $4  }
0x7: {  	s0 =	rddreg [dreg:$0x1];
	_ =	strace $0x80000047;
	s3 =	sshll.u32 s3, $0x7  }
0x8: {  	s13 =	simm.s32 $0x0;
	[sflag:s4] =	ssyncpa.u1 $0x0;
	s7 =	ssub.s32 $0xF4200, s3  }
0x9: {  	s2 =	sadd.s32 $0x1400, s5;
	[sflag:s6] =	ssyncpa.u1 $0x0;
	s6 =	sshrl.u32 s7, $0xC  }
0xa: {  	s5 =	sadd.s32 $0x3D1E00, s5;
	s11 =	smov.u32 s3;
	s7 =	sadd.s32 $0x2, s6  }
.LBB1_5:
0xb: {  	p1 =	slt.u32 s13, $0x2  }
0xc: {  	s17 =	smov.u32 s15;
	p2 =	sgt.s32 @!p1 s15, $0xF41C0;
	s16 =	sshra.s32 @!p1 s15, $0x1F  }
0xd: {  	p3 =	sgt.s32 @!p1 s14, $0x40;
	s18 =	sshra.s32 @!p1 s14, $0x1F;
	p2 =	por !p2, p1  }
0xe: {  	s15 =	sand.u32 @!p1 s16, s15;
	p3 =	por !p3, p1;
	s16 =	smov.u32 s14  }
0xf: {  	s14 =	sand.u32 @!p1 s18, s14;
	s17 =	simm.s32 @p2 $0xF41C0;
	s16 =	simm.s32 @p3 $0x40  }
0x10: {  	s15 =	ssub.s32 @!p1 s17, s15;
	s14 =	ssub.s32 @!p1 s16, s14  }
0x11: {  	s18 =	smov.u32 s12;
	s16 =	sadd.s32 @!p1 $0xFFF0BE40, s15;
	s17 =	sadd.s32 @!p1 $0xFFFFFFC0, s14  }
0x12: {  	s15 =	ssub.s32 @!p1 $0xF4240, s15;
	p2 =	sgt.s32 @!p1 s16, $0x7F;
	p3 =	sgt.s32 @!p1 s17, $0x3F  }
0x13: {  	s14 =	ssub.s32 @!p1 $0x80, s14;
	p2 =	por !p2, p1;
	p3 =	por !p3, p1  }
0x14: {  	s16 =	sadd.s32 $0x1000, s11;
	s15 =	simm.s32 @!p2 $0x0;
	s14 =	simm.s32 @!p3 $0x0  }
0x15: {  	p2 =	sgt.s32 s16, $0xF423F;
	s14 =	smul.u32 @!p1 s14, s15;
	s15 =	sadd.s32 $0x40, s12  }
0x16: {  	s18 =	smov.u32 @p2 s15  }
0x17: {  	s16 =	smov.u32 @p2 s3;
	p2 =	sgt.s32 s18, $0x3F  }
0x18: {  	p0 =	por !p0, !p0;
	s18 =	simm.s32 @p2 $0x0;
	p2 =	sne.s32 s13, s7  }
.Ltmp1:
0x19: {  	s17 =	simm.s32 @!p1 $0x2;
	s14 =	sshrl.u32 @!p1 s14, $0x1;
	(pc) =	sbr.rel @!p2 .LBB1_6-.Ltmp1, $4  }
0x1a: {  	s15 =	smov.u32 s9;
	s9 =	smov.u32 s11;
	s14 =	sand.u32 @!p1 $0x3FFFFFFF, s14  }
0x1b: {  	s11 =	smov.u32 s16;
	s13 =	sadd.s32 $0x1, s13;
	_ =	swait.ge @!p1 [sflag:s17], s14  }
0x1c: {  	s19 =	ssub.s32 @!p1 $0x0, s14;
	s14 =	smov.u32 s10;
	[sflag:s17] =	ssyncset.done @!p1 $0x0  }
0x1d: {  	s10 =	smov.u32 s12;
	s12 =	smov.u32 s18;
	[sflag:s17] =	ssyncadd.s32 @!p1 s19  }
.LBB1_1:
0x1e: {  	p1 =	sgt.u32 s13, s6  }
0x1f: {  	s16 =	sshrl.u32 @!p1 s12, $0x4  }
0x20: {  	s17 =	sshll.u32 @!p1 s11, $0x4;
	s16 =	smul.u32 @!p1 $0xF42800, s16  }
0x21: {  	s18 =	sshll.u32 @!p1 s12, $0x7;
	s17 =	sand.u32 @!p1 $0xFFFFF800, s17  }
0x22: {  	s16 =	sadd.s32 @!p1 s16, s17;
	s17 =	sand.u32 @!p1 $0x700, s18;
	s18 =	sshll.u32 @!p1 s11, $0x1  }
0x23: {  	s16 =	sor.u32 @!p1 s17, s16;
	s17 =	sand.u32 @!p1 $0xFE, s18  }
0x24: {  	s18 =	sand.u32 @!p1 $0x1, s12;
	s16 =	sor.u32 @!p1 s17, s16  }
0x25: {  	s17 =	sor.u32 @!p1 s18, s16  }
0x26: {  	s18 =	smulhi.u32 @!p1 $0x218D6287, s17;
	_ =	sdelay $0x1  }
0x27: {  	s16 =	smulhi.u32 @!p1 $0x218D6287, s16;
	s18 =	sshrl.u32 @!p1 s18, $0x11  }
0x28: {  	s18 =	smul.u32 @!p1 $0xF4280, s18  }
0x29: {  	s16 =	sshrl.u32 @!p1 s16, $0x11  }
0x2a: {  	s16 =	sand.u32 @!p1 $0x3F, s16;
	s17 =	ssub.s32 @!p1 s17, s18  }
0x2b: {  	s16 =	smul.u32 @!p1 $0xF428, s16;
	s18 =	sshrl.u32 @!p1 s17, $0x4  }
0x2c: {  	s19 =	sxor.u32 @!p1 $0xFFFFFFFF, s13;
	s17 =	sshll.u32 @!p1 s17, $0x11;
	s18 =	sadd.s32 @!p1 s2, s18  }
0x2d: {  	s17 =	sand.u32 @!p1 $0x1C0000, s17;
	s16 =	sadd.s32 @!p1 s16, s18;
	s18 =	sshll.u32 @!p1 s19, $0xC  }
0x2e: {  	s17 =	sor.u32 @!p1 $0x400, s17;
	s19 =	simm.s32 @!p1 $0x7A1400;
	s18 =	sand.u32 @!p1 $0x1000, s18  }
0x2f: {  	[tilespmem:s18], [sflag:$0x1] =	stream.strided.gather @!p1 [hbm4b:s16+s17], $0x1000, s19, s17, $0x38;
	[tilespmem:$0x4080] =	vst v63  }
0x30: {  	p1 =	seq.s32 s13, $0x0  }
0x31: {  	p2 =	sge.u32 @!p1 s13, s7  }
0x32: {  	p1 =	por p1, p2  }
.Ltmp2:
0x33: {  	_ = 	snop;
	(pc) =	sbr.rel @p1 .LBB1_5-.Ltmp2, $1  }
0x34: {  	_ =	sdelay $0x3  }
0x35: {  	s16 =	simm.s32 $0x1  }
0x36: {  	_ =	swait.ge [sflag:s4], $0x1000;
	s16 =	simm.s32 @!p0 $0x0  }
0x37: {  	[sflag:s4] =	ssyncset.done $0x0;
	s16 =	sshll.u32 s16, $0xC  }
0x38: {  	[sflag:s4] =	ssyncadd.s32 $0xFFFFF000;
	s16 =	sor.u32 $0x40, s16  }
0x39: {  	v0 =	vld [tilespmem:s16+$0x20]  }
0x3a: {  	v1 =	vld [tilespmem:s16+$0x30]  }
0x3b: {  	v2 =	vld [tilespmem:s16+$0xFFFFFFD0]  }
0x3c: {  	v5 =	vld [tilespmem:s16+$0x0]  }
0x3d: {  	v6 =	vld [tilespmem:s16+$0x10]  }
0x3e: {  	s17 =	sand.u32 $0x1, s13;
	v3 =	vld [tilespmem:s16+$0xFFFFFFE0]  }
0x3f: {  	s17 =	smul.u32 $0x4100, s17;
	v4 =	vld [tilespmem:s16+$0xFFFFFFF0]  }
0x40: {  	s18 =	simm.s32 $0x0;
	v1 =	vperm.xlane.i2c.b16 v1  }
0x41: {  	s19 =	sand.u32 $0x3C, s18;
	s17 =	sshrl.u32 s17, $0x2;
	v8 =	vld [tilespmem:s16+$0xFFFFFFC0];
	s20 =	sadd.s32 $0x80, s16;
	v7 =	vperm.xlane.i2c.b16 v0;
	v0 =	vperm.xlane.i2c.b16 v2  }
0x42: {  	s30 =	sand.u32 $0x40, s18;
	s31 =	sshrl.u32 s19, $0x1;
	s16 =	sor.u32 $0x2000, s17;
	v11 =	vld [tilespmem:s20+$0x30];
	v10 =	vperm.xlane.i2c.b16 v5;
	v13 =	vperm.xlane.i2c.b16 v6  }
0x43: {  	s17 =	sshrl.u32 s30, $0x1;
	s18 =	sadd.s32 s31, s16;
	v2 =	vld [tilespmem:s20+$0x20];
	v3 =	vperm.xlane.i2c.b16 v3;
	v9 =	vcombine.low v7, v1  }
0x44: {  	v12 =	vld [tilespmem:s20+$0xFFFFFFD0];
	s17 =	sadd.s32 s17, s18;
	v4 =	vperm.xlane.i2c.b16 v4;
	v14 =	vcombine.low v10, v13  }
0x45: {  	v1 =	vcombine.high v7, v1;
	v7 =	vld [tilespmem:s20+$0xFFFFFFE0];
	[tilespmem:s17+$0xC30 ss:$0x41] =	vst.msk $0xffff, v9  }
0x46: {  	v6 =	vld [tilespmem:s20+$0xFFFFFFF0];
	v5 =	vperm.xlane.i2c.b16 v8;
	v9 =	vcombine.low v3, v4;
	[tilespmem:s17+$0x820 ss:$0x41] =	vst.msk $0xffff, v14  }
0x47: {  	s18 =	simm.s32 $0x4;
	v8 =	vperm.xlane.i2c.b16 v11;
	[tilespmem:s17+$0xC31 ss:$0x41] =	vst.msk $0xffff, v1;
	v1 =	vcombine.high v3, v4;
	v4 =	vld [tilespmem:s20+$0x0]  }
0x48: {  	s19 =	simm.s32 $0x2;
	s22 =	sand.u32 $0x3C, s18;
	v10 =	vcombine.high v10, v13;
	v3 =	vld [tilespmem:s20+$0x10];
	[tilespmem:s17+$0x410 ss:$0x41] =	vst.msk $0xffff, v9;
	v9 =	vperm.xlane.i2c.b16 v2  }
0x49: {  	s21 =	sand.u32 $0x40, s18;
	s22 =	sshrl.u32 s22, $0x1;
	v11 =	vcombine.low v5, v0;
	v2 =	vld [tilespmem:s20+$0xFFFFFFC0];
	s20 =	sadd.s32 $0x80, s20;
	[tilespmem:s17+$0x411 ss:$0x41] =	vst.msk $0xffff, v1;
	v1 =	vperm.xlane.i2c.b16 v12  }
.LBB1_3:
0x4a: {  	v12 =	vld [tilespmem:s20+$0x20];
	s22 =	sadd.s32 s22, s16;
	s21 =	sshrl.u32 s21, $0x1;
	v13 =	vperm.xlane.i2c.b16 v7;
	v7 =	vcombine.low v9, v8;
	[tilespmem:s17+$0x821 ss:$0x41] =	vst.msk $0xffff, v10  }
0x4b: {  	s19 =	sadd.s32 $0x2, s19;
	v14 =	vld [tilespmem:s20+$0x30];
	s21 =	sadd.s32 s21, s22;
	v10 =	vperm.xlane.i2c.b16 v6;
	v6 =	vcombine.high v9, v8;
	[tilespmem:s17+$0x0 ss:$0x41] =	vst.msk $0xffff, v11  }
0x4c: {  	p1 =	slt.u32 s19, $0x3E;
	v11 =	vld [tilespmem:s20+$0xFFFFFFD0];
	v8 =	vperm.xlane.i2c.b16 v4;
	[tilespmem:s21+$0xC30 ss:$0x41] =	vst.msk $0xffff, v7;
	v4 =	vcombine.high v5, v0;
	v0 =	vmov v1  }
.Ltmp3:
0x4d: {  	v7 =	vld [tilespmem:s20+$0xFFFFFFE0];
	v1 =	vcombine.low v13, v10;
	v3 =	vperm.xlane.i2c.b16 v3;
	[tilespmem:s21+$0xC31 ss:$0x41] =	vst.msk $0xffff, v6;
	(pc) =	sbr.rel @p1 .LBB1_3-.Ltmp3, $4  }
0x4e: {  	v6 =	vld [tilespmem:s20+$0xFFFFFFF0];
	v5 =	vperm.xlane.i2c.b16 v2;
	v2 =	vcombine.high v13, v10;
	[tilespmem:s17+$0x1 ss:$0x41] =	vst.msk $0xffff, v4;
	s17 =	smov.u32 s21  }
0x4f: {  	s18 =	sadd.s32 $0x4, s18;
	v4 =	vld [tilespmem:s20+$0x0];
	[tilespmem:s17+$0x410 ss:$0x41] =	vst.msk $0xffff, v1;
	v13 =	vcombine.low v8, v3;
	v10 =	vcombine.high v8, v3  }
0x50: {  	s22 =	sand.u32 $0x3C, s18;
	v9 =	vperm.xlane.i2c.b16 v12;
	v3 =	vld [tilespmem:s20+$0x10];
	v8 =	vperm.xlane.i2c.b16 v14;
	[tilespmem:s17+$0x411 ss:$0x41] =	vst.msk $0xffff, v2  }
0x51: {  	s22 =	sshrl.u32 s22, $0x1;
	s21 =	sand.u32 $0x40, s18;
	v2 =	vld [tilespmem:s20+$0xFFFFFFC0];
	v1 =	vperm.xlane.i2c.b16 v11;
	s20 =	sadd.s32 $0x80, s20;
	v11 =	vcombine.low v5, v0;
	[tilespmem:s17+$0x820 ss:$0x41] =	vst.msk $0xffff, v13  }
0x52: {  	s18 =	sadd.s32 s22, s16;
	s19 =	sshll.u32 s9, $0x7;
	s20 =	sshll.u32 s10, $0x4  }
0x53: {  	s21 =	sshrl.u32 s21, $0x1;
	s24 =	sshll.u32 s10, $0x1;
	p1 =	sgt.s32 s9, $0xF41C0  }
0x54: {  	s22 =	smov.u32 s9;
	s26 =	sshra.s32 s9, $0x1F;
	s23 =	sand.u32 $0xFFFFF800, s19  }
0x55: {  	s20 =	sand.u32 $0xFFFFF800, s20;
	s19 =	sand.u32 $0x700, s19;
	s25 =	sand.u32 $0x80, s24  }
0x56: {  	s18 =	sadd.s32 s21, s18;
	s22 =	simm.s32 @!p1 $0xF41C0;
	p1 =	sgt.s32 s10, $0x40  }
0x57: {  	s21 =	smov.u32 s10;
	s20 =	sadd.s32 s20, s23;
	s23 =	sshra.s32 s10, $0x1F  }
0x58: {  	s21 =	simm.s32 @!p1 $0x40;
	s19 =	sor.u32 s19, s20;
	s20 =	sand.u32 s26, s9  }
0x59: {  	v7 =	vperm.xlane.i2c.b16 v7;
	[tilespmem:s17+$0x821 ss:$0x41] =	vst.msk $0xffff, v10;
	v0 =	vcombine.high v5, v0;
	s23 =	sand.u32 s23, s10;
	s19 =	sor.u32 s25, s19;
	s20 =	ssub.s32 s22, s20  }
0x5a: {  	v57 =	vcombine.low v9, v8;
	v6 =	vperm.xlane.i2c.b16 v6;
	[tilespmem:s17+$0x0 ss:$0x41] =	vst.msk $0xffff, v11;
	s21 =	ssub.s32 s21, s23;
	s19 =	sshrl.u32 s19, $0x7;
	s22 =	sadd.s32 $0xFFF0BE40, s20  }
0x5b: {  	v58 =	vcombine.high v9, v8;
	v4 =	vperm.xlane.i2c.b16 v4;
	[tilespmem:s17+$0x1 ss:$0x41] =	vst.msk $0xffff, v0;
	s23 =	sadd.s32 $0xFFFFFFC0, s21;
	s20 =	ssub.s32 $0xF4240, s20;
	s21 =	ssub.s32 $0x80, s21  }
0x5c: {  	[tilespmem:s18+$0xC30 ss:$0x41] =	vst.msk $0xffff, v57;
	v59 =	vcombine.low v7, v6;
	v3 =	vperm.xlane.i2c.b16 v3;
	s27 =	smulhi.u32 $0x218DEF5, s19;
	p1 =	sgt.s32 s22, $0x7F;
	p2 =	sgt.s32 s23, $0x3F  }
0x5d: {  	[tilespmem:s18+$0xC31 ss:$0x41] =	vst.msk $0xffff, v58;
	v60 =	vcombine.high v7, v6;
	s20 =	simm.s32 @p1 $0x0;
	s21 =	simm.s32 @p2 $0x0  }
0x5e: {  	v2 =	vperm.xlane.i2c.b16 v2;
	[tilespmem:s18+$0x410 ss:$0x41] =	vst.msk $0xffff, v59;
	v61 =	vcombine.low v4, v3;
	s17 =	sshrl.u32 s27, $0xD;
	s20 =	smul.u32 s21, s20  }
0x5f: {  	v3 =	vcombine.high v4, v3;
	[tilespmem:s18+$0x411 ss:$0x41] =	vst.msk $0xffff, v60;
	s17 =	smul.u32 $0xF4240, s17  }
.Ltmp4:
0x60: {  	s28 =	sshrl.u32 s10, $0x3;
	s29 =	sand.u32 $0x7, s10;
	v62 =	vcombine.low v2, v1;
	[tilespmem:s18+$0x820 ss:$0x41] =	vst.msk $0xffff, v61;
	(pc) =	sbr.rel .LBB1_5-.Ltmp4, $4  }
0x61: {  	v63 =	vcombine.high v2, v1;
	[tilespmem:s18+$0x821 ss:$0x41] =	vst.msk $0xffff, v3;
	s21 =	sshll.u32 s29, $0x12;
	s17 =	ssub.s32 s19, s17;
	s19 =	sand.u32 $0x7, s28  }
0x62: {  	[tilespmem:s18+$0x0 ss:$0x41] =	vst.msk $0xffff, v62;
	s20 =	sshrl.u32 s20, $0x1;
	s17 =	sshll.u32 s17, $0x3;
	s19 =	sadd.s32 s5, s19  }
0x63: {  	[tilespmem:s18+$0x1 ss:$0x41] =	vst.msk $0xffff, v63;
	s31 =	sor.u32 $0x40, s21;
	s30 =	sand.u32 $0x3FFFFFFF, s20;
	s17 =	sadd.s32 s17, s19  }
0x64: {  	[hbm4b:s17+s31] =	stream.strided.scatter [tilespmem:s16], [sflag:$0x2], s30, s8, s31, $0x18;
	[tilespmem:$0x4080] =	vst v63  }
.LBB1_6:
0x65: {  	_ =	sfence.sel $0x180000  }
0x66: {  	s2 =	simm.s32 $0x1;
	[bflag:$0x0] =	sbarrier.arrive $0xFFFF  }
0x67: {  	s31 =	simm.s32 $0x2;
	[sflag:s2] =	ssyncpa.u1 $0x1  }
0x68: {  	[sflag:s31] =	ssyncpa.u1 $0x1  }
0x69: {  	p0 =	sne.s32 s1, $0x0;
	_ =	strace $0x90000047  }
0x6a: {  	s0 =	sadd.s32 @!p0 $0x100000, s0;
	[bflag:$0x2] =	sbarrier.arrive $0xFFFF  }
0x6b: {  	[sflag:s0] =	ssyncadd.tile.s32 @!p0 $0x1;
	_ =	shalt  }
.Lfunc_end1:
_tile_overlayer_lowered:
.L_overlay_start_2:
0x6c: {  	(tag) =	ssettag $0x2  }
0x6d: {  	s0 =	rddreg [dreg:$0x0];
	s2 =	stileid.u32  }
0x6e: {  	s1 =	rddreg [dreg:$0x1];
	p0 =	sne.s32 s2, $0x0  }
0x6f: {  	s3 =	rddreg [dreg:$0x2];
	[bflag:$0x3] =	sbarrier.arrive $0xFFFF;
	s2 =	simm.s32 @!p0 $0x1C01  }
0x70: {  	[timem:s3], [sflag:s2] =	dma.local @!p0 [hbm:s0], s1  }
0x71: {  	s0 =	simm.s32 @!p0 $0x1  }
0x72: {  	_ =	swait.ge @!p0 [sflag:s0], s1  }
0x73: {  	s1 =	ssub.s32 @!p0 $0x0, s1;
	[sflag:s0] =	ssyncset.done @!p0 $0x0  }
0x74: {  	[sflag:s0] =	ssyncadd.s32 @!p0 s1  }
0x75: {  	[bflag:$0x3] =	sbarrier.arrive $0xFFFF  }
0x76: {  	_ =	shalt  }

// kernel: sparse-core-data-format-call.cloned.1.call-start
scs
called_computation_lowered:
.L_overlay_start_0:
0x0: {  	s1 =	sld [smem:$0x3FD9]  }
0x1: {  	s2 =	sld [smem:$0x3FFE];
	_ =	sdelay $0x1  }
0x2: {  	s3 =	srdreg.scid  }
0x3: {  	s0 =	sand.u32 $0x1, s3  }
0x4: {  	s17 =	sshll.u32 s0, $0xA;
	s1 =	sadd.s32 s2, s1  }
0x5: {  	s1 =	sadd.s32 s1, s17  }
0x6: {  	[smem:$0x3FC4] =	sst s1  }
0x7: {  	_ = 	snop  }
0x8: {  	(tm) =	ssettm $0x1  }
0x9: {  	s18 =	sld [smem:$0x3FFB];
	_ =	sdelay $0x3  }
0xa: {  	_ =	strace s18  }
0xb: {  	s1 =	sld [smem:$0x3FFC];
	_ =	sdelay $0x3  }
0xc: {  	_ =	strace s1  }
0xd: {  	s1 =	sld [smem:$0x3FFD];
	_ =	sdelay $0x3  }
0xe: {  	_ =	strace s1  }
0xf: {  	_ =	strace $0x8FFFFFFF  }
0x10: {  	s19 =	sld [smem:$0x3FDB];
	_ =	sdelay $0x1  }
0x11: {  	s20 =	simm.s32 $_scs_section_size  }
0x12: {  	s4 =	simm.s32 $_size__tile_overlayer_lowered;
	s5 =	simm.s32 $_tile_overlayer_lowered  }
0x13: {  	s23 =	simm.s32 $0x1BFF;
	s22 =	sshll.u32 s5, $0x1;
	s1 =	sadd.s32 s20, s19  }
0x14: {  	s6 =	simm.s32 $0x0;
	s21 =	sshll.u32 s4, $0x1;
	s4 =	sadd.s32 s22, s1  }
0x15: {  	[timem:s6], [sflag:s23] =	dma.local [hbm:s4], s21  }
0x16: {  	_ =	swait.ge [sflag:s23], s21  }
0x17: {  	s2 =	ssub.s32 $0x0, s21;
	[sflag:s23] =	ssyncset.done $0x0  }
0x18: {  	[sflag:s23] =	ssyncadd.s32 s2;
	_ =	sdelay $0x1  }
0x19: {  	s24 =	simm.s32 $0x1B8B  }
0x1a: {  	_ =	swait.ge [sflag:s24], $0x1  }
0x1b: {  	[sflag:s24] =	ssyncset.done $0x0  }
0x1c: {  	s26 =	simm.s32 $0x1B8E;
	s25 =	sld [smem:$0x3FFE];
	[sflag:s24] =	ssyncadd.s32 $0xFFFFFFFF  }
0x1d: {  	s27 =	simm.s32 $execute0_lowered;
	[smem:$0x3FD2] =	sst s26  }
0x1e: {  	s4 =	sshll.u32 s27, $0x1;
	_ =	strace $0x80000049;
	[dreg:$0x1] =	wrdreg $0xFFFFFFFF  }
0x1f: {  	s28 =	simm.s32 $_size_execute0_lowered;
	s1 =	sadd.s32 s1, s4;
	[dreg:$0x0] =	wrdreg $0x0  }
0x20: {  	s4 =	sshll.u32 s28, $0x1;
	[dreg:$0x2] =	wrdreg s1  }
0x21: {  	[dreg:$0x3] =	wrdreg s4  }
0x22: {  	[dreg:$0x4] =	wrdreg $0xC0  }
0x23: {  	_ =	task [dreg:s6], $0x5FFFF  }
0x24: {  	[dreg:$0x1] =	wrdreg $0xFFFFFFFF  }
0x25: {  	[dreg:$0x0] =	wrdreg $0x60  }
0x26: {  	[dreg:$0x2] =	wrdreg s25  }
0x27: {  	[dreg:$0x3] =	wrdreg $0x9  }
0x28: {  	_ =	task.clear_ibuf [dreg:s6], $0x4FFFF;
	_ =	strace $0x90000049  }
0x29: {  	s29 =	simm.s32 $0x9;
	_ =	strace $0x8000004B  }
0x2a: {  	_ =	swait.ge [sflag:s29], $0x1  }
0x2b: {  	[sflag:s29] =	ssyncadd.s32 $0xFFFFFFFF  }
0x2c: {  	_ =	strace $0x9000004B  }
0x2d: {  	_ =	sfence  }
0x2e: {  	s30 =	sld [smem:$0x0];
	_ =	sdelay $0x2  }
0x2f: {  	s31 =	sshll.u32 s3, $0xD;
	s3 =	sshrl.u32 s3, $0x2  }
0x30: {  	s2 =	sand.u32 $0x4000, s31;
	s1 =	sadd.s32 s3, s30  }
0x31: {  	s0 =	sor.u32 s2, s0;
	s1 =	sshll.u32 s1, $0x11  }
0x32: {  	s0 =	sor.u32 s1, s0  }
0x33: {  	s0 =	sadd.s32 $0x8F2B, s0  }
0x34: {  	[sflag:s0] =	ssyncadd.remote.s32 $0x1  }
0x35: {  	_ =	sfence.sel $0xFFFF  }
0x36: {  	[dreg:$0x0] =	wrdreg $0xFFFFFFFF;
	(pc) =	sbr.abs _section_cstart, $3  }
0x37: {  	[dreg:$0x1] =	wrdreg $0xFFFFFFFF  }
0x38: {  	_ =	task.clear_ibuf [dreg:s6], $0x2FFFF;
	_ =	strace $0x9FFFFFFF  }
0x39: {  	(tm) =	ssettm $0x7FFFFFFF  }
tec
execute0_lowered:
.L_overlay_start_1:
0x0: {  	(tag) =	ssettag $0x1  }
0x1: {  	s0 =	srdreg.scid  }
0x2: {  	s5 =	rddreg [dreg:$0x0];
	s1 =	stileid.u32;
	s4 =	simm.s32 $0x1  }
0x3: {  	s6 =	simm.s32 $0x2;
	s8 =	simm.s32 $0x0;
	s2 =	sshll.u32 s0, $0x4  }
0x4: {  	s9 =	simm.s32 $0x0;
	s13 =	simm.s32 $0x0;
	s2 =	sand.u32 $0x10, s2  }
.Ltmp0:
0x5: {  	s10 =	simm.s32 $0x0;
	s3 =	sor.u32 s1, s2;
	(pc) =	sbr.rel .LBB1_1-.Ltmp0, $4  }
0x6: {  	s0 =	rddreg [dreg:$0x1];
	_ =	strace $0x8000004A;
	s3 =	sshll.u32 s3, $0x4  }
0x7: {  	s12 =	simm.s32 $0x0;
	[sflag:s4] =	ssyncpa.u1 $0x0;
	s7 =	ssub.s32 $0x7A10, s3  }
0x8: {  	s2 =	sadd.s32 $0x3D1E00, s5;
	[sflag:s6] =	ssyncpa.u1 $0x0;
	s6 =	sshrl.u32 s7, $0x9  }
0x9: {  	s5 =	sadd.s32 $0x1400, s5;
	s11 =	smov.u32 s3;
	s7 =	sor.u32 $0x2, s6  }
.LBB1_7:
0xa: {  	s15 =	sshll.u32 s12, $0xF  }
0xb: {  	s15 =	sand.u32 $0x8000, s15  }
0xc: {  	s16 =	sshll.u32 s10, $0x7;
	s15 =	sshrl.u32 s15, $0x1  }
0xd: {  	s16 =	sadd.s32 s5, s16;
	s15 =	sor.u32 $0x8000, s15  }
0xe: {  	[hbm4b:s16+s8] =	stream.linear.scatter [tilespmem:s15], [sflag:$0x2], s14, $0x38;
	[tilespmem:$0x10000] =	vst v63  }
.LBB1_8:
0xf: {  	p0 =	slt.u32 s12, $0x2  }
0x10: {  	p1 =	sgt.s32 @!p0 s13, $0x7A02  }
0x11: {  	s14 =	smov.u32 s13;
	s15 =	sshra.s32 @!p0 s13, $0x1F;
	p1 =	por !p1, p0  }
0x12: {  	s13 =	sand.u32 @!p0 s15, s13;
	s14 =	simm.s32 @p1 $0x7A02  }
0x13: {  	s13 =	ssub.s32 @!p0 s14, s13  }
0x14: {  	s13 =	sadd.s32 @!p0 $0xFFFF85FE, s13  }
0x15: {  	s14 =	sshll.u32 @!p0 s13, $0xC  }
0x16: {  	p1 =	sgt.s32 @!p0 s13, $0xF;
	s13 =	ssub.s32 @!p0 $0x10000, s14  }
0x17: {  	s15 =	sadd.s32 $0x200, s11;
	p1 =	por !p1, p0;
	s13 =	sshrl.u32 @!p0 s13, $0x2  }
0x18: {  	s13 =	simm.s32 @!p1 $0x0;
	p1 =	sgt.s32 s15, $0x7A11  }
0x19: {  	s15 =	smov.u32 @p1 s3;
	p1 =	sne.s32 s12, s7  }
.Ltmp1:
0x1a: {  	_ = 	snop;
	(pc) =	sbr.rel @!p1 .LBB1_9-.Ltmp1, $4  }
0x1b: {  	s14 =	simm.s32 @!p0 $0x2  }
0x1c: {  	s9 =	sadd.s32 $0x8000, s9;
	_ =	swait.ge @!p0 [sflag:s14], s13;
	s16 =	ssub.s32 @!p0 $0x0, s13  }
0x1d: {  	s13 =	smov.u32 s10;
	s12 =	sadd.s32 $0x1, s12;
	[sflag:s14] =	ssyncset.done @!p0 $0x0  }
0x1e: {  	s10 =	smov.u32 s11;
	s11 =	smov.u32 s15;
	[sflag:s14] =	ssyncadd.s32 @!p0 s16  }
.LBB1_1:
0x1f: {  	p0 =	sgt.u32 s12, s6  }
0x20: {  	p1 =	sgt.s32 @!p0 s11, $0x7A02  }
0x21: {  	s14 =	smov.u32 s11;
	s15 =	sshra.s32 @!p0 s11, $0x1F;
	p1 =	por !p1, p0  }
0x22: {  	s15 =	sand.u32 @!p0 s15, s11;
	s14 =	simm.s32 @p1 $0x7A02  }
0x23: {  	s14 =	ssub.s32 @!p0 s14, s15  }
0x24: {  	s14 =	sadd.s32 @!p0 $0xFFFF85FE, s14  }
0x25: {  	s16 =	sshll.u32 @!p0 s11, $0x7;
	s17 =	simm.s32 @!p0 $0x0;
	s15 =	sshll.u32 @!p0 s14, $0xC  }
0x26: {  	p1 =	sgt.s32 @!p0 s14, $0xF;
	s14 =	ssub.s32 @!p0 $0x10000, s15;
	s15 =	sxor.u32 @!p0 $0xFFFFFFFF, s12  }
0x27: {  	p1 =	por !p1, p0;
	s14 =	sshrl.u32 @!p0 s14, $0x2;
	s15 =	sshll.u32 @!p0 s15, $0xE  }
0x28: {  	s16 =	sadd.s32 @!p0 s2, s16;
	s14 =	simm.s32 @!p1 $0x0;
	s15 =	sand.u32 @!p0 $0x4000, s15  }
0x29: {  	[tilespmem:s15], [sflag:$0x1] =	stream.linear.gather @!p0 [hbm4b:s16+s17], s14, $0x38;
	[tilespmem:$0x10000] =	vst v63  }
0x2a: {  	p0 =	seq.s32 s12, $0x0  }
0x2b: {  	p1 =	sge.u32 @!p0 s12, s7  }
0x2c: {  	p0 =	por p0, p1  }
.Ltmp2:
0x2d: {  	_ = 	snop;
	(pc) =	sbr.rel @p0 .LBB1_8-.Ltmp2, $1  }
0x2e: {  	_ =	sdelay $0x3  }
0x2f: {  	p0 =	sgt.s32 s10, $0x7A02;
	s14 =	smov.u32 s10;
	s15 =	sshra.s32 s10, $0x1F  }
0x30: {  	s14 =	simm.s32 @!p0 $0x7A02;
	s15 =	sand.u32 s15, s10  }
0x31: {  	s14 =	ssub.s32 s14, s15  }
0x32: {  	s16 =	sadd.s32 $0x10, s10;
	s14 =	sadd.s32 $0xFFFF85FE, s14  }
0x33: {  	p1 =	slt.s32 s16, $0x7A12;
	s30 =	sshll.u32 s14, $0xC  }
0x34: {  	s16 =	simm.s32 @!p1 $0x7A12;
	s15 =	ssub.s32 $0x10000, s30  }
0x35: {  	p0 =	sgt.s32 s14, $0xF;
	s14 =	sshrl.u32 s15, $0x2;
	s15 =	ssub.s32 s16, s10  }
0x36: {  	s14 =	simm.s32 @p0 $0x0;
	p0 =	slt.s32 s15, $0x1  }
.Ltmp3:
0x37: {  	_ = 	snop;
	(pc) =	sbr.rel @p0 .LBB1_7-.Ltmp3, $4  }
0x38: {  	_ = 	snop  }
0x39: {  	_ =	swait.ge [sflag:s4], s14  }
0x3a: {  	s31 =	ssub.s32 $0x0, s14;
	[sflag:s4] =	ssyncset.done $0x0  }
0x3b: {  	[sflag:s4] =	ssyncadd.s32 s31  }
0x3c: {  	s16 =	sshrl.u32 s9, $0x1  }
0x3d: {  	s17 =	sand.u32 $0x4000, s16  }
0x3e: {  	s18 =	simm.s32 $0x0;
	s16 =	sor.u32 $0x200, s17;
	s17 =	sor.u32 $0x8080, s17  }
.LBB1_4:
0x3f: {  	v0 =	vld [tilespmem:s16+$0xFFFFFE70]  }
0x40: {  	v1 =	vld [tilespmem:s16+$0x70]  }
0x41: {  	v2 =	vld [tilespmem:s16+$0x0]  }
0x42: {  	v3 =	vld [tilespmem:s16+$0xFFFFFE10]  }
0x43: {  	v4 =	vld [tilespmem:s16+$0x10]  }
0x44: {  	v5 =	vld [tilespmem:s16+$0xFFFFFE20]  }
0x45: {  	v7 =	vld [tilespmem:s16+$0x20]  }
0x46: {  	v11 =	vld [tilespmem:s16+$0x30];
	v6 =	vunpack.i.l.s16.s32 v0;
	v8 =	vunpack.i.u.s16.s32 v0;
	v9 =	vunpack.i.u.s16.s32 v1  }
0x47: {  	v10 =	vunpack.i.l.s16.s32 v1;
	v0 =	vunpack.i.u.s16.s32 v2;
	v1 =	vunpack.i.l.s16.s32 v2;
	v2 =	vld [tilespmem:s16+$0xFFFFFE30]  }
0x48: {  	v8 =	vpack.i.b32.b16 v9, v8;
	v9 =	vunpack.i.u.s16.s32 v3;
	v3 =	vunpack.i.l.s16.s32 v3  }
0x49: {  	v12 =	vld [tilespmem:s16+$0xFFFFFE40];
	v6 =	vpack.i.b32.b16 v10, v6;
	[tilespmem:s17+$0x70] =	vst v8;
	v8 =	vunpack.i.u.s16.s32 v4;
	v4 =	vunpack.i.l.s16.s32 v4  }
0x4a: {  	v13 =	vld [tilespmem:s16+$0x40];
	v10 =	vunpack.i.u.s16.s32 v5;
	v5 =	vunpack.i.l.s16.s32 v5;
	[tilespmem:s17+$0xFFFFFFF0] =	vst v6;
	v3 =	vpack.i.b32.b16 v4, v3  }
0x4b: {  	v6 =	vunpack.i.l.s16.s32 v7;
	v4 =	vld [tilespmem:s16+$0xFFFFFE50];
	[tilespmem:s17+$0xFFFFFF90] =	vst v3;
	v3 =	vpack.i.b32.b16 v8, v9;
	v8 =	vunpack.i.u.s16.s32 v7  }
0x4c: {  	v7 =	vunpack.i.l.s16.s32 v11;
	[tilespmem:s17+$0x10] =	vst v3;
	v3 =	vpack.i.b32.b16 v6, v5;
	v9 =	vunpack.i.u.s16.s32 v2;
	v6 =	vld [tilespmem:s16+$0x50]  }
0x4d: {  	v5 =	vunpack.i.l.s16.s32 v2;
	v2 =	vld [tilespmem:s16+$0xFFFFFE60];
	[tilespmem:s17+$0xFFFFFFA0] =	vst v3;
	v3 =	vpack.i.b32.b16 v8, v10;
	v10 =	vunpack.i.u.s16.s32 v11  }
0x4e: {  	s21 =	simm.s32 $0x0;
	v11 =	vpack.i.b32.b16 v7, v5;
	v7 =	vunpack.i.u.s16.s32 v12;
	v8 =	vunpack.i.l.s16.s32 v12;
	[tilespmem:s17+$0x20] =	vst v3;
	v3 =	vld [tilespmem:s16+$0x60]  }
0x4f: {  	s22 =	sadd.s32 $0x80, s16;
	s20 =	smov.u32 s17;
	s19 =	smov.u32 s17;
	v5 =	vld [tilespmem:s16+$0xFFFFFE00];
	[tilespmem:s17+$0xFFFFFFB0] =	vst v11;
	v10 =	vpack.i.b32.b16 v10, v9;
	v9 =	vunpack.i.u.s16.s32 v13;
	v11 =	vunpack.i.l.s16.s32 v13  }
.LBB1_5:
0x50: {  	v12 =	vld [tilespmem:s22+$0xFFFFFE70];
	[tilespmem:s20+$0x30] =	vst v10;
	v8 =	vpack.i.b32.b16 v11, v8;
	v10 =	vunpack.i.u.s16.s32 v4;
	v4 =	vunpack.i.l.s16.s32 v4  }
0x51: {  	s21 =	sadd.s32 $0x2, s21;
	v7 =	vpack.i.b32.b16 v9, v7;
	v11 =	vld [tilespmem:s22+$0x70];
	[tilespmem:s20+$0xFFFFFFC0] =	vst v8;
	v8 =	vunpack.i.u.s16.s32 v6;
	v6 =	vunpack.i.l.s16.s32 v6  }
0x52: {  	p0 =	slt.u32 s21, $0x6;
	v9 =	vld [tilespmem:s22+$0x0];
	[tilespmem:s20+$0x40] =	vst v7;
	v4 =	vpack.i.b32.b16 v6, v4;
	v6 =	vunpack.i.u.s16.s32 v2;
	v2 =	vunpack.i.l.s16.s32 v2  }
0x53: {  	v7 =	vld [tilespmem:s22+$0xFFFFFE10];
	[tilespmem:s20+$0xFFFFFFD0] =	vst v4;
	v4 =	vpack.i.b32.b16 v8, v10;
	v8 =	vunpack.i.u.s16.s32 v3;
	v3 =	vunpack.i.l.s16.s32 v3  }
0x54: {  	v10 =	vld [tilespmem:s22+$0x10];
	v13 =	vunpack.i.u.s16.s32 v5;
	v5 =	vunpack.i.l.s16.s32 v5;
	[tilespmem:s20+$0x50] =	vst v4;
	v2 =	vpack.i.b32.b16 v3, v2  }
0x55: {  	v3 =	vld [tilespmem:s22+$0xFFFFFE20];
	v4 =	vunpack.i.l.s16.s32 v12;
	v1 =	vpack.i.b32.b16 v1, v5;
	v5 =	vpack.i.b32.b16 v0, v13;
	[tilespmem:s20+$0xFFFFFFE0] =	vst v2  }
0x56: {  	v12 =	vunpack.i.u.s16.s32 v12;
	v2 =	vld [tilespmem:s22+$0x20];
	v13 =	vunpack.i.u.s16.s32 v11;
	v11 =	vunpack.i.l.s16.s32 v11;
	[tilespmem:s20+$0xFFFFFF80] =	vst v1  }
0x57: {  	s20 =	sadd.s32 $0x100, s20;
	v0 =	vunpack.i.u.s16.s32 v9;
	v1 =	vunpack.i.l.s16.s32 v9;
	v9 =	vld [tilespmem:s22+$0xFFFFFE30];
	v12 =	vpack.i.b32.b16 v13, v12;
	[tilespmem:s19+$0x0] =	vst v5  }
0x58: {  	v6 =	vpack.i.b32.b16 v8, v6;
	v5 =	vunpack.i.u.s16.s32 v7;
	v7 =	vunpack.i.l.s16.s32 v7;
	v13 =	vld [tilespmem:s22+$0x30];
	[tilespmem:s20+$0x70] =	vst v12  }
0x59: {  	v4 =	vpack.i.b32.b16 v11, v4;
	v8 =	vunpack.i.u.s16.s32 v10;
	v10 =	vunpack.i.l.s16.s32 v10;
	v12 =	vld [tilespmem:s22+$0xFFFFFE40];
	[tilespmem:s19+$0x60] =	vst v6;
	s19 =	smov.u32 s20  }
0x5a: {  	v6 =	vpack.i.b32.b16 v10, v7;
	v7 =	vunpack.i.u.s16.s32 v3;
	v3 =	vunpack.i.l.s16.s32 v3;
	v11 =	vld [tilespmem:s22+$0x40];
	[tilespmem:s20+$0xFFFFFFF0] =	vst v4  }
.Ltmp4:
0x5b: {  	v5 =	vpack.i.b32.b16 v8, v5;
	[tilespmem:s20+$0xFFFFFF90] =	vst v6;
	v8 =	vunpack.i.u.s16.s32 v2;
	v2 =	vunpack.i.l.s16.s32 v2;
	v4 =	vld [tilespmem:s22+$0xFFFFFE50];
	(pc) =	sbr.rel @p0 .LBB1_5-.Ltmp4, $4  }
0x5c: {  	[tilespmem:s20+$0x10] =	vst v5;
	v2 =	vpack.i.b32.b16 v2, v3;
	v10 =	vunpack.i.u.s16.s32 v9;
	v3 =	vunpack.i.l.s16.s32 v9;
	v6 =	vld [tilespmem:s22+$0x50]  }
0x5d: {  	v5 =	vpack.i.b32.b16 v8, v7;
	[tilespmem:s20+$0xFFFFFFA0] =	vst v2;
	v9 =	vunpack.i.u.s16.s32 v13;
	v7 =	vunpack.i.l.s16.s32 v13;
	v2 =	vld [tilespmem:s22+$0xFFFFFE60]  }
0x5e: {  	[tilespmem:s20+$0x20] =	vst v5;
	v13 =	vpack.i.b32.b16 v7, v3;
	v7 =	vunpack.i.u.s16.s32 v12;
	v8 =	vunpack.i.l.s16.s32 v12;
	v3 =	vld [tilespmem:s22+$0x60]  }
0x5f: {  	v10 =	vpack.i.b32.b16 v9, v10;
	v5 =	vld [tilespmem:s22+$0xFFFFFE00];
	[tilespmem:s20+$0xFFFFFFB0] =	vst v13;
	v9 =	vunpack.i.u.s16.s32 v11;
	v11 =	vunpack.i.l.s16.s32 v11;
	s22 =	sadd.s32 $0x80, s22  }
0x60: {  	[tilespmem:s20+$0x30] =	vst v10;
	v8 =	vpack.i.b32.b16 v11, v8  }
0x61: {  	v51 =	vunpack.i.l.s16.s32 v4;
	v7 =	vpack.i.b32.b16 v9, v7;
	[tilespmem:s20+$0xFFFFFFC0] =	vst v8;
	v52 =	vunpack.i.l.s16.s32 v6  }
0x62: {  	v53 =	vunpack.i.u.s16.s32 v4;
	s18 =	sadd.s32 $0x1, s18;
	v54 =	vunpack.i.u.s16.s32 v6;
	[tilespmem:s20+$0x40] =	vst v7;
	v55 =	vpack.i.b32.b16 v52, v51  }
0x63: {  	p0 =	sne.s32 s18, s15;
	v56 =	vunpack.i.l.s16.s32 v2;
	v4 =	vpack.i.b32.b16 v54, v53;
	[tilespmem:s20+$0xFFFFFFD0] =	vst v55;
	v57 =	vunpack.i.l.s16.s32 v3  }
.Ltmp5:
0x64: {  	[tilespmem:s20+$0x50] =	vst v4;
	v58 =	vunpack.i.l.s16.s32 v5;
	v59 =	vpack.i.b32.b16 v57, v56;
	(pc) =	sbr.rel @p0 .LBB1_4-.Ltmp5, $4  }
.Ltmp6:
0x65: {  	v61 =	vunpack.i.u.s16.s32 v2;
	v62 =	vunpack.i.u.s16.s32 v3;
	v1 =	vpack.i.b32.b16 v1, v58;
	[tilespmem:s20+$0xFFFFFFE0] =	vst v59;
	(pc) =	sbr.rel @!p0 .LBB1_7-.Ltmp6, $4  }
0x66: {  	v60 =	vunpack.i.u.s16.s32 v5;
	v63 =	vpack.i.b32.b16 v62, v61;
	[tilespmem:s20+$0xFFFFFF80] =	vst v1  }
0x67: {  	v0 =	vpack.i.b32.b16 v0, v60;
	[tilespmem:s19+$0x60] =	vst v63  }
0x68: {  	s16 =	sadd.s32 $0x400, s16;
	s17 =	sadd.s32 $0x400, s17;
	[tilespmem:s19+$0x0] =	vst v0  }
0x69: {  	_ = 	snop  }
.LBB1_9:
0x6a: {  	_ =	sfence.sel $0x180000  }
0x6b: {  	s2 =	simm.s32 $0x1;
	[bflag:$0x0] =	sbarrier.arrive $0xFFFF  }
0x6c: {  	s31 =	simm.s32 $0x2;
	[sflag:s2] =	ssyncpa.u1 $0x1  }
0x6d: {  	[sflag:s31] =	ssyncpa.u1 $0x1  }
0x6e: {  	p0 =	sne.s32 s1, $0x0;
	_ =	strace $0x9000004A  }
0x6f: {  	s0 =	sadd.s32 @!p0 $0x100000, s0;
	[bflag:$0x2] =	sbarrier.arrive $0xFFFF  }
0x70: {  	[sflag:s0] =	ssyncadd.tile.s32 @!p0 $0x1;
	_ =	shalt  }
.Lfunc_end1:
_tile_overlayer_lowered:
.L_overlay_start_2:
0x71: {  	(tag) =	ssettag $0x2  }
0x72: {  	s0 =	rddreg [dreg:$0x0];
	s2 =	stileid.u32  }
0x73: {  	s1 =	rddreg [dreg:$0x1];
	p0 =	sne.s32 s2, $0x0  }
0x74: {  	s3 =	rddreg [dreg:$0x2];
	[bflag:$0x3] =	sbarrier.arrive $0xFFFF;
	s2 =	simm.s32 @!p0 $0x1C01  }
0x75: {  	[timem:s3], [sflag:s2] =	dma.local @!p0 [hbm:s0], s1  }
0x76: {  	s0 =	simm.s32 @!p0 $0x1  }
0x77: {  	_ =	swait.ge @!p0 [sflag:s0], s1  }
0x78: {  	s1 =	ssub.s32 @!p0 $0x0, s1;
	[sflag:s0] =	ssyncset.done @!p0 $0x0  }
0x79: {  	[sflag:s0] =	ssyncadd.s32 @!p0 s1  }
0x7a: {  	[bflag:$0x3] =	sbarrier.arrive $0xFFFF  }
0x7b: {  	_ =	shalt  }

</sc_bundles>
